<compile_context>
chip_gen: v7x
topology: tpu7x:2x2x1
jax: 0.10.2.dev20260603
libtpu: 0.0.44.dev20260713+nightly
codegen_flags: <defaults>
</compile_context>

<pallas_src>
import functools

import jax
import jax.numpy as jnp
from jax import lax
from jax.experimental import pallas as pl
from jax.experimental.pallas import tpu as pltpu
from jax.experimental.pallas import tpu_sc as plsc

U = 50000
I = 50000
E = 64
B = 1024
NNZ = 800000

NW = 32
EPW = 25600
NNZ_P = NW * EPW
CHUNK = 3200
NCHUNK = EPW // CHUNK
NGRP = CHUNK // 16
SB = 128
CAP = 2 * CHUNK + 4 * SB
THRESH = CAP - CHUNK - SB

TILE = 1024
NT = (I + TILE - 1) // TILE
FT = 2048
FNT = 25
FI = FNT * FT
NEG = -1e30


def _sc_body(user_h, rows_h, cols_h, vals_h, wqt_h, minus1_h, zeros_h,
             hpart_h,
             userv, marks, rows_v, cols_v, vals_v,
             colbuf, valbuf, posbuf, posb, gbuf, h_sh, sem):
    c = lax.axis_index("c")
    s = lax.axis_index("s")
    wid = s * 2 + c

    pltpu.sync_copy(user_h, userv)
    pltpu.sync_copy(minus1_h, marks)
    iota16 = lax.iota(jnp.int32, 16)

    def mark_grp(g, _):
        u16 = userv[pl.ds(g * 16, 16)]
        plsc.store_scatter(marks, [u16], iota16 + g * 16)
        return 0

    lax.fori_loop(0, B // 16, mark_grp, 0)

    zero16i = jnp.zeros((16,), jnp.int32)

    def zbuf(k, _):
        colbuf[pl.ds(k * 16, 16)] = zero16i
        posbuf[pl.ds(k * 16, 16)] = zero16i
        return 0

    lax.fori_loop(0, CAP // 16, zbuf, 0)

    @pl.when(s == 0)
    def _():
        pltpu.sync_copy(zeros_h, h_sh)

    plsc.subcore_barrier()

    zero16f = jnp.zeros((16,), jnp.float32)

    def drain(mcnt):
        for q in range(SB // 16):
            valbuf[pl.ds(mcnt + q * 16, 16)] = zero16f

        def subbatch(sb, _):
            off = sb * SB
            for q in range(SB // 16):
                posb[pl.ds(q * 16, 16)] = posbuf[pl.ds(off + q * 16, 16)]
            QR = SB // 4
            cps = [pltpu.async_copy(
                       wqt_h.at[colbuf.at[pl.ds(off + q * QR, QR)]],
                       gbuf.at[pl.ds(q * QR, QR)], sem)
                   for q in range(4)]
            for cp in cps:
                cp.wait()

            def scale_row(j, _):
                v = valbuf[pl.ds(off + j, 16)][0]
                for q in range(8):
                    gbuf[j, pl.ds(q * 16, 16)] = gbuf[j, pl.ds(q * 16, 16)] * v
                return 0

            lax.fori_loop(0, SB, scale_row, 0)
            pltpu.sync_copy(gbuf, h_sh.at[posb], add=True)
            return 0

        lax.fori_loop(0, (mcnt + SB - 1) // SB, subbatch, 0)

    def do_chunk(ch, mcnt):
        base = wid * EPW + ch * CHUNK
        c1 = pltpu.async_copy(rows_h.at[pl.ds(base, CHUNK)], rows_v, sem)
        c2 = pltpu.async_copy(cols_h.at[pl.ds(base, CHUNK)], cols_v, sem)
        c3 = pltpu.async_copy(vals_h.at[pl.ds(base, CHUNK)], vals_v, sem)
        c1.wait()
        c2.wait()
        c3.wait()

        def grp(g, m):
            off = g * 16
            r16 = rows_v[pl.ds(off, 16)]
            p16 = plsc.load_gather(marks, [r16])
            msk = p16 >= 0
            nm = jnp.sum(jnp.where(msk, 1, 0).astype(jnp.int32))
            plsc.store_compressed(colbuf.at[pl.ds(m, 16)],
                                  cols_v[pl.ds(off, 16)], mask=msk)
            plsc.store_compressed(valbuf.at[pl.ds(m, 16)],
                                  vals_v[pl.ds(off, 16)], mask=msk)
            plsc.store_compressed(posbuf.at[pl.ds(m, 16)], p16, mask=msk)
            return m + nm

        mcnt = lax.fori_loop(0, NGRP, grp, mcnt, unroll=4)

        full = mcnt > THRESH

        @pl.when(full)
        def _():
            drain(mcnt)

        return jnp.where(full, 0, mcnt)

    mcnt = lax.fori_loop(0, NCHUNK, do_chunk, jnp.int32(0))
    drain(mcnt)

    plsc.subcore_barrier()

    @pl.when(s == 0)
    def _():
        pltpu.sync_copy(h_sh, hpart_h.at[c])


def _sc_gather(user, rows_p, cols_p, vals_p, wqt, minus1, zeros_h):
    mesh = plsc.VectorSubcoreMesh(core_axis_name="c", subcore_axis_name="s",
                                  num_cores=2, num_subcores=16)
    f32 = jnp.float32
    i32 = jnp.int32
    fn = pl.kernel(
        _sc_body,
        out_type=jax.ShapeDtypeStruct((2, B, 2 * E), f32),
        mesh=mesh,
        scratch_types=(
            pltpu.VMEM((B,), i32),
            pltpu.VMEM((U,), i32),
            pltpu.VMEM((CHUNK,), i32),
            pltpu.VMEM((CHUNK,), i32),
            pltpu.VMEM((CHUNK,), f32),
            pltpu.VMEM((CAP,), i32),
            pltpu.VMEM((CAP,), f32),
            pltpu.VMEM((CAP,), i32),
            pltpu.VMEM((SB,), i32),
            pltpu.VMEM((SB, 2 * E), f32),
            pltpu.VMEM_SHARED((B, 2 * E), f32),
            pltpu.SemaphoreType.DMA,
        ),
        compiler_params=pltpu.CompilerParams(needs_layout_passes=False),
    )
    return fn(user, rows_p, cols_p, vals_p, wqt, minus1, zeros_h)


def _trans_body(wq_ref, wp_ref, bp_ref, wqt_ref, wpt_ref, bpp_ref):
    i = pl.program_id(0)
    lim = I - i * FT
    wqt_ref[...] = wq_ref[...].T
    rowm = lax.broadcasted_iota(jnp.int32, (FT, 1), 0) < lim
    wpt_ref[...] = jnp.where(rowm, wp_ref[...], 0.0).T
    colm = lax.broadcasted_iota(jnp.int32, (1, FT), 1) < lim
    bpp_ref[...] = jnp.where(colm, bp_ref[...], NEG)


def _trans(Wq, Wp, bp2):
    f32 = jnp.float32
    return pl.pallas_call(
        _trans_body,
        grid=(FNT,),
        in_specs=[
            pl.BlockSpec((2 * E, FT), lambda i: (0, i)),
            pl.BlockSpec((FT, E), lambda i: (i, 0)),
            pl.BlockSpec((1, FT), lambda i: (0, i)),
        ],
        out_specs=[
            pl.BlockSpec((FT, 2 * E), lambda i: (i, 0)),
            pl.BlockSpec((E, FT), lambda i: (0, i)),
            pl.BlockSpec((1, FT), lambda i: (0, i)),
        ],
        out_shape=[
            jax.ShapeDtypeStruct((FI, 2 * E), f32),
            jax.ShapeDtypeStruct((E, FI), f32),
            jax.ShapeDtypeStruct((1, FI), f32),
        ],
        compiler_params=pltpu.CompilerParams(
            dimension_semantics=("arbitrary",)),
    )(Wq, Wp, bp2)


def _xstats_body(x_ref, wp_ref, bp_ref, eps_ref, userc_ref,
                 xwp_ref, sx_ref, xbp_ref, epsu_ref):
    i = pl.program_id(0)
    lim = I - i * TILE
    colm = lax.broadcasted_iota(jnp.int32, (1, TILE), 1) < lim
    rowm = lax.broadcasted_iota(jnp.int32, (TILE, 1), 0) < lim
    xm = jnp.where(colm, x_ref[...], 0.0)
    wpm = jnp.where(rowm, wp_ref[...], 0.0)
    bpm = jnp.where(colm, bp_ref[...], 0.0)
    epsm = jnp.where(rowm, eps_ref[...], 0.0)
    part = jnp.dot(xm, wpm, preferred_element_type=jnp.float32)
    sxp = jnp.sum(xm, axis=1, keepdims=True)
    xbpp = jnp.sum(xm * bpm, axis=1, keepdims=True)
    rowids = lax.broadcasted_iota(jnp.int32, (1, TILE), 1) + i * TILE
    oh = (userc_ref[...] == rowids).astype(jnp.float32)
    epart = jnp.dot(oh, epsm, preferred_element_type=jnp.float32)

    @pl.when(i == 0)
    def _():
        xwp_ref[...] = part
        sx_ref[...] = sxp
        xbp_ref[...] = xbpp
        epsu_ref[...] = epart

    @pl.when(i > 0)
    def _():
        xwp_ref[...] += part
        sx_ref[...] += sxp
        xbp_ref[...] += xbpp
        epsu_ref[...] += epart


def _xstats(x, Wp, bp2, eps, userc):
    f32 = jnp.float32
    return pl.pallas_call(
        _xstats_body,
        grid=(NT,),
        in_specs=[
            pl.BlockSpec((B, TILE), lambda i: (0, i)),
            pl.BlockSpec((TILE, E), lambda i: (i, 0)),
            pl.BlockSpec((1, TILE), lambda i: (0, i)),
            pl.BlockSpec((TILE, E), lambda i: (i, 0)),
            pl.BlockSpec((B, 1), lambda i: (0, 0)),
        ],
        out_specs=[
            pl.BlockSpec((B, E), lambda i: (0, 0)),
            pl.BlockSpec((B, 1), lambda i: (0, 0)),
            pl.BlockSpec((B, 1), lambda i: (0, 0)),
            pl.BlockSpec((B, E), lambda i: (0, 0)),
        ],
        out_shape=[
            jax.ShapeDtypeStruct((B, E), f32),
            jax.ShapeDtypeStruct((B, 1), f32),
            jax.ShapeDtypeStruct((B, 1), f32),
            jax.ShapeDtypeStruct((B, E), f32),
        ],
        compiler_params=pltpu.CompilerParams(
            dimension_semantics=("arbitrary",)),
    )(x, Wp, bp2, eps, userc)


def _finish_body(hpart_ref, userc_ref, userr_ref, epsu_ref, xwp_ref, sx_ref,
                 xbp_ref, bq_ref, wpt_ref, bp_ref, out_ref,
                 z_scr, m_scr, s_scr, s1_scr, kl_scr):
    i = pl.program_id(0)

    @pl.when(i == 0)
    def _():
        hsum = hpart_ref[0] + hpart_ref[1]
        oh = (userc_ref[...] == userr_ref[...]).astype(jnp.float32)
        h_u = (jnp.dot(oh, hsum, preferred_element_type=jnp.float32)
               + bq_ref[...])
        mu = h_u[:, :E]
        lv = h_u[:, E:]
        z = epsu_ref[...] * jnp.exp(0.5 * lv) + mu
        z_scr[...] = z
        kl_scr[0, 0] = (-0.5 / B) * jnp.sum(1.0 + lv - mu * mu - jnp.exp(lv))
        s1_scr[...] = (jnp.sum(xwp_ref[...] * z, axis=1, keepdims=True)
                       + xbp_ref[...])
        m_scr[...] = jnp.full((B, 1), -3e38, jnp.float32)
        s_scr[...] = jnp.zeros((B, 1), jnp.float32)

    recon = (jnp.dot(z_scr[...], wpt_ref[...],
                     preferred_element_type=jnp.float32) + bp_ref[...])
    m_old = m_scr[...]
    m_new = jnp.maximum(m_old, jnp.max(recon, axis=1, keepdims=True))
    s_scr[...] = (s_scr[...] * jnp.exp(m_old - m_new)
                  + jnp.sum(jnp.exp(recon - m_new), axis=1, keepdims=True))
    m_scr[...] = m_new

    @pl.when(i == FNT - 1)
    def _():
        lse = m_scr[...] + jnp.log(s_scr[...])
        rl = (-1.0 / B) * jnp.sum(s1_scr[...] - sx_ref[...] * lse)
        out_ref[0, 0] = rl
        out_ref[0, 1] = kl_scr[0, 0]


def _finish(hpart, userc, userr, epsu, xwp, sx, xbp, bq2, WpT, bp2):
    f32 = jnp.float32
    return pl.pallas_call(
        _finish_body,
        grid=(FNT,),
        in_specs=[
            pl.BlockSpec((2, B, 2 * E), lambda i: (0, 0, 0)),
            pl.BlockSpec((B, 1), lambda i: (0, 0)),
            pl.BlockSpec((1, B), lambda i: (0, 0)),
            pl.BlockSpec((B, E), lambda i: (0, 0)),
            pl.BlockSpec((B, E), lambda i: (0, 0)),
            pl.BlockSpec((B, 1), lambda i: (0, 0)),
            pl.BlockSpec((B, 1), lambda i: (0, 0)),
            pl.BlockSpec((1, 2 * E), lambda i: (0, 0)),
            pl.BlockSpec((E, FT), lambda i: (0, i)),
            pl.BlockSpec((1, FT), lambda i: (0, i)),
        ],
        out_specs=pl.BlockSpec(memory_space=pltpu.SMEM),
        out_shape=jax.ShapeDtypeStruct((1, 2), f32),
        scratch_shapes=[
            pltpu.VMEM((B, E), f32),
            pltpu.VMEM((B, 1), f32),
            pltpu.VMEM((B, 1), f32),
            pltpu.VMEM((B, 1), f32),
            pltpu.SMEM((1, 1), f32),
        ],
        compiler_params=pltpu.CompilerParams(
            dimension_semantics=("arbitrary",)),
    )(hpart, userc, userr, epsu, xwp, sx, xbp, bq2, WpT, bp2)


def kernel(user, x, graph_rows, graph_cols, graph_vals, Wq, bq, Wp, bp, eps):
    i32 = jnp.int32
    f32 = jnp.float32
    user = user.astype(i32)
    pad = NNZ_P - NNZ
    rows_p = jnp.concatenate([graph_rows.astype(i32), jnp.zeros((pad,), i32)])
    cols_p = jnp.concatenate([graph_cols.astype(i32), jnp.zeros((pad,), i32)])
    vals_p = jnp.concatenate([graph_vals, jnp.zeros((pad,), f32)])
    minus1 = jnp.full((U,), -1, i32)
    zeros_h = jnp.zeros((B, 2 * E), f32)

    wqt, wpt, bpp = _trans(Wq, Wp, bp.reshape(1, I))
    hpart = _sc_gather(user, rows_p, cols_p, vals_p, wqt, minus1, zeros_h)
    xwp, sx, xbp, epsu = _xstats(x, Wp, bp.reshape(1, I), eps,
                                 user.reshape(B, 1))
    out = _finish(hpart, user.reshape(B, 1), user.reshape(1, B), epsu,
                  xwp, sx, xbp, bq.reshape(1, 2 * E), wpt, bpp)
    return out.reshape(2)

# --- scband reference (transcript-rebuilt; emitter-appended) ---
"""Pipeline reference for scband-cvga-8461085573268 (READ-ONLY COPY).

The authoritative reference and input builder live on the scoring server;
editing this copy changes nothing except your own understanding.
"""

import jax, jax.numpy as jnp
import numpy as np

NUM_USERS = 50000
NUM_ITEMS = 50000
NNZ = 800000
EMB = 64
BATCH = 1024


def setup_inputs(seed: int = 0) -> dict:
    key = jax.random.key(seed)
    ks = jax.random.split(key, 10)
    user = jax.random.randint(ks[0], (BATCH,), 0, NUM_USERS)
    x = jax.random.bernoulli(ks[1], 0.002, (BATCH, NUM_ITEMS)).astype(jnp.float32)
    # sparse normalized adjacency R (COO), rows sorted for segment_sum
    graph_rows = jnp.sort(jax.random.randint(ks[2], (NNZ,), 0, NUM_USERS))
    graph_cols = jax.random.randint(ks[3], (NNZ,), 0, NUM_ITEMS)
    graph_vals = jax.random.uniform(ks[4], (NNZ,)) * 0.01
    # q_layers[0]: Linear(num_items, 2*emb)
    Wq = jax.random.normal(ks[5], (2 * EMB, NUM_ITEMS)) * 0.01
    bq = jnp.zeros((2 * EMB,), dtype=jnp.float32)
    # p_layers[0]: Linear(emb, num_items)
    Wp = jax.random.normal(ks[6], (NUM_ITEMS, EMB)) * 0.01
    bp = jnp.zeros((NUM_ITEMS,), dtype=jnp.float32)
    # reparameterization noise (fixed for determinism)
    eps = jax.random.normal(ks[7], (NUM_USERS, EMB))
    return dict(user=user, x=x, graph_rows=graph_rows, graph_cols=graph_cols,
                graph_vals=graph_vals, Wq=Wq, bq=bq, Wp=Wp, bp=bp, eps=eps)


def reference(user, x, graph_rows, graph_cols, graph_vals, Wq, bq, Wp, bp, eps):
    # encode(): single q layer applied to sparse Graph => sparse R @ Wq.T + bq
    # message: for each nnz (u,i,v): v * Wq[:, i]  (gather on item columns)
    msg = graph_vals[:, None] * jnp.take(Wq.T, graph_cols, axis=0)  # [NNZ, 2*EMB]
    h = jax.ops.segment_sum(msg, graph_rows, num_segments=NUM_USERS,
                            indices_are_sorted=True) + bq  # [U, 2*EMB]
    # single layer is also last layer: split into mu/logvar (dropout inactive in eval)
    mu = h[:, :EMB]
    logvar = h[:, EMB:]
    # reparameterize
    std = jnp.exp(0.5 * logvar)
    z = eps * std + mu
    # decode(z[user]): single p layer, no activation on last layer
    zu = jnp.take(z, user, axis=0)  # [B, EMB]
    recon_x = zu @ Wp.T + bp  # [B, NUM_ITEMS]
    # ELBO loss (multinomial likelihood + KL), anneal=1.0
    log_sm = jax.nn.log_softmax(recon_x, axis=-1)
    recon_loss = -jnp.mean(jnp.sum(log_sm * x, axis=-1))
    mu_u = jnp.take(mu, user, axis=0)
    lv_u = jnp.take(logvar, user, axis=0)
    kl_loss = -0.5 * jnp.mean(jnp.sum(1.0 + lv_u - mu_u ** 2 - jnp.exp(lv_u), axis=1))
    return jnp.stack([recon_loss, kl_loss])

if __name__ == "__main__":
    import jax
    _d = setup_inputs()
    print(jax.jit(kernel)(*tuple(_d.values())))

</pallas_src>

<mosaic_0001>
#map = affine_map<(d0, d1) -> (0)>
#map1 = affine_map<(d0, d1) -> (0, 0)>
#map2 = affine_map<(d0, d1) -> (0, 0, 0)>
module attributes {stable_mosaic.version = 14 : i64} {
  func.func @_sc_body(%arg0: i32, %arg1: i32, %arg2: memref<1024xi32, #tpu.memory_space<hbm>>, %arg3: memref<819200xi32, #tpu.memory_space<hbm>>, %arg4: memref<819200xi32, #tpu.memory_space<hbm>>, %arg5: memref<819200xf32, #tpu.memory_space<hbm>>, %arg6: memref<51200x128xf32, #tpu.memory_space<hbm>>, %arg7: memref<50000xi32, #tpu.memory_space<hbm>>, %arg8: memref<1024x128xf32, #tpu.memory_space<hbm>>, %arg9: memref<2x1024x128xf32, #tpu.memory_space<hbm>>, %arg10: memref<1024xi32, #tpu.memory_space<vmem>>, %arg11: memref<50000xi32, #tpu.memory_space<vmem>>, %arg12: memref<3200xi32, #tpu.memory_space<vmem>>, %arg13: memref<3200xi32, #tpu.memory_space<vmem>>, %arg14: memref<3200xf32, #tpu.memory_space<vmem>>, %arg15: memref<6912xi32, #tpu.memory_space<vmem>>, %arg16: memref<6912xf32, #tpu.memory_space<vmem>>, %arg17: memref<6912xi32, #tpu.memory_space<vmem>>, %arg18: memref<128xi32, #tpu.memory_space<vmem>>, %arg19: memref<128x128xf32, #tpu.memory_space<vmem>>, %arg20: memref<1024x128xf32, #tpu.memory_space<vmem_shared>>, %arg21: memref<!tpu.dma_semaphore, #tpu.memory_space<semaphore_mem>>) attributes {dimension_semantics = [#tpu.dimension_semantics<core_parallel>, #tpu.dimension_semantics<subcore_parallel>], iteration_bounds = array<i64: 2, 16>, scalar_prefetch = 0 : i64, scratch_operands = 12 : i64, tpu.core_type = #tpu.core_type<sc_vector_subcore>, window_params = [{transform_indices = #map}, {transform_indices = #map}, {transform_indices = #map}, {transform_indices = #map}, {transform_indices = #map1}, {transform_indices = #map}, {transform_indices = #map1}, {transform_indices = #map2}]} {
    %mul3A = arith.constant 2 : i32
    %mul3A_0 = arith.muli %arg1, %mul3A : i32
    %add3A = arith.addi %mul3A_0, %arg0 : i32
    "tpu.region"() ({
      %run_scoped3A = tpu.sem_alloc : memref<!tpu.dma_semaphore, #tpu.memory_space<semaphore_mem>>
      tpu.enqueue_dma source(%arg2 : memref<1024xi32, #tpu.memory_space<hbm>>) target(%arg10 : memref<1024xi32, #tpu.memory_space<vmem>>) target_semaphore(%run_scoped3A : memref<!tpu.dma_semaphore, #tpu.memory_space<semaphore_mem>>)
      tpu.wait_dma2 semaphore(%run_scoped3A : memref<!tpu.dma_semaphore, #tpu.memory_space<semaphore_mem>>) src(%arg2 : memref<1024xi32, #tpu.memory_space<hbm>>) dst(%arg10 : memref<1024xi32, #tpu.memory_space<vmem>>)
      tpu.yield
    }) : () -> ()
    "tpu.region"() ({
      %run_scoped3A = tpu.sem_alloc : memref<!tpu.dma_semaphore, #tpu.memory_space<semaphore_mem>>
      tpu.enqueue_dma source(%arg7 : memref<50000xi32, #tpu.memory_space<hbm>>) target(%arg11 : memref<50000xi32, #tpu.memory_space<vmem>>) target_semaphore(%run_scoped3A : memref<!tpu.dma_semaphore, #tpu.memory_space<semaphore_mem>>)
      tpu.wait_dma2 semaphore(%run_scoped3A : memref<!tpu.dma_semaphore, #tpu.memory_space<semaphore_mem>>) src(%arg7 : memref<50000xi32, #tpu.memory_space<hbm>>) dst(%arg11 : memref<50000xi32, #tpu.memory_space<vmem>>)
      tpu.yield
    }) : () -> ()
    %iota3A = tpu.iota {dimensions = array<i32: 0>} : vector<16xi32>
    %scan3A = arith.constant 0 : i32
    %scan3A_1 = arith.constant 0 : i32
    %scan3A_2 = arith.constant 64 : i32
    %scan3A_3 = arith.addi %scan3A_1, %scan3A_2 : i32
    %scan3A_4 = arith.constant 1 : i32
    %scan3A_5 = scf.for %scan3A_94 = %scan3A_1 to %scan3A_3 step %scan3A_4 iter_args(%scan3A_95 = %scan3A) -> (i32)  : i32 {
      %mul3A_96 = arith.constant 16 : i32
      %mul3A_97 = arith.muli %scan3A_94, %mul3A_96 : i32
      %get3A = arith.index_cast %mul3A_97 : i32 to index
      %get3A_98 = tpu.vector_load %arg10[%get3A] {strides = array<i32>} : memref<1024xi32, #tpu.memory_space<vmem>>, vector<16xi32>,
      %mul3A_99 = arith.constant 16 : i32
      %mul3A_100 = arith.muli %scan3A_94, %mul3A_99 : i32
      %add3A_101 = vector.broadcast %mul3A_100 : i32 to vector<16xi32>
      %add3A_102 = arith.addi %iota3A, %add3A_101 : vector<16xi32>
      tpu.vector_store_idx %arg11[%get3A_98], %add3A_102 : memref<50000xi32, #tpu.memory_space<vmem>>[vector<16xi32>], vector<16xi32>,
      %scan3A_103 = arith.constant 0 : i32
      scf.yield %scan3A_103 : i32
    }
    %scan3A_6 = arith.constant 64 : i32
    %broadcast_in_dim3A = arith.constant 0 : i32
    %broadcast_in_dim3A_7 = vector.broadcast %broadcast_in_dim3A : i32 to vector<16xi32>
    %scan3A_8 = arith.constant 0 : i32
    %scan3A_9 = arith.constant 0 : i32
    %scan3A_10 = arith.constant 432 : i32
    %scan3A_11 = arith.addi %scan3A_9, %scan3A_10 : i32
    %scan3A_12 = arith.constant 1 : i32
    %scan3A_13 = scf.for %scan3A_94 = %scan3A_9 to %scan3A_11 step %scan3A_12 iter_args(%scan3A_95 = %scan3A_8) -> (i32)  : i32 {
      %mul3A_96 = arith.constant 16 : i32
      %mul3A_97 = arith.muli %scan3A_94, %mul3A_96 : i32
      %swap3A_98 = arith.index_cast %mul3A_97 : i32 to index
      %swap3A_99 = tpu.vector_load %arg15[%swap3A_98] {strides = array<i32>} : memref<6912xi32, #tpu.memory_space<vmem>>, vector<16xi32>,
      tpu.vector_store %arg15[%swap3A_98], %broadcast_in_dim3A_7 {strides = array<i32>} : memref<6912xi32, #tpu.memory_space<vmem>>, vector<16xi32>,
      %mul3A_100 = arith.constant 16 : i32
      %mul3A_101 = arith.muli %scan3A_94, %mul3A_100 : i32
      %swap3A_102 = arith.index_cast %mul3A_101 : i32 to index
      %swap3A_103 = tpu.vector_load %arg17[%swap3A_102] {strides = array<i32>} : memref<6912xi32, #tpu.memory_space<vmem>>, vector<16xi32>,
      tpu.vector_store %arg17[%swap3A_102], %broadcast_in_dim3A_7 {strides = array<i32>} : memref<6912xi32, #tpu.memory_space<vmem>>, vector<16xi32>,
      %scan3A_104 = arith.constant 0 : i32
      scf.yield %scan3A_104 : i32
    }
    %scan3A_14 = arith.constant 432 : i32
    %eq3A = arith.constant 0 : i32
    %eq3A_15 = arith.cmpi eq, %arg1, %eq3A : i32
    %convert_element_type3A = arith.extui %eq3A_15 : i1 to i32
    %cond3A = arith.constant 0 : i32
    %cond3A_16 = arith.cmpi ne, %convert_element_type3A, %cond3A : i32
    scf.if %cond3A_16 {
      "tpu.region"() ({
        %run_scoped3A = tpu.sem_alloc : memref<!tpu.dma_semaphore, #tpu.memory_space<semaphore_mem>>
        tpu.enqueue_dma source(%arg8 : memref<1024x128xf32, #tpu.memory_space<hbm>>) target(%arg20 : memref<1024x128xf32, #tpu.memory_space<vmem_shared>>) target_semaphore(%run_scoped3A : memref<!tpu.dma_semaphore, #tpu.memory_space<semaphore_mem>>)
        tpu.wait_dma2 semaphore(%run_scoped3A : memref<!tpu.dma_semaphore, #tpu.memory_space<semaphore_mem>>) src(%arg8 : memref<1024x128xf32, #tpu.memory_space<hbm>>) dst(%arg20 : memref<1024x128xf32, #tpu.memory_space<vmem_shared>>)
        tpu.yield
      }) : () -> ()
    } else {
    }
    %barrier3A = arith.constant 0 : index
    tpu.barrier barrier_id(%barrier3A)
    %broadcast_in_dim3A_17 = arith.constant 0.000000e+00 : f32
    %broadcast_in_dim3A_18 = vector.broadcast %broadcast_in_dim3A_17 : f32 to vector<16xf32>
    %scan3A_19 = arith.constant 0 : i32
    %scan3A_20 = arith.constant 0 : i32
    %scan3A_21 = arith.constant 8 : i32
    %scan3A_22 = arith.addi %scan3A_20, %scan3A_21 : i32
    %scan3A_23 = arith.constant 1 : i32
    %scan3A_24 = scf.for %scan3A_94 = %scan3A_20 to %scan3A_22 step %scan3A_23 iter_args(%scan3A_95 = %scan3A_19) -> (i32)  : i32 {
      %mul3A_96 = arith.constant 25600 : i32
      %mul3A_97 = arith.muli %add3A, %mul3A_96 : i32
      %mul3A_98 = arith.constant 3200 : i32
      %mul3A_99 = arith.muli %scan3A_94, %mul3A_98 : i32
      %add3A_100 = arith.addi %mul3A_97, %mul3A_99 : i32
      %dma_start3A = tpu.memref_slice %arg3[%add3A_100] : memref<819200xi32, #tpu.memory_space<hbm>> -> memref<3200xi32, #tpu.memory_space<hbm>>
      %dma_start3A_101 = tpu.memref_slice %arg3[%add3A_100] : memref<819200xi32, #tpu.memory_space<hbm>> -> memref<3200xi32, #tpu.memory_space<hbm>>
      tpu.enqueue_dma source(%dma_start3A_101 : memref<3200xi32, #tpu.memory_space<hbm>>) target(%arg12 : memref<3200xi32, #tpu.memory_space<vmem>>) target_semaphore(%arg21 : memref<!tpu.dma_semaphore, #tpu.memory_space<semaphore_mem>>)
      %dma_start3A_102 = tpu.memref_slice %arg4[%add3A_100] : memref<819200xi32, #tpu.memory_space<hbm>> -> memref<3200xi32, #tpu.memory_space<hbm>>
      %dma_start3A_103 = tpu.memref_slice %arg4[%add3A_100] : memref<819200xi32, #tpu.memory_space<hbm>> -> memref<3200xi32, #tpu.memory_space<hbm>>
      tpu.enqueue_dma source(%dma_start3A_103 : memref<3200xi32, #tpu.memory_space<hbm>>) target(%arg13 : memref<3200xi32, #tpu.memory_space<vmem>>) target_semaphore(%arg21 : memref<!tpu.dma_semaphore, #tpu.memory_space<semaphore_mem>>)
      %dma_start3A_104 = tpu.memref_slice %arg5[%add3A_100] : memref<819200xf32, #tpu.memory_space<hbm>> -> memref<3200xf32, #tpu.memory_space<hbm>>
      %dma_start3A_105 = tpu.memref_slice %arg5[%add3A_100] : memref<819200xf32, #tpu.memory_space<hbm>> -> memref<3200xf32, #tpu.memory_space<hbm>>
      tpu.enqueue_dma source(%dma_start3A_105 : memref<3200xf32, #tpu.memory_space<hbm>>) target(%arg14 : memref<3200xf32, #tpu.memory_space<vmem>>) target_semaphore(%arg21 : memref<!tpu.dma_semaphore, #tpu.memory_space<semaphore_mem>>)
      %dma_wait3A = tpu.memref_slice %arg3[%add3A_100] : memref<819200xi32, #tpu.memory_space<hbm>> -> memref<3200xi32, #tpu.memory_space<hbm>>
      %dma_wait3A_106 = tpu.memref_slice %arg3[%add3A_100] : memref<819200xi32, #tpu.memory_space<hbm>> -> memref<3200xi32, #tpu.memory_space<hbm>>
      tpu.wait_dma2 semaphore(%arg21 : memref<!tpu.dma_semaphore, #tpu.memory_space<semaphore_mem>>) src(%dma_wait3A_106 : memref<3200xi32, #tpu.memory_space<hbm>>) dst(%arg12 : memref<3200xi32, #tpu.memory_space<vmem>>)
      %dma_wait3A_107 = tpu.memref_slice %arg4[%add3A_100] : memref<819200xi32, #tpu.memory_space<hbm>> -> memref<3200xi32, #tpu.memory_space<hbm>>
      %dma_wait3A_108 = tpu.memref_slice %arg4[%add3A_100] : memref<819200xi32, #tpu.memory_space<hbm>> -> memref<3200xi32, #tpu.memory_space<hbm>>
      tpu.wait_dma2 semaphore(%arg21 : memref<!tpu.dma_semaphore, #tpu.memory_space<semaphore_mem>>) src(%dma_wait3A_108 : memref<3200xi32, #tpu.memory_space<hbm>>) dst(%arg13 : memref<3200xi32, #tpu.memory_space<vmem>>)
      %dma_wait3A_109 = tpu.memref_slice %arg5[%add3A_100] : memref<819200xf32, #tpu.memory_space<hbm>> -> memref<3200xf32, #tpu.memory_space<hbm>>
      %dma_wait3A_110 = tpu.memref_slice %arg5[%add3A_100] : memref<819200xf32, #tpu.memory_space<hbm>> -> memref<3200xf32, #tpu.memory_space<hbm>>
      tpu.wait_dma2 semaphore(%arg21 : memref<!tpu.dma_semaphore, #tpu.memory_space<semaphore_mem>>) src(%dma_wait3A_110 : memref<3200xf32, #tpu.memory_space<hbm>>) dst(%arg14 : memref<3200xf32, #tpu.memory_space<vmem>>)
      %scan3A_111 = arith.constant 0 : i32
      %scan3A_112 = arith.constant 200 : i32
      %scan3A_113 = arith.addi %scan3A_111, %scan3A_112 : i32
      %scan3A_114 = arith.constant 4 : i32
      %scan3A_115 = scf.for %scan3A_123 = %scan3A_111 to %scan3A_113 step %scan3A_114 iter_args(%scan3A_124 = %scan3A_95) -> (i32)  : i32 {
        %mul3A_125 = arith.constant 16 : i32
        %mul3A_126 = arith.muli %scan3A_123, %mul3A_125 : i32
        %get3A = arith.index_cast %mul3A_126 : i32 to index
        %get3A_127 = tpu.vector_load %arg12[%get3A] {strides = array<i32>} : memref<3200xi32, #tpu.memory_space<vmem>>, vector<16xi32>,
        %gather3A = tpu.vector_load_idx %arg11[%get3A_127] : memref<50000xi32, #tpu.memory_space<vmem>>[vector<16xi32>], vector<16xi32>,
        %ge3A = arith.constant 0 : i32
        %ge3A_128 = vector.broadcast %ge3A : i32 to vector<16xi32>
        %ge3A_129 = arith.cmpi sge, %gather3A, %ge3A_128 : vector<16xi32>
        %jit3A_130 = arith.constant 1 : i32
        %jit3A_131 = arith.constant 0 : i32
        %broadcast_in_dim3A_132 = vector.broadcast %jit3A_130 : i32 to vector<16xi32>
        %broadcast_in_dim3A_133 = vector.broadcast %jit3A_131 : i32 to vector<16xi32>
        %select_n3A_134 = arith.select %ge3A_129, %broadcast_in_dim3A_132, %broadcast_in_dim3A_133 : vector<16xi1>, vector<16xi32>
        %reduce_sum3A = arith.constant true
        %reduce_sum3A_135 = vector.broadcast %reduce_sum3A : i1 to vector<16xi1>
        %reduce_sum3A_136 = tpu.scan <sum>, %select_n3A_134 masked %reduce_sum3A_135 : vector<16xi32>, vector<16xi1> -> vector<16xi32>
        %reduce_sum3A_137 = vector.extract %reduce_sum3A_136[15] : i32 from vector<16xi32>
        %get3A_138 = arith.index_cast %mul3A_126 : i32 to index
        %get3A_139 = tpu.vector_load %arg13[%get3A_138] {strides = array<i32>} : memref<3200xi32, #tpu.memory_space<vmem>>, vector<16xi32>,
        %swap3A_140 = arith.index_cast %scan3A_124 : i32 to index
        %swap3A_141 = tpu.vector_load %arg15[%swap3A_140] masked %ge3A_129 {strides = array<i32>} : memref<6912xi32, #tpu.memory_space<vmem>>, vector<16xi32>, vector<16xi1>
        tpu.vector_store %arg15[%swap3A_140], %get3A_139 masked %ge3A_129 {strides = array<i32>} : memref<6912xi32, #tpu.memory_space<vmem>>, vector<16xi32>, vector<16xi1>
        %get3A_142 = arith.index_cast %mul3A_126 : i32 to index
        %get3A_143 = tpu.vector_load %arg14[%get3A_142] {strides = array<i32>} : memref<3200xf32, #tpu.memory_space<vmem>>, vector<16xf32>,
        %swap3A_144 = arith.index_cast %scan3A_124 : i32 to index
        %swap3A_145 = tpu.vector_load %arg16[%swap3A_144] masked %ge3A_129 {strides = array<i32>} : memref<6912xf32, #tpu.memory_space<vmem>>, vector<16xf32>, vector<16xi1>
        tpu.vector_store %arg16[%swap3A_144], %get3A_143 masked %ge3A_129 {strides = array<i32>} : memref<6912xf32, #tpu.memory_space<vmem>>, vector<16xf32>, vector<16xi1>
        %swap3A_146 = arith.index_cast %scan3A_124 : i32 to index
        %swap3A_147 = tpu.vector_load %arg17[%swap3A_146] masked %ge3A_129 {strides = array<i32>} : memref<6912xi32, #tpu.memory_space<vmem>>, vector<16xi32>, vector<16xi1>
        tpu.vector_store %arg17[%swap3A_146], %gather3A masked %ge3A_129 {strides = array<i32>} : memref<6912xi32, #tpu.memory_space<vmem>>, vector<16xi32>, vector<16xi1>
        %add3A_148 = arith.addi %scan3A_124, %reduce_sum3A_137 : i32
        %scan3A_149 = arith.constant 1 : i32
        %scan3A_150 = arith.addi %scan3A_123, %scan3A_149 : i32
        %mul3A_151 = arith.constant 16 : i32
        %mul3A_152 = arith.muli %scan3A_150, %mul3A_151 : i32
        %get3A_153 = arith.index_cast %mul3A_152 : i32 to index
        %get3A_154 = tpu.vector_load %arg12[%get3A_153] {strides = array<i32>} : memref<3200xi32, #tpu.memory_space<vmem>>, vector<16xi32>,
        %gather3A_155 = tpu.vector_load_idx %arg11[%get3A_154] : memref<50000xi32, #tpu.memory_space<vmem>>[vector<16xi32>], vector<16xi32>,
        %ge3A_156 = arith.constant 0 : i32
        %ge3A_157 = vector.broadcast %ge3A_156 : i32 to vector<16xi32>
        %ge3A_158 = arith.cmpi sge, %gather3A_155, %ge3A_157 : vector<16xi32>
        %jit3A_159 = arith.constant 1 : i32
        %jit3A_160 = arith.constant 0 : i32
        %broadcast_in_dim3A_161 = vector.broadcast %jit3A_159 : i32 to vector<16xi32>
        %broadcast_in_dim3A_162 = vector.broadcast %jit3A_160 : i32 to vector<16xi32>
        %select_n3A_163 = arith.select %ge3A_158, %broadcast_in_dim3A_161, %broadcast_in_dim3A_162 : vector<16xi1>, vector<16xi32>
        %reduce_sum3A_164 = arith.constant true
        %reduce_sum3A_165 = vector.broadcast %reduce_sum3A_164 : i1 to vector<16xi1>
        %reduce_sum3A_166 = tpu.scan <sum>, %select_n3A_163 masked %reduce_sum3A_165 : vector<16xi32>, vector<16xi1> -> vector<16xi32>
        %reduce_sum3A_167 = vector.extract %reduce_sum3A_166[15] : i32 from vector<16xi32>
        %get3A_168 = arith.index_cast %mul3A_152 : i32 to index
        %get3A_169 = tpu.vector_load %arg13[%get3A_168] {strides = array<i32>} : memref<3200xi32, #tpu.memory_space<vmem>>, vector<16xi32>,
        %swap3A_170 = arith.index_cast %add3A_148 : i32 to index
        %swap3A_171 = tpu.vector_load %arg15[%swap3A_170] masked %ge3A_158 {strides = array<i32>} : memref<6912xi32, #tpu.memory_space<vmem>>, vector<16xi32>, vector<16xi1>
        tpu.vector_store %arg15[%swap3A_170], %get3A_169 masked %ge3A_158 {strides = array<i32>} : memref<6912xi32, #tpu.memory_space<vmem>>, vector<16xi32>, vector<16xi1>
        %get3A_172 = arith.index_cast %mul3A_152 : i32 to index
        %get3A_173 = tpu.vector_load %arg14[%get3A_172] {strides = array<i32>} : memref<3200xf32, #tpu.memory_space<vmem>>, vector<16xf32>,
        %swap3A_174 = arith.index_cast %add3A_148 : i32 to index
        %swap3A_175 = tpu.vector_load %arg16[%swap3A_174] masked %ge3A_158 {strides = array<i32>} : memref<6912xf32, #tpu.memory_space<vmem>>, vector<16xf32>, vector<16xi1>
        tpu.vector_store %arg16[%swap3A_174], %get3A_173 masked %ge3A_158 {strides = array<i32>} : memref<6912xf32, #tpu.memory_space<vmem>>, vector<16xf32>, vector<16xi1>
        %swap3A_176 = arith.index_cast %add3A_148 : i32 to index
        %swap3A_177 = tpu.vector_load %arg17[%swap3A_176] masked %ge3A_158 {strides = array<i32>} : memref<6912xi32, #tpu.memory_space<vmem>>, vector<16xi32>, vector<16xi1>
        tpu.vector_store %arg17[%swap3A_176], %gather3A_155 masked %ge3A_158 {strides = array<i32>} : memref<6912xi32, #tpu.memory_space<vmem>>, vector<16xi32>, vector<16xi1>
        %add3A_178 = arith.addi %add3A_148, %reduce_sum3A_167 : i32
        %scan3A_179 = arith.constant 2 : i32
        %scan3A_180 = arith.addi %scan3A_123, %scan3A_179 : i32
        %mul3A_181 = arith.constant 16 : i32
        %mul3A_182 = arith.muli %scan3A_180, %mul3A_181 : i32
        %get3A_183 = arith.index_cast %mul3A_182 : i32 to index
        %get3A_184 = tpu.vector_load %arg12[%get3A_183] {strides = array<i32>} : memref<3200xi32, #tpu.memory_space<vmem>>, vector<16xi32>,
        %gather3A_185 = tpu.vector_load_idx %arg11[%get3A_184] : memref<50000xi32, #tpu.memory_space<vmem>>[vector<16xi32>], vector<16xi32>,
        %ge3A_186 = arith.constant 0 : i32
        %ge3A_187 = vector.broadcast %ge3A_186 : i32 to vector<16xi32>
        %ge3A_188 = arith.cmpi sge, %gather3A_185, %ge3A_187 : vector<16xi32>
        %jit3A_189 = arith.constant 1 : i32
        %jit3A_190 = arith.constant 0 : i32
        %broadcast_in_dim3A_191 = vector.broadcast %jit3A_189 : i32 to vector<16xi32>
        %broadcast_in_dim3A_192 = vector.broadcast %jit3A_190 : i32 to vector<16xi32>
        %select_n3A_193 = arith.select %ge3A_188, %broadcast_in_dim3A_191, %broadcast_in_dim3A_192 : vector<16xi1>, vector<16xi32>
        %reduce_sum3A_194 = arith.constant true
        %reduce_sum3A_195 = vector.broadcast %reduce_sum3A_194 : i1 to vector<16xi1>
        %reduce_sum3A_196 = tpu.scan <sum>, %select_n3A_193 masked %reduce_sum3A_195 : vector<16xi32>, vector<16xi1> -> vector<16xi32>
        %reduce_sum3A_197 = vector.extract %reduce_sum3A_196[15] : i32 from vector<16xi32>
        %get3A_198 = arith.index_cast %mul3A_182 : i32 to index
        %get3A_199 = tpu.vector_load %arg13[%get3A_198] {strides = array<i32>} : memref<3200xi32, #tpu.memory_space<vmem>>, vector<16xi32>,
        %swap3A_200 = arith.index_cast %add3A_178 : i32 to index
        %swap3A_201 = tpu.vector_load %arg15[%swap3A_200] masked %ge3A_188 {strides = array<i32>} : memref<6912xi32, #tpu.memory_space<vmem>>, vector<16xi32>, vector<16xi1>
        tpu.vector_store %arg15[%swap3A_200], %get3A_199 masked %ge3A_188 {strides = array<i32>} : memref<6912xi32, #tpu.memory_space<vmem>>, vector<16xi32>, vector<16xi1>
        %get3A_202 = arith.index_cast %mul3A_182 : i32 to index
        %get3A_203 = tpu.vector_load %arg14[%get3A_202] {strides = array<i32>} : memref<3200xf32, #tpu.memory_space<vmem>>, vector<16xf32>,
        %swap3A_204 = arith.index_cast %add3A_178 : i32 to index
        %swap3A_205 = tpu.vector_load %arg16[%swap3A_204] masked %ge3A_188 {strides = array<i32>} : memref<6912xf32, #tpu.memory_space<vmem>>, vector<16xf32>, vector<16xi1>
        tpu.vector_store %arg16[%swap3A_204], %get3A_203 masked %ge3A_188 {strides = array<i32>} : memref<6912xf32, #tpu.memory_space<vmem>>, vector<16xf32>, vector<16xi1>
        %swap3A_206 = arith.index_cast %add3A_178 : i32 to index
        %swap3A_207 = tpu.vector_load %arg17[%swap3A_206] masked %ge3A_188 {strides = array<i32>} : memref<6912xi32, #tpu.memory_space<vmem>>, vector<16xi32>, vector<16xi1>
        tpu.vector_store %arg17[%swap3A_206], %gather3A_185 masked %ge3A_188 {strides = array<i32>} : memref<6912xi32, #tpu.memory_space<vmem>>, vector<16xi32>, vector<16xi1>
        %add3A_208 = arith.addi %add3A_178, %reduce_sum3A_197 : i32
        %scan3A_209 = arith.constant 3 : i32
        %scan3A_210 = arith.addi %scan3A_123, %scan3A_209 : i32
        %mul3A_211 = arith.constant 16 : i32
        %mul3A_212 = arith.muli %scan3A_210, %mul3A_211 : i32
        %get3A_213 = arith.index_cast %mul3A_212 : i32 to index
        %get3A_214 = tpu.vector_load %arg12[%get3A_213] {strides = array<i32>} : memref<3200xi32, #tpu.memory_space<vmem>>, vector<16xi32>,
        %gather3A_215 = tpu.vector_load_idx %arg11[%get3A_214] : memref<50000xi32, #tpu.memory_space<vmem>>[vector<16xi32>], vector<16xi32>,
        %ge3A_216 = arith.constant 0 : i32
        %ge3A_217 = vector.broadcast %ge3A_216 : i32 to vector<16xi32>
        %ge3A_218 = arith.cmpi sge, %gather3A_215, %ge3A_217 : vector<16xi32>
        %jit3A_219 = arith.constant 1 : i32
        %jit3A_220 = arith.constant 0 : i32
        %broadcast_in_dim3A_221 = vector.broadcast %jit3A_219 : i32 to vector<16xi32>
        %broadcast_in_dim3A_222 = vector.broadcast %jit3A_220 : i32 to vector<16xi32>
        %select_n3A_223 = arith.select %ge3A_218, %broadcast_in_dim3A_221, %broadcast_in_dim3A_222 : vector<16xi1>, vector<16xi32>
        %reduce_sum3A_224 = arith.constant true
        %reduce_sum3A_225 = vector.broadcast %reduce_sum3A_224 : i1 to vector<16xi1>
        %reduce_sum3A_226 = tpu.scan <sum>, %select_n3A_223 masked %reduce_sum3A_225 : vector<16xi32>, vector<16xi1> -> vector<16xi32>
        %reduce_sum3A_227 = vector.extract %reduce_sum3A_226[15] : i32 from vector<16xi32>
        %get3A_228 = arith.index_cast %mul3A_212 : i32 to index
        %get3A_229 = tpu.vector_load %arg13[%get3A_228] {strides = array<i32>} : memref<3200xi32, #tpu.memory_space<vmem>>, vector<16xi32>,
        %swap3A_230 = arith.index_cast %add3A_208 : i32 to index
        %swap3A_231 = tpu.vector_load %arg15[%swap3A_230] masked %ge3A_218 {strides = array<i32>} : memref<6912xi32, #tpu.memory_space<vmem>>, vector<16xi32>, vector<16xi1>
        tpu.vector_store %arg15[%swap3A_230], %get3A_229 masked %ge3A_218 {strides = array<i32>} : memref<6912xi32, #tpu.memory_space<vmem>>, vector<16xi32>, vector<16xi1>
        %get3A_232 = arith.index_cast %mul3A_212 : i32 to index
        %get3A_233 = tpu.vector_load %arg14[%get3A_232] {strides = array<i32>} : memref<3200xf32, #tpu.memory_space<vmem>>, vector<16xf32>,
        %swap3A_234 = arith.index_cast %add3A_208 : i32 to index
        %swap3A_235 = tpu.vector_load %arg16[%swap3A_234] masked %ge3A_218 {strides = array<i32>} : memref<6912xf32, #tpu.memory_space<vmem>>, vector<16xf32>, vector<16xi1>
        tpu.vector_store %arg16[%swap3A_234], %get3A_233 masked %ge3A_218 {strides = array<i32>} : memref<6912xf32, #tpu.memory_space<vmem>>, vector<16xf32>, vector<16xi1>
        %swap3A_236 = arith.index_cast %add3A_208 : i32 to index
        %swap3A_237 = tpu.vector_load %arg17[%swap3A_236] masked %ge3A_218 {strides = array<i32>} : memref<6912xi32, #tpu.memory_space<vmem>>, vector<16xi32>, vector<16xi1>
        tpu.vector_store %arg17[%swap3A_236], %gather3A_215 masked %ge3A_218 {strides = array<i32>} : memref<6912xi32, #tpu.memory_space<vmem>>, vector<16xi32>, vector<16xi1>
        %add3A_238 = arith.addi %add3A_208, %reduce_sum3A_227 : i32
        scf.yield %add3A_238 : i32
      }
      %scan3A_116 = arith.constant 200 : i32
      %gt3A = arith.constant 3584 : i32
      %gt3A_117 = arith.cmpi sgt, %scan3A_115, %gt3A : i32
      %convert_element_type3A_118 = arith.extui %gt3A_117 : i1 to i32
      %cond3A_119 = arith.constant 0 : i32
      %cond3A_120 = arith.cmpi ne, %convert_element_type3A_118, %cond3A_119 : i32
      scf.if %cond3A_120 {
        %add3A_123 = arith.constant 0 : i32
        %add3A_124 = arith.addi %scan3A_115, %add3A_123 : i32
        %swap3A_125 = arith.index_cast %add3A_124 : i32 to index
        %swap3A_126 = tpu.vector_load %arg16[%swap3A_125] {strides = array<i32>} : memref<6912xf32, #tpu.memory_space<vmem>>, vector<16xf32>,
        tpu.vector_store %arg16[%swap3A_125], %broadcast_in_dim3A_18 {strides = array<i32>} : memref<6912xf32, #tpu.memory_space<vmem>>, vector<16xf32>,
        %add3A_127 = arith.constant 16 : i32
        %add3A_128 = arith.addi %scan3A_115, %add3A_127 : i32
        %swap3A_129 = arith.index_cast %add3A_128 : i32 to index
        %swap3A_130 = tpu.vector_load %arg16[%swap3A_129] {strides = array<i32>} : memref<6912xf32, #tpu.memory_space<vmem>>, vector<16xf32>,
        tpu.vector_store %arg16[%swap3A_129], %broadcast_in_dim3A_18 {strides = array<i32>} : memref<6912xf32, #tpu.memory_space<vmem>>, vector<16xf32>,
        %add3A_131 = arith.constant 32 : i32
        %add3A_132 = arith.addi %scan3A_115, %add3A_131 : i32
        %swap3A_133 = arith.index_cast %add3A_132 : i32 to index
        %swap3A_134 = tpu.vector_load %arg16[%swap3A_133] {strides = array<i32>} : memref<6912xf32, #tpu.memory_space<vmem>>, vector<16xf32>,
        tpu.vector_store %arg16[%swap3A_133], %broadcast_in_dim3A_18 {strides = array<i32>} : memref<6912xf32, #tpu.memory_space<vmem>>, vector<16xf32>,
        %add3A_135 = arith.constant 48 : i32
        %add3A_136 = arith.addi %scan3A_115, %add3A_135 : i32
        %swap3A_137 = arith.index_cast %add3A_136 : i32 to index
        %swap3A_138 = tpu.vector_load %arg16[%swap3A_137] {strides = array<i32>} : memref<6912xf32, #tpu.memory_space<vmem>>, vector<16xf32>,
        tpu.vector_store %arg16[%swap3A_137], %broadcast_in_dim3A_18 {strides = array<i32>} : memref<6912xf32, #tpu.memory_space<vmem>>, vector<16xf32>,
        %add3A_139 = arith.constant 64 : i32
        %add3A_140 = arith.addi %scan3A_115, %add3A_139 : i32
        %swap3A_141 = arith.index_cast %add3A_140 : i32 to index
        %swap3A_142 = tpu.vector_load %arg16[%swap3A_141] {strides = array<i32>} : memref<6912xf32, #tpu.memory_space<vmem>>, vector<16xf32>,
        tpu.vector_store %arg16[%swap3A_141], %broadcast_in_dim3A_18 {strides = array<i32>} : memref<6912xf32, #tpu.memory_space<vmem>>, vector<16xf32>,
        %add3A_143 = arith.constant 80 : i32
        %add3A_144 = arith.addi %scan3A_115, %add3A_143 : i32
        %swap3A_145 = arith.index_cast %add3A_144 : i32 to index
        %swap3A_146 = tpu.vector_load %arg16[%swap3A_145] {strides = array<i32>} : memref<6912xf32, #tpu.memory_space<vmem>>, vector<16xf32>,
        tpu.vector_store %arg16[%swap3A_145], %broadcast_in_dim3A_18 {strides = array<i32>} : memref<6912xf32, #tpu.memory_space<vmem>>, vector<16xf32>,
        %add3A_147 = arith.constant 96 : i32
        %add3A_148 = arith.addi %scan3A_115, %add3A_147 : i32
        %swap3A_149 = arith.index_cast %add3A_148 : i32 to index
        %swap3A_150 = tpu.vector_load %arg16[%swap3A_149] {strides = array<i32>} : memref<6912xf32, #tpu.memory_space<vmem>>, vector<16xf32>,
        tpu.vector_store %arg16[%swap3A_149], %broadcast_in_dim3A_18 {strides = array<i32>} : memref<6912xf32, #tpu.memory_space<vmem>>, vector<16xf32>,
        %add3A_151 = arith.constant 112 : i32
        %add3A_152 = arith.addi %scan3A_115, %add3A_151 : i32
        %swap3A_153 = arith.index_cast %add3A_152 : i32 to index
        %swap3A_154 = tpu.vector_load %arg16[%swap3A_153] {strides = array<i32>} : memref<6912xf32, #tpu.memory_space<vmem>>, vector<16xf32>,
        tpu.vector_store %arg16[%swap3A_153], %broadcast_in_dim3A_18 {strides = array<i32>} : memref<6912xf32, #tpu.memory_space<vmem>>, vector<16xf32>,
        %add3A_155 = arith.constant 128 : i32
        %add3A_156 = arith.addi %scan3A_115, %add3A_155 : i32
        %sub3A_157 = arith.constant 1 : i32
        %sub3A_158 = arith.subi %add3A_156, %sub3A_157 : i32
        %jit3A_159 = arith.constant 128 : i32
        %div3A_160 = arith.divsi %sub3A_158, %jit3A_159 : i32
        %sign3A_161 = arith.constant 0 : i32
        %sign3A_162 = arith.cmpi sgt, %sub3A_158, %sign3A_161 : i32
        %sign3A_163 = arith.extui %sign3A_162 : i1 to i32
        %sign3A_164 = arith.constant 0 : i32
        %sign3A_165 = arith.cmpi slt, %sub3A_158, %sign3A_164 : i32
        %sign3A_166 = arith.extui %sign3A_165 : i1 to i32
        %sign3A_167 = arith.subi %sign3A_163, %sign3A_166 : i32
        %sign3A_168 = arith.constant 0 : i32
        %sign3A_169 = arith.cmpi sgt, %jit3A_159, %sign3A_168 : i32
        %sign3A_170 = arith.extui %sign3A_169 : i1 to i32
        %sign3A_171 = arith.constant 0 : i32
        %sign3A_172 = arith.cmpi slt, %jit3A_159, %sign3A_171 : i32
        %sign3A_173 = arith.extui %sign3A_172 : i1 to i32
        %sign3A_174 = arith.subi %sign3A_170, %sign3A_173 : i32
        %ne3A_175 = arith.cmpi ne, %sign3A_167, %sign3A_174 : i32
        %rem3A_176 = arith.remsi %sub3A_158, %jit3A_159 : i32
        %ne3A_177 = arith.constant 0 : i32
        %ne3A_178 = arith.cmpi ne, %rem3A_176, %ne3A_177 : i32
        %and3A_179 = arith.andi %ne3A_175, %ne3A_178 : i1
        %sub3A_180 = arith.constant 1 : i32
        %sub3A_181 = arith.subi %div3A_160, %sub3A_180 : i32
        %select_n3A_182 = arith.select %and3A_179, %sub3A_181, %div3A_160 : i32
        %while3A_183 = arith.constant 0 : i32
        %while3A_184 = arith.constant 0 : i32
        %while3A_185 = arith.subi %select_n3A_182, %while3A_183 : i32
        %while3A_186 = arith.addi %while3A_183, %while3A_185 : i32
        %while3A_187 = arith.constant 1 : i32
        %while3A_188 = arith.divsi %while3A_185, %while3A_187 : i32
        %while3A_189 = arith.muli %while3A_188, %while3A_187 : i32
        %while3A_190 = arith.addi %while3A_183, %while3A_189 : i32
        %while3A_191 = arith.constant 1 : i32
        %while3A_192 = scf.for %while3A_195 = %while3A_183 to %while3A_190 step %while3A_191 iter_args(%while3A_196 = %while3A_184) -> (i32)  : i32 {
          %mul3A_197 = arith.constant 128 : i32
          %mul3A_198 = arith.muli %while3A_195, %mul3A_197 : i32
          %add3A_199 = arith.constant 0 : i32
          %add3A_200 = arith.addi %mul3A_198, %add3A_199 : i32
          %get3A = arith.index_cast %add3A_200 : i32 to index
          %get3A_201 = tpu.vector_load %arg17[%get3A] {strides = array<i32>} : memref<6912xi32, #tpu.memory_space<vmem>>, vector<16xi32>,
          %swap3A_202 = arith.constant 0 : index
          %swap3A_203 = tpu.vector_load %arg18[%swap3A_202] {strides = array<i32>} : memref<128xi32, #tpu.memory_space<vmem>>, vector<16xi32>,
          tpu.vector_store %arg18[%swap3A_202], %get3A_201 {strides = array<i32>} : memref<128xi32, #tpu.memory_space<vmem>>, vector<16xi32>,
          %add3A_204 = arith.constant 16 : i32
          %add3A_205 = arith.addi %mul3A_198, %add3A_204 : i32
          %get3A_206 = arith.index_cast %add3A_205 : i32 to index
          %get3A_207 = tpu.vector_load %arg17[%get3A_206] {strides = array<i32>} : memref<6912xi32, #tpu.memory_space<vmem>>, vector<16xi32>,
          %swap3A_208 = arith.constant 16 : index
          %swap3A_209 = tpu.vector_load %arg18[%swap3A_208] {strides = array<i32>} : memref<128xi32, #tpu.memory_space<vmem>>, vector<16xi32>,
          tpu.vector_store %arg18[%swap3A_208], %get3A_207 {strides = array<i32>} : memref<128xi32, #tpu.memory_space<vmem>>, vector<16xi32>,
          %add3A_210 = arith.constant 32 : i32
          %add3A_211 = arith.addi %mul3A_198, %add3A_210 : i32
          %get3A_212 = arith.index_cast %add3A_211 : i32 to index
          %get3A_213 = tpu.vector_load %arg17[%get3A_212] {strides = array<i32>} : memref<6912xi32, #tpu.memory_space<vmem>>, vector<16xi32>,
          %swap3A_214 = arith.constant 32 : index
          %swap3A_215 = tpu.vector_load %arg18[%swap3A_214] {strides = array<i32>} : memref<128xi32, #tpu.memory_space<vmem>>, vector<16xi32>,
          tpu.vector_store %arg18[%swap3A_214], %get3A_213 {strides = array<i32>} : memref<128xi32, #tpu.memory_space<vmem>>, vector<16xi32>,
          %add3A_216 = arith.constant 48 : i32
          %add3A_217 = arith.addi %mul3A_198, %add3A_216 : i32
          %get3A_218 = arith.index_cast %add3A_217 : i32 to index
          %get3A_219 = tpu.vector_load %arg17[%get3A_218] {strides = array<i32>} : memref<6912xi32, #tpu.memory_space<vmem>>, vector<16xi32>,
          %swap3A_220 = arith.constant 48 : index
          %swap3A_221 = tpu.vector_load %arg18[%swap3A_220] {strides = array<i32>} : memref<128xi32, #tpu.memory_space<vmem>>, vector<16xi32>,
          tpu.vector_store %arg18[%swap3A_220], %get3A_219 {strides = array<i32>} : memref<128xi32, #tpu.memory_space<vmem>>, vector<16xi32>,
          %add3A_222 = arith.constant 64 : i32
          %add3A_223 = arith.addi %mul3A_198, %add3A_222 : i32
          %get3A_224 = arith.index_cast %add3A_223 : i32 to index
          %get3A_225 = tpu.vector_load %arg17[%get3A_224] {strides = array<i32>} : memref<6912xi32, #tpu.memory_space<vmem>>, vector<16xi32>,
          %swap3A_226 = arith.constant 64 : index
          %swap3A_227 = tpu.vector_load %arg18[%swap3A_226] {strides = array<i32>} : memref<128xi32, #tpu.memory_space<vmem>>, vector<16xi32>,
          tpu.vector_store %arg18[%swap3A_226], %get3A_225 {strides = array<i32>} : memref<128xi32, #tpu.memory_space<vmem>>, vector<16xi32>,
          %add3A_228 = arith.constant 80 : i32
          %add3A_229 = arith.addi %mul3A_198, %add3A_228 : i32
          %get3A_230 = arith.index_cast %add3A_229 : i32 to index
          %get3A_231 = tpu.vector_load %arg17[%get3A_230] {strides = array<i32>} : memref<6912xi32, #tpu.memory_space<vmem>>, vector<16xi32>,
          %swap3A_232 = arith.constant 80 : index
          %swap3A_233 = tpu.vector_load %arg18[%swap3A_232] {strides = array<i32>} : memref<128xi32, #tpu.memory_space<vmem>>, vector<16xi32>,
          tpu.vector_store %arg18[%swap3A_232], %get3A_231 {strides = array<i32>} : memref<128xi32, #tpu.memory_space<vmem>>, vector<16xi32>,
          %add3A_234 = arith.constant 96 : i32
          %add3A_235 = arith.addi %mul3A_198, %add3A_234 : i32
          %get3A_236 = arith.index_cast %add3A_235 : i32 to index
          %get3A_237 = tpu.vector_load %arg17[%get3A_236] {strides = array<i32>} : memref<6912xi32, #tpu.memory_space<vmem>>, vector<16xi32>,
          %swap3A_238 = arith.constant 96 : index
          %swap3A_239 = tpu.vector_load %arg18[%swap3A_238] {strides = array<i32>} : memref<128xi32, #tpu.memory_space<vmem>>, vector<16xi32>,
          tpu.vector_store %arg18[%swap3A_238], %get3A_237 {strides = array<i32>} : memref<128xi32, #tpu.memory_space<vmem>>, vector<16xi32>,
          %add3A_240 = arith.constant 112 : i32
          %add3A_241 = arith.addi %mul3A_198, %add3A_240 : i32
          %get3A_242 = arith.index_cast %add3A_241 : i32 to index
          %get3A_243 = tpu.vector_load %arg17[%get3A_242] {strides = array<i32>} : memref<6912xi32, #tpu.memory_space<vmem>>, vector<16xi32>,
          %swap3A_244 = arith.constant 112 : index
          %swap3A_245 = tpu.vector_load %arg18[%swap3A_244] {strides = array<i32>} : memref<128xi32, #tpu.memory_space<vmem>>, vector<16xi32>,
          tpu.vector_store %arg18[%swap3A_244], %get3A_243 {strides = array<i32>} : memref<128xi32, #tpu.memory_space<vmem>>, vector<16xi32>,
          %add3A_246 = arith.constant 0 : i32
          %add3A_247 = arith.addi %mul3A_198, %add3A_246 : i32
          %dma_start3A_248 = arith.constant 0 : i32
          %dma_start3A_249 = arith.constant 0 : i32
          %dma_start3A_250 = tpu.memref_slice %arg19[%dma_start3A_248, %dma_start3A_249] : memref<128x128xf32, #tpu.memory_space<vmem>> -> memref<32x128xf32, #tpu.memory_space<vmem>>
          %dma_start3A_251 = tpu.memref_slice %arg15[%add3A_247] : memref<6912xi32, #tpu.memory_space<vmem>> -> memref<32xi32, #tpu.memory_space<vmem>>
          %dma_start3A_252 = arith.constant 0 : i32
          %dma_start3A_253 = arith.constant 0 : i32
          %dma_start3A_254 = tpu.memref_slice %arg6[%dma_start3A_252, %dma_start3A_253] : memref<51200x128xf32, #tpu.memory_space<hbm>> -> memref<51200x128xf32, #tpu.memory_space<hbm>>
          tpu.enqueue_indirect_dma source(%dma_start3A_254 : memref<51200x128xf32, #tpu.memory_space<hbm>>) target(%dma_start3A_250 : memref<32x128xf32, #tpu.memory_space<vmem>>) offsets(%dma_start3A_251 : memref<32xi32, #tpu.memory_space<vmem>>) semaphore(%arg21 : memref<!tpu.dma_semaphore, #tpu.memory_space<semaphore_mem>>)
          %add3A_255 = arith.constant 32 : i32
          %add3A_256 = arith.addi %mul3A_198, %add3A_255 : i32
          %dma_start3A_257 = arith.constant 32 : i32
          %dma_start3A_258 = arith.constant 0 : i32
          %dma_start3A_259 = tpu.memref_slice %arg19[%dma_start3A_257, %dma_start3A_258] : memref<128x128xf32, #tpu.memory_space<vmem>> -> memref<32x128xf32, #tpu.memory_space<vmem>>
          %dma_start3A_260 = tpu.memref_slice %arg15[%add3A_256] : memref<6912xi32, #tpu.memory_space<vmem>> -> memref<32xi32, #tpu.memory_space<vmem>>
          %dma_start3A_261 = arith.constant 0 : i32
          %dma_start3A_262 = arith.constant 0 : i32
          %dma_start3A_263 = tpu.memref_slice %arg6[%dma_start3A_261, %dma_start3A_262] : memref<51200x128xf32, #tpu.memory_space<hbm>> -> memref<51200x128xf32, #tpu.memory_space<hbm>>
          tpu.enqueue_indirect_dma source(%dma_start3A_263 : memref<51200x128xf32, #tpu.memory_space<hbm>>) target(%dma_start3A_259 : memref<32x128xf32, #tpu.memory_space<vmem>>) offsets(%dma_start3A_260 : memref<32xi32, #tpu.memory_space<vmem>>) semaphore(%arg21 : memref<!tpu.dma_semaphore, #tpu.memory_space<semaphore_mem>>)
          %add3A_264 = arith.constant 64 : i32
          %add3A_265 = arith.addi %mul3A_198, %add3A_264 : i32
          %dma_start3A_266 = arith.constant 64 : i32
          %dma_start3A_267 = arith.constant 0 : i32
          %dma_start3A_268 = tpu.memref_slice %arg19[%dma_start3A_266, %dma_start3A_267] : memref<128x128xf32, #tpu.memory_space<vmem>> -> memref<32x128xf32, #tpu.memory_space<vmem>>
          %dma_start3A_269 = tpu.memref_slice %arg15[%add3A_265] : memref<6912xi32, #tpu.memory_space<vmem>> -> memref<32xi32, #tpu.memory_space<vmem>>
          %dma_start3A_270 = arith.constant 0 : i32
          %dma_start3A_271 = arith.constant 0 : i32
          %dma_start3A_272 = tpu.memref_slice %arg6[%dma_start3A_270, %dma_start3A_271] : memref<51200x128xf32, #tpu.memory_space<hbm>> -> memref<51200x128xf32, #tpu.memory_space<hbm>>
          tpu.enqueue_indirect_dma source(%dma_start3A_272 : memref<51200x128xf32, #tpu.memory_space<hbm>>) target(%dma_start3A_268 : memref<32x128xf32, #tpu.memory_space<vmem>>) offsets(%dma_start3A_269 : memref<32xi32, #tpu.memory_space<vmem>>) semaphore(%arg21 : memref<!tpu.dma_semaphore, #tpu.memory_space<semaphore_mem>>)
          %add3A_273 = arith.constant 96 : i32
          %add3A_274 = arith.addi %mul3A_198, %add3A_273 : i32
          %dma_start3A_275 = arith.constant 96 : i32
          %dma_start3A_276 = arith.constant 0 : i32
          %dma_start3A_277 = tpu.memref_slice %arg19[%dma_start3A_275, %dma_start3A_276] : memref<128x128xf32, #tpu.memory_space<vmem>> -> memref<32x128xf32, #tpu.memory_space<vmem>>
          %dma_start3A_278 = tpu.memref_slice %arg15[%add3A_274] : memref<6912xi32, #tpu.memory_space<vmem>> -> memref<32xi32, #tpu.memory_space<vmem>>
          %dma_start3A_279 = arith.constant 0 : i32
          %dma_start3A_280 = arith.constant 0 : i32
          %dma_start3A_281 = tpu.memref_slice %arg6[%dma_start3A_279, %dma_start3A_280] : memref<51200x128xf32, #tpu.memory_space<hbm>> -> memref<51200x128xf32, #tpu.memory_space<hbm>>
          tpu.enqueue_indirect_dma source(%dma_start3A_281 : memref<51200x128xf32, #tpu.memory_space<hbm>>) target(%dma_start3A_277 : memref<32x128xf32, #tpu.memory_space<vmem>>) offsets(%dma_start3A_278 : memref<32xi32, #tpu.memory_space<vmem>>) semaphore(%arg21 : memref<!tpu.dma_semaphore, #tpu.memory_space<semaphore_mem>>)
          %dma_wait3A_282 = arith.constant 0 : i32
          %dma_wait3A_283 = arith.constant 0 : i32
          %dma_wait3A_284 = tpu.memref_slice %arg19[%dma_wait3A_282, %dma_wait3A_283] : memref<128x128xf32, #tpu.memory_space<vmem>> -> memref<32x128xf32, #tpu.memory_space<vmem>>
          %dma_wait3A_285 = tpu.memref_slice %arg15[%add3A_247] : memref<6912xi32, #tpu.memory_space<vmem>> -> memref<32xi32, #tpu.memory_space<vmem>>
          %dma_wait3A_286 = arith.constant 0 : i32
          %dma_wait3A_287 = arith.constant 0 : i32
          %dma_wait3A_288 = tpu.memref_slice %arg6[%dma_wait3A_286, %dma_wait3A_287] : memref<51200x128xf32, #tpu.memory_space<hbm>> -> memref<51200x128xf32, #tpu.memory_space<hbm>>
          tpu.wait_indirect_dma semaphore(%arg21 : memref<!tpu.dma_semaphore, #tpu.memory_space<semaphore_mem>>) src(%dma_wait3A_288 : memref<51200x128xf32, #tpu.memory_space<hbm>>) dst(%dma_wait3A_284 : memref<32x128xf32, #tpu.memory_space<vmem>>)
          %dma_wait3A_289 = arith.constant 32 : i32
          %dma_wait3A_290 = arith.constant 0 : i32
          %dma_wait3A_291 = tpu.memref_slice %arg19[%dma_wait3A_289, %dma_wait3A_290] : memref<128x128xf32, #tpu.memory_space<vmem>> -> memref<32x128xf32, #tpu.memory_space<vmem>>
          %dma_wait3A_292 = tpu.memref_slice %arg15[%add3A_256] : memref<6912xi32, #tpu.memory_space<vmem>> -> memref<32xi32, #tpu.memory_space<vmem>>
          %dma_wait3A_293 = arith.constant 0 : i32
          %dma_wait3A_294 = arith.constant 0 : i32
          %dma_wait3A_295 = tpu.memref_slice %arg6[%dma_wait3A_293, %dma_wait3A_294] : memref<51200x128xf32, #tpu.memory_space<hbm>> -> memref<51200x128xf32, #tpu.memory_space<hbm>>
          tpu.wait_indirect_dma semaphore(%arg21 : memref<!tpu.dma_semaphore, #tpu.memory_space<semaphore_mem>>) src(%dma_wait3A_295 : memref<51200x128xf32, #tpu.memory_space<hbm>>) dst(%dma_wait3A_291 : memref<32x128xf32, #tpu.memory_space<vmem>>)
          %dma_wait3A_296 = arith.constant 64 : i32
          %dma_wait3A_297 = arith.constant 0 : i32
          %dma_wait3A_298 = tpu.memref_slice %arg19[%dma_wait3A_296, %dma_wait3A_297] : memref<128x128xf32, #tpu.memory_space<vmem>> -> memref<32x128xf32, #tpu.memory_space<vmem>>
          %dma_wait3A_299 = tpu.memref_slice %arg15[%add3A_265] : memref<6912xi32, #tpu.memory_space<vmem>> -> memref<32xi32, #tpu.memory_space<vmem>>
          %dma_wait3A_300 = arith.constant 0 : i32
          %dma_wait3A_301 = arith.constant 0 : i32
          %dma_wait3A_302 = tpu.memref_slice %arg6[%dma_wait3A_300, %dma_wait3A_301] : memref<51200x128xf32, #tpu.memory_space<hbm>> -> memref<51200x128xf32, #tpu.memory_space<hbm>>
          tpu.wait_indirect_dma semaphore(%arg21 : memref<!tpu.dma_semaphore, #tpu.memory_space<semaphore_mem>>) src(%dma_wait3A_302 : memref<51200x128xf32, #tpu.memory_space<hbm>>) dst(%dma_wait3A_298 : memref<32x128xf32, #tpu.memory_space<vmem>>)
          %dma_wait3A_303 = arith.constant 96 : i32
          %dma_wait3A_304 = arith.constant 0 : i32
          %dma_wait3A_305 = tpu.memref_slice %arg19[%dma_wait3A_303, %dma_wait3A_304] : memref<128x128xf32, #tpu.memory_space<vmem>> -> memref<32x128xf32, #tpu.memory_space<vmem>>
          %dma_wait3A_306 = tpu.memref_slice %arg15[%add3A_274] : memref<6912xi32, #tpu.memory_space<vmem>> -> memref<32xi32, #tpu.memory_space<vmem>>
          %dma_wait3A_307 = arith.constant 0 : i32
          %dma_wait3A_308 = arith.constant 0 : i32
          %dma_wait3A_309 = tpu.memref_slice %arg6[%dma_wait3A_307, %dma_wait3A_308] : memref<51200x128xf32, #tpu.memory_space<hbm>> -> memref<51200x128xf32, #tpu.memory_space<hbm>>
          tpu.wait_indirect_dma semaphore(%arg21 : memref<!tpu.dma_semaphore, #tpu.memory_space<semaphore_mem>>) src(%dma_wait3A_309 : memref<51200x128xf32, #tpu.memory_space<hbm>>) dst(%dma_wait3A_305 : memref<32x128xf32, #tpu.memory_space<vmem>>)
          %scan3A_310 = arith.constant 0 : i32
          %scan3A_311 = arith.constant 0 : i32
          %scan3A_312 = arith.constant 128 : i32
          %scan3A_313 = arith.addi %scan3A_311, %scan3A_312 : i32
          %scan3A_314 = arith.constant 1 : i32
          %scan3A_315 = scf.for %scan3A_318 = %scan3A_311 to %scan3A_313 step %scan3A_314 iter_args(%scan3A_319 = %scan3A_310) -> (i32)  : i32 {
            %add3A_320 = arith.addi %mul3A_198, %scan3A_318 : i32
            %get3A_321 = arith.index_cast %add3A_320 : i32 to index
            %get3A_322 = tpu.vector_load %arg16[%get3A_321] {strides = array<i32>} : memref<6912xf32, #tpu.memory_space<vmem>>, vector<16xf32>,
            %slice3A = vector.extract_strided_slice %get3A_322 {offsets = [0], sizes = [1], strides = [1]} : vector<16xf32> to vector<1xf32>
            %squeeze3A = vector.extract %slice3A[0] : f32 from vector<1xf32>
            %get3A_323 = arith.index_cast %scan3A_318 : i32 to index
            %get3A_324 = arith.constant 0 : index
            %get3A_325 = tpu.vector_load %arg19[%get3A_323, %get3A_324] {strides = array<i32>} : memref<128x128xf32, #tpu.memory_space<vmem>>, vector<16xf32>,
            %mul3A_326 = vector.broadcast %squeeze3A : f32 to vector<16xf32>
            %mul3A_327 = arith.mulf %get3A_325, %mul3A_326 : vector<16xf32>
            %swap3A_328 = arith.index_cast %scan3A_318 : i32 to index
            %swap3A_329 = arith.constant 0 : index
            %swap3A_330 = tpu.vector_load %arg19[%swap3A_328, %swap3A_329] {strides = array<i32>} : memref<128x128xf32, #tpu.memory_space<vmem>>, vector<16xf32>,
            tpu.vector_store %arg19[%swap3A_328, %swap3A_329], %mul3A_327 {strides = array<i32>} : memref<128x128xf32, #tpu.memory_space<vmem>>, vector<16xf32>,
            %get3A_331 = arith.index_cast %scan3A_318 : i32 to index
            %get3A_332 = arith.constant 16 : index
            %get3A_333 = tpu.vector_load %arg19[%get3A_331, %get3A_332] {strides = array<i32>} : memref<128x128xf32, #tpu.memory_space<vmem>>, vector<16xf32>,
            %mul3A_334 = vector.broadcast %squeeze3A : f32 to vector<16xf32>
            %mul3A_335 = arith.mulf %get3A_333, %mul3A_334 : vector<16xf32>
            %swap3A_336 = arith.index_cast %scan3A_318 : i32 to index
            %swap3A_337 = arith.constant 16 : index
            %swap3A_338 = tpu.vector_load %arg19[%swap3A_336, %swap3A_337] {strides = array<i32>} : memref<128x128xf32, #tpu.memory_space<vmem>>, vector<16xf32>,
            tpu.vector_store %arg19[%swap3A_336, %swap3A_337], %mul3A_335 {strides = array<i32>} : memref<128x128xf32, #tpu.memory_space<vmem>>, vector<16xf32>,
            %get3A_339 = arith.index_cast %scan3A_318 : i32 to index
            %get3A_340 = arith.constant 32 : index
            %get3A_341 = tpu.vector_load %arg19[%get3A_339, %get3A_340] {strides = array<i32>} : memref<128x128xf32, #tpu.memory_space<vmem>>, vector<16xf32>,
            %mul3A_342 = vector.broadcast %squeeze3A : f32 to vector<16xf32>
            %mul3A_343 = arith.mulf %get3A_341, %mul3A_342 : vector<16xf32>
            %swap3A_344 = arith.index_cast %scan3A_318 : i32 to index
            %swap3A_345 = arith.constant 32 : index
            %swap3A_346 = tpu.vector_load %arg19[%swap3A_344, %swap3A_345] {strides = array<i32>} : memref<128x128xf32, #tpu.memory_space<vmem>>, vector<16xf32>,
            tpu.vector_store %arg19[%swap3A_344, %swap3A_345], %mul3A_343 {strides = array<i32>} : memref<128x128xf32, #tpu.memory_space<vmem>>, vector<16xf32>,
            %get3A_347 = arith.index_cast %scan3A_318 : i32 to index
            %get3A_348 = arith.constant 48 : index
            %get3A_349 = tpu.vector_load %arg19[%get3A_347, %get3A_348] {strides = array<i32>} : memref<128x128xf32, #tpu.memory_space<vmem>>, vector<16xf32>,
            %mul3A_350 = vector.broadcast %squeeze3A : f32 to vector<16xf32>
            %mul3A_351 = arith.mulf %get3A_349, %mul3A_350 : vector<16xf32>
            %swap3A_352 = arith.index_cast %scan3A_318 : i32 to index
            %swap3A_353 = arith.constant 48 : index
            %swap3A_354 = tpu.vector_load %arg19[%swap3A_352, %swap3A_353] {strides = array<i32>} : memref<128x128xf32, #tpu.memory_space<vmem>>, vector<16xf32>,
            tpu.vector_store %arg19[%swap3A_352, %swap3A_353], %mul3A_351 {strides = array<i32>} : memref<128x128xf32, #tpu.memory_space<vmem>>, vector<16xf32>,
            %get3A_355 = arith.index_cast %scan3A_318 : i32 to index
            %get3A_356 = arith.constant 64 : index
            %get3A_357 = tpu.vector_load %arg19[%get3A_355, %get3A_356] {strides = array<i32>} : memref<128x128xf32, #tpu.memory_space<vmem>>, vector<16xf32>,
            %mul3A_358 = vector.broadcast %squeeze3A : f32 to vector<16xf32>
            %mul3A_359 = arith.mulf %get3A_357, %mul3A_358 : vector<16xf32>
            %swap3A_360 = arith.index_cast %scan3A_318 : i32 to index
            %swap3A_361 = arith.constant 64 : index
            %swap3A_362 = tpu.vector_load %arg19[%swap3A_360, %swap3A_361] {strides = array<i32>} : memref<128x128xf32, #tpu.memory_space<vmem>>, vector<16xf32>,
            tpu.vector_store %arg19[%swap3A_360, %swap3A_361], %mul3A_359 {strides = array<i32>} : memref<128x128xf32, #tpu.memory_space<vmem>>, vector<16xf32>,
            %get3A_363 = arith.index_cast %scan3A_318 : i32 to index
            %get3A_364 = arith.constant 80 : index
            %get3A_365 = tpu.vector_load %arg19[%get3A_363, %get3A_364] {strides = array<i32>} : memref<128x128xf32, #tpu.memory_space<vmem>>, vector<16xf32>,
            %mul3A_366 = vector.broadcast %squeeze3A : f32 to vector<16xf32>
            %mul3A_367 = arith.mulf %get3A_365, %mul3A_366 : vector<16xf32>
            %swap3A_368 = arith.index_cast %scan3A_318 : i32 to index
            %swap3A_369 = arith.constant 80 : index
            %swap3A_370 = tpu.vector_load %arg19[%swap3A_368, %swap3A_369] {strides = array<i32>} : memref<128x128xf32, #tpu.memory_space<vmem>>, vector<16xf32>,
            tpu.vector_store %arg19[%swap3A_368, %swap3A_369], %mul3A_367 {strides = array<i32>} : memref<128x128xf32, #tpu.memory_space<vmem>>, vector<16xf32>,
            %get3A_371 = arith.index_cast %scan3A_318 : i32 to index
            %get3A_372 = arith.constant 96 : index
            %get3A_373 = tpu.vector_load %arg19[%get3A_371, %get3A_372] {strides = array<i32>} : memref<128x128xf32, #tpu.memory_space<vmem>>, vector<16xf32>,
            %mul3A_374 = vector.broadcast %squeeze3A : f32 to vector<16xf32>
            %mul3A_375 = arith.mulf %get3A_373, %mul3A_374 : vector<16xf32>
            %swap3A_376 = arith.index_cast %scan3A_318 : i32 to index
            %swap3A_377 = arith.constant 96 : index
            %swap3A_378 = tpu.vector_load %arg19[%swap3A_376, %swap3A_377] {strides = array<i32>} : memref<128x128xf32, #tpu.memory_space<vmem>>, vector<16xf32>,
            tpu.vector_store %arg19[%swap3A_376, %swap3A_377], %mul3A_375 {strides = array<i32>} : memref<128x128xf32, #tpu.memory_space<vmem>>, vector<16xf32>,
            %get3A_379 = arith.index_cast %scan3A_318 : i32 to index
            %get3A_380 = arith.constant 112 : index
            %get3A_381 = tpu.vector_load %arg19[%get3A_379, %get3A_380] {strides = array<i32>} : memref<128x128xf32, #tpu.memory_space<vmem>>, vector<16xf32>,
            %mul3A_382 = vector.broadcast %squeeze3A : f32 to vector<16xf32>
            %mul3A_383 = arith.mulf %get3A_381, %mul3A_382 : vector<16xf32>
            %swap3A_384 = arith.index_cast %scan3A_318 : i32 to index
            %swap3A_385 = arith.constant 112 : index
            %swap3A_386 = tpu.vector_load %arg19[%swap3A_384, %swap3A_385] {strides = array<i32>} : memref<128x128xf32, #tpu.memory_space<vmem>>, vector<16xf32>,
            tpu.vector_store %arg19[%swap3A_384, %swap3A_385], %mul3A_383 {strides = array<i32>} : memref<128x128xf32, #tpu.memory_space<vmem>>, vector<16xf32>,
            %scan3A_387 = arith.constant 0 : i32
            scf.yield %scan3A_387 : i32
          }
          %scan3A_316 = arith.constant 128 : i32
          "tpu.region"() ({
            %run_scoped3A = tpu.sem_alloc : memref<!tpu.dma_semaphore, #tpu.memory_space<semaphore_mem>>
            %dma_start3A_318 = arith.constant 0 : i32
            %dma_start3A_319 = arith.constant 0 : i32
            %dma_start3A_320 = tpu.memref_slice %arg20[%dma_start3A_318, %dma_start3A_319] : memref<1024x128xf32, #tpu.memory_space<vmem_shared>> -> memref<1024x128xf32, #tpu.memory_space<vmem_shared>>
            tpu.enqueue_indirect_dma source(%arg19 : memref<128x128xf32, #tpu.memory_space<vmem>>) target(%dma_start3A_320 : memref<1024x128xf32, #tpu.memory_space<vmem_shared>>) offsets(%arg18 : memref<128xi32, #tpu.memory_space<vmem>>) semaphore(%run_scoped3A : memref<!tpu.dma_semaphore, #tpu.memory_space<semaphore_mem>>) {add = true}
            %dma_wait3A_321 = arith.constant 0 : i32
            %dma_wait3A_322 = arith.constant 0 : i32
            %dma_wait3A_323 = tpu.memref_slice %arg20[%dma_wait3A_321, %dma_wait3A_322] : memref<1024x128xf32, #tpu.memory_space<vmem_shared>> -> memref<1024x128xf32, #tpu.memory_space<vmem_shared>>
            tpu.wait_indirect_dma semaphore(%run_scoped3A : memref<!tpu.dma_semaphore, #tpu.memory_space<semaphore_mem>>) src(%arg19 : memref<128x128xf32, #tpu.memory_space<vmem>>) dst(%dma_wait3A_323 : memref<1024x128xf32, #tpu.memory_space<vmem_shared>>)
            tpu.yield
          }) : () -> ()
          %while3A_317 = arith.constant 0 : i32
          scf.yield %while3A_317 : i32
        }
        %while3A_193 = arith.constant 1 : i32
        %while3A_194 = scf.for %while3A_195 = %while3A_190 to %while3A_186 step %while3A_193 iter_args(%while3A_196 = %while3A_192) -> (i32)  : i32 {
          %mul3A_197 = arith.constant 128 : i32
          %mul3A_198 = arith.muli %while3A_195, %mul3A_197 : i32
          %add3A_199 = arith.constant 0 : i32
          %add3A_200 = arith.addi %mul3A_198, %add3A_199 : i32
          %get3A = arith.index_cast %add3A_200 : i32 to index
          %get3A_201 = tpu.vector_load %arg17[%get3A] {strides = array<i32>} : memref<6912xi32, #tpu.memory_space<vmem>>, vector<16xi32>,
          %swap3A_202 = arith.constant 0 : index
          %swap3A_203 = tpu.vector_load %arg18[%swap3A_202] {strides = array<i32>} : memref<128xi32, #tpu.memory_space<vmem>>, vector<16xi32>,
          tpu.vector_store %arg18[%swap3A_202], %get3A_201 {strides = array<i32>} : memref<128xi32, #tpu.memory_space<vmem>>, vector<16xi32>,
          %add3A_204 = arith.constant 16 : i32
          %add3A_205 = arith.addi %mul3A_198, %add3A_204 : i32
          %get3A_206 = arith.index_cast %add3A_205 : i32 to index
          %get3A_207 = tpu.vector_load %arg17[%get3A_206] {strides = array<i32>} : memref<6912xi32, #tpu.memory_space<vmem>>, vector<16xi32>,
          %swap3A_208 = arith.constant 16 : index
          %swap3A_209 = tpu.vector_load %arg18[%swap3A_208] {strides = array<i32>} : memref<128xi32, #tpu.memory_space<vmem>>, vector<16xi32>,
          tpu.vector_store %arg18[%swap3A_208], %get3A_207 {strides = array<i32>} : memref<128xi32, #tpu.memory_space<vmem>>, vector<16xi32>,
          %add3A_210 = arith.constant 32 : i32
          %add3A_211 = arith.addi %mul3A_198, %add3A_210 : i32
          %get3A_212 = arith.index_cast %add3A_211 : i32 to index
          %get3A_213 = tpu.vector_load %arg17[%get3A_212] {strides = array<i32>} : memref<6912xi32, #tpu.memory_space<vmem>>, vector<16xi32>,
          %swap3A_214 = arith.constant 32 : index
          %swap3A_215 = tpu.vector_load %arg18[%swap3A_214] {strides = array<i32>} : memref<128xi32, #tpu.memory_space<vmem>>, vector<16xi32>,
          tpu.vector_store %arg18[%swap3A_214], %get3A_213 {strides = array<i32>} : memref<128xi32, #tpu.memory_space<vmem>>, vector<16xi32>,
          %add3A_216 = arith.constant 48 : i32
          %add3A_217 = arith.addi %mul3A_198, %add3A_216 : i32
          %get3A_218 = arith.index_cast %add3A_217 : i32 to index
          %get3A_219 = tpu.vector_load %arg17[%get3A_218] {strides = array<i32>} : memref<6912xi32, #tpu.memory_space<vmem>>, vector<16xi32>,
          %swap3A_220 = arith.constant 48 : index
          %swap3A_221 = tpu.vector_load %arg18[%swap3A_220] {strides = array<i32>} : memref<128xi32, #tpu.memory_space<vmem>>, vector<16xi32>,
          tpu.vector_store %arg18[%swap3A_220], %get3A_219 {strides = array<i32>} : memref<128xi32, #tpu.memory_space<vmem>>, vector<16xi32>,
          %add3A_222 = arith.constant 64 : i32
          %add3A_223 = arith.addi %mul3A_198, %add3A_222 : i32
          %get3A_224 = arith.index_cast %add3A_223 : i32 to index
          %get3A_225 = tpu.vector_load %arg17[%get3A_224] {strides = array<i32>} : memref<6912xi32, #tpu.memory_space<vmem>>, vector<16xi32>,
          %swap3A_226 = arith.constant 64 : index
          %swap3A_227 = tpu.vector_load %arg18[%swap3A_226] {strides = array<i32>} : memref<128xi32, #tpu.memory_space<vmem>>, vector<16xi32>,
          tpu.vector_store %arg18[%swap3A_226], %get3A_225 {strides = array<i32>} : memref<128xi32, #tpu.memory_space<vmem>>, vector<16xi32>,
          %add3A_228 = arith.constant 80 : i32
          %add3A_229 = arith.addi %mul3A_198, %add3A_228 : i32
          %get3A_230 = arith.index_cast %add3A_229 : i32 to index
          %get3A_231 = tpu.vector_load %arg17[%get3A_230] {strides = array<i32>} : memref<6912xi32, #tpu.memory_space<vmem>>, vector<16xi32>,
          %swap3A_232 = arith.constant 80 : index
          %swap3A_233 = tpu.vector_load %arg18[%swap3A_232] {strides = array<i32>} : memref<128xi32, #tpu.memory_space<vmem>>, vector<16xi32>,
          tpu.vector_store %arg18[%swap3A_232], %get3A_231 {strides = array<i32>} : memref<128xi32, #tpu.memory_space<vmem>>, vector<16xi32>,
          %add3A_234 = arith.constant 96 : i32
          %add3A_235 = arith.addi %mul3A_198, %add3A_234 : i32
          %get3A_236 = arith.index_cast %add3A_235 : i32 to index
          %get3A_237 = tpu.vector_load %arg17[%get3A_236] {strides = array<i32>} : memref<6912xi32, #tpu.memory_space<vmem>>, vector<16xi32>,
          %swap3A_238 = arith.constant 96 : index
          %swap3A_239 = tpu.vector_load %arg18[%swap3A_238] {strides = array<i32>} : memref<128xi32, #tpu.memory_space<vmem>>, vector<16xi32>,
          tpu.vector_store %arg18[%swap3A_238], %get3A_237 {strides = array<i32>} : memref<128xi32, #tpu.memory_space<vmem>>, vector<16xi32>,
          %add3A_240 = arith.constant 112 : i32
          %add3A_241 = arith.addi %mul3A_198, %add3A_240 : i32
          %get3A_242 = arith.index_cast %add3A_241 : i32 to index
          %get3A_243 = tpu.vector_load %arg17[%get3A_242] {strides = array<i32>} : memref<6912xi32, #tpu.memory_space<vmem>>, vector<16xi32>,
          %swap3A_244 = arith.constant 112 : index
          %swap3A_245 = tpu.vector_load %arg18[%swap3A_244] {strides = array<i32>} : memref<128xi32, #tpu.memory_space<vmem>>, vector<16xi32>,
          tpu.vector_store %arg18[%swap3A_244], %get3A_243 {strides = array<i32>} : memref<128xi32, #tpu.memory_space<vmem>>, vector<16xi32>,
          %add3A_246 = arith.constant 0 : i32
          %add3A_247 = arith.addi %mul3A_198, %add3A_246 : i32
          %dma_start3A_248 = arith.constant 0 : i32
          %dma_start3A_249 = arith.constant 0 : i32
          %dma_start3A_250 = tpu.memref_slice %arg19[%dma_start3A_248, %dma_start3A_249] : memref<128x128xf32, #tpu.memory_space<vmem>> -> memref<32x128xf32, #tpu.memory_space<vmem>>
          %dma_start3A_251 = tpu.memref_slice %arg15[%add3A_247] : memref<6912xi32, #tpu.memory_space<vmem>> -> memref<32xi32, #tpu.memory_space<vmem>>
          %dma_start3A_252 = arith.constant 0 : i32
          %dma_start3A_253 = arith.constant 0 : i32
          %dma_start3A_254 = tpu.memref_slice %arg6[%dma_start3A_252, %dma_start3A_253] : memref<51200x128xf32, #tpu.memory_space<hbm>> -> memref<51200x128xf32, #tpu.memory_space<hbm>>
          tpu.enqueue_indirect_dma source(%dma_start3A_254 : memref<51200x128xf32, #tpu.memory_space<hbm>>) target(%dma_start3A_250 : memref<32x128xf32, #tpu.memory_space<vmem>>) offsets(%dma_start3A_251 : memref<32xi32, #tpu.memory_space<vmem>>) semaphore(%arg21 : memref<!tpu.dma_semaphore, #tpu.memory_space<semaphore_mem>>)
          %add3A_255 = arith.constant 32 : i32
          %add3A_256 = arith.addi %mul3A_198, %add3A_255 : i32
          %dma_start3A_257 = arith.constant 32 : i32
          %dma_start3A_258 = arith.constant 0 : i32
          %dma_start3A_259 = tpu.memref_slice %arg19[%dma_start3A_257, %dma_start3A_258] : memref<128x128xf32, #tpu.memory_space<vmem>> -> memref<32x128xf32, #tpu.memory_space<vmem>>
          %dma_start3A_260 = tpu.memref_slice %arg15[%add3A_256] : memref<6912xi32, #tpu.memory_space<vmem>> -> memref<32xi32, #tpu.memory_space<vmem>>
          %dma_start3A_261 = arith.constant 0 : i32
          %dma_start3A_262 = arith.constant 0 : i32
          %dma_start3A_263 = tpu.memref_slice %arg6[%dma_start3A_261, %dma_start3A_262] : memref<51200x128xf32, #tpu.memory_space<hbm>> -> memref<51200x128xf32, #tpu.memory_space<hbm>>
          tpu.enqueue_indirect_dma source(%dma_start3A_263 : memref<51200x128xf32, #tpu.memory_space<hbm>>) target(%dma_start3A_259 : memref<32x128xf32, #tpu.memory_space<vmem>>) offsets(%dma_start3A_260 : memref<32xi32, #tpu.memory_space<vmem>>) semaphore(%arg21 : memref<!tpu.dma_semaphore, #tpu.memory_space<semaphore_mem>>)
          %add3A_264 = arith.constant 64 : i32
          %add3A_265 = arith.addi %mul3A_198, %add3A_264 : i32
          %dma_start3A_266 = arith.constant 64 : i32
          %dma_start3A_267 = arith.constant 0 : i32
          %dma_start3A_268 = tpu.memref_slice %arg19[%dma_start3A_266, %dma_start3A_267] : memref<128x128xf32, #tpu.memory_space<vmem>> -> memref<32x128xf32, #tpu.memory_space<vmem>>
          %dma_start3A_269 = tpu.memref_slice %arg15[%add3A_265] : memref<6912xi32, #tpu.memory_space<vmem>> -> memref<32xi32, #tpu.memory_space<vmem>>
          %dma_start3A_270 = arith.constant 0 : i32
          %dma_start3A_271 = arith.constant 0 : i32
          %dma_start3A_272 = tpu.memref_slice %arg6[%dma_start3A_270, %dma_start3A_271] : memref<51200x128xf32, #tpu.memory_space<hbm>> -> memref<51200x128xf32, #tpu.memory_space<hbm>>
          tpu.enqueue_indirect_dma source(%dma_start3A_272 : memref<51200x128xf32, #tpu.memory_space<hbm>>) target(%dma_start3A_268 : memref<32x128xf32, #tpu.memory_space<vmem>>) offsets(%dma_start3A_269 : memref<32xi32, #tpu.memory_space<vmem>>) semaphore(%arg21 : memref<!tpu.dma_semaphore, #tpu.memory_space<semaphore_mem>>)
          %add3A_273 = arith.constant 96 : i32
          %add3A_274 = arith.addi %mul3A_198, %add3A_273 : i32
          %dma_start3A_275 = arith.constant 96 : i32
          %dma_start3A_276 = arith.constant 0 : i32
          %dma_start3A_277 = tpu.memref_slice %arg19[%dma_start3A_275, %dma_start3A_276] : memref<128x128xf32, #tpu.memory_space<vmem>> -> memref<32x128xf32, #tpu.memory_space<vmem>>
          %dma_start3A_278 = tpu.memref_slice %arg15[%add3A_274] : memref<6912xi32, #tpu.memory_space<vmem>> -> memref<32xi32, #tpu.memory_space<vmem>>
          %dma_start3A_279 = arith.constant 0 : i32
          %dma_start3A_280 = arith.constant 0 : i32
          %dma_start3A_281 = tpu.memref_slice %arg6[%dma_start3A_279, %dma_start3A_280] : memref<51200x128xf32, #tpu.memory_space<hbm>> -> memref<51200x128xf32, #tpu.memory_space<hbm>>
          tpu.enqueue_indirect_dma source(%dma_start3A_281 : memref<51200x128xf32, #tpu.memory_space<hbm>>) target(%dma_start3A_277 : memref<32x128xf32, #tpu.memory_space<vmem>>) offsets(%dma_start3A_278 : memref<32xi32, #tpu.memory_space<vmem>>) semaphore(%arg21 : memref<!tpu.dma_semaphore, #tpu.memory_space<semaphore_mem>>)
          %dma_wait3A_282 = arith.constant 0 : i32
          %dma_wait3A_283 = arith.constant 0 : i32
          %dma_wait3A_284 = tpu.memref_slice %arg19[%dma_wait3A_282, %dma_wait3A_283] : memref<128x128xf32, #tpu.memory_space<vmem>> -> memref<32x128xf32, #tpu.memory_space<vmem>>
          %dma_wait3A_285 = tpu.memref_slice %arg15[%add3A_247] : memref<6912xi32, #tpu.memory_space<vmem>> -> memref<32xi32, #tpu.memory_space<vmem>>
          %dma_wait3A_286 = arith.constant 0 : i32
          %dma_wait3A_287 = arith.constant 0 : i32
          %dma_wait3A_288 = tpu.memref_slice %arg6[%dma_wait3A_286, %dma_wait3A_287] : memref<51200x128xf32, #tpu.memory_space<hbm>> -> memref<51200x128xf32, #tpu.memory_space<hbm>>
          tpu.wait_indirect_dma semaphore(%arg21 : memref<!tpu.dma_semaphore, #tpu.memory_space<semaphore_mem>>) src(%dma_wait3A_288 : memref<51200x128xf32, #tpu.memory_space<hbm>>) dst(%dma_wait3A_284 : memref<32x128xf32, #tpu.memory_space<vmem>>)
          %dma_wait3A_289 = arith.constant 32 : i32
          %dma_wait3A_290 = arith.constant 0 : i32
          %dma_wait3A_291 = tpu.memref_slice %arg19[%dma_wait3A_289, %dma_wait3A_290] : memref<128x128xf32, #tpu.memory_space<vmem>> -> memref<32x128xf32, #tpu.memory_space<vmem>>
          %dma_wait3A_292 = tpu.memref_slice %arg15[%add3A_256] : memref<6912xi32, #tpu.memory_space<vmem>> -> memref<32xi32, #tpu.memory_space<vmem>>
          %dma_wait3A_293 = arith.constant 0 : i32
          %dma_wait3A_294 = arith.constant 0 : i32
          %dma_wait3A_295 = tpu.memref_slice %arg6[%dma_wait3A_293, %dma_wait3A_294] : memref<51200x128xf32, #tpu.memory_space<hbm>> -> memref<51200x128xf32, #tpu.memory_space<hbm>>
          tpu.wait_indirect_dma semaphore(%arg21 : memref<!tpu.dma_semaphore, #tpu.memory_space<semaphore_mem>>) src(%dma_wait3A_295 : memref<51200x128xf32, #tpu.memory_space<hbm>>) dst(%dma_wait3A_291 : memref<32x128xf32, #tpu.memory_space<vmem>>)
          %dma_wait3A_296 = arith.constant 64 : i32
          %dma_wait3A_297 = arith.constant 0 : i32
          %dma_wait3A_298 = tpu.memref_slice %arg19[%dma_wait3A_296, %dma_wait3A_297] : memref<128x128xf32, #tpu.memory_space<vmem>> -> memref<32x128xf32, #tpu.memory_space<vmem>>
          %dma_wait3A_299 = tpu.memref_slice %arg15[%add3A_265] : memref<6912xi32, #tpu.memory_space<vmem>> -> memref<32xi32, #tpu.memory_space<vmem>>
          %dma_wait3A_300 = arith.constant 0 : i32
          %dma_wait3A_301 = arith.constant 0 : i32
          %dma_wait3A_302 = tpu.memref_slice %arg6[%dma_wait3A_300, %dma_wait3A_301] : memref<51200x128xf32, #tpu.memory_space<hbm>> -> memref<51200x128xf32, #tpu.memory_space<hbm>>
          tpu.wait_indirect_dma semaphore(%arg21 : memref<!tpu.dma_semaphore, #tpu.memory_space<semaphore_mem>>) src(%dma_wait3A_302 : memref<51200x128xf32, #tpu.memory_space<hbm>>) dst(%dma_wait3A_298 : memref<32x128xf32, #tpu.memory_space<vmem>>)
          %dma_wait3A_303 = arith.constant 96 : i32
          %dma_wait3A_304 = arith.constant 0 : i32
          %dma_wait3A_305 = tpu.memref_slice %arg19[%dma_wait3A_303, %dma_wait3A_304] : memref<128x128xf32, #tpu.memory_space<vmem>> -> memref<32x128xf32, #tpu.memory_space<vmem>>
          %dma_wait3A_306 = tpu.memref_slice %arg15[%add3A_274] : memref<6912xi32, #tpu.memory_space<vmem>> -> memref<32xi32, #tpu.memory_space<vmem>>
          %dma_wait3A_307 = arith.constant 0 : i32
          %dma_wait3A_308 = arith.constant 0 : i32
          %dma_wait3A_309 = tpu.memref_slice %arg6[%dma_wait3A_307, %dma_wait3A_308] : memref<51200x128xf32, #tpu.memory_space<hbm>> -> memref<51200x128xf32, #tpu.memory_space<hbm>>
          tpu.wait_indirect_dma semaphore(%arg21 : memref<!tpu.dma_semaphore, #tpu.memory_space<semaphore_mem>>) src(%dma_wait3A_309 : memref<51200x128xf32, #tpu.memory_space<hbm>>) dst(%dma_wait3A_305 : memref<32x128xf32, #tpu.memory_space<vmem>>)
          %scan3A_310 = arith.constant 0 : i32
          %scan3A_311 = arith.constant 0 : i32
          %scan3A_312 = arith.constant 128 : i32
          %scan3A_313 = arith.addi %scan3A_311, %scan3A_312 : i32
          %scan3A_314 = arith.constant 1 : i32
          %scan3A_315 = scf.for %scan3A_318 = %scan3A_311 to %scan3A_313 step %scan3A_314 iter_args(%scan3A_319 = %scan3A_310) -> (i32)  : i32 {
            %add3A_320 = arith.addi %mul3A_198, %scan3A_318 : i32
            %get3A_321 = arith.index_cast %add3A_320 : i32 to index
            %get3A_322 = tpu.vector_load %arg16[%get3A_321] {strides = array<i32>} : memref<6912xf32, #tpu.memory_space<vmem>>, vector<16xf32>,
            %slice3A = vector.extract_strided_slice %get3A_322 {offsets = [0], sizes = [1], strides = [1]} : vector<16xf32> to vector<1xf32>
            %squeeze3A = vector.extract %slice3A[0] : f32 from vector<1xf32>
            %get3A_323 = arith.index_cast %scan3A_318 : i32 to index
            %get3A_324 = arith.constant 0 : index
            %get3A_325 = tpu.vector_load %arg19[%get3A_323, %get3A_324] {strides = array<i32>} : memref<128x128xf32, #tpu.memory_space<vmem>>, vector<16xf32>,
            %mul3A_326 = vector.broadcast %squeeze3A : f32 to vector<16xf32>
            %mul3A_327 = arith.mulf %get3A_325, %mul3A_326 : vector<16xf32>
            %swap3A_328 = arith.index_cast %scan3A_318 : i32 to index
            %swap3A_329 = arith.constant 0 : index
            %swap3A_330 = tpu.vector_load %arg19[%swap3A_328, %swap3A_329] {strides = array<i32>} : memref<128x128xf32, #tpu.memory_space<vmem>>, vector<16xf32>,
            tpu.vector_store %arg19[%swap3A_328, %swap3A_329], %mul3A_327 {strides = array<i32>} : memref<128x128xf32, #tpu.memory_space<vmem>>, vector<16xf32>,
            %get3A_331 = arith.index_cast %scan3A_318 : i32 to index
            %get3A_332 = arith.constant 16 : index
            %get3A_333 = tpu.vector_load %arg19[%get3A_331, %get3A_332] {strides = array<i32>} : memref<128x128xf32, #tpu.memory_space<vmem>>, vector<16xf32>,
            %mul3A_334 = vector.broadcast %squeeze3A : f32 to vector<16xf32>
            %mul3A_335 = arith.mulf %get3A_333, %mul3A_334 : vector<16xf32>
            %swap3A_336 = arith.index_cast %scan3A_318 : i32 to index
            %swap3A_337 = arith.constant 16 : index
            %swap3A_338 = tpu.vector_load %arg19[%swap3A_336, %swap3A_337] {strides = array<i32>} : memref<128x128xf32, #tpu.memory_space<vmem>>, vector<16xf32>,
            tpu.vector_store %arg19[%swap3A_336, %swap3A_337], %mul3A_335 {strides = array<i32>} : memref<128x128xf32, #tpu.memory_space<vmem>>, vector<16xf32>,
            %get3A_339 = arith.index_cast %scan3A_318 : i32 to index
            %get3A_340 = arith.constant 32 : index
            %get3A_341 = tpu.vector_load %arg19[%get3A_339, %get3A_340] {strides = array<i32>} : memref<128x128xf32, #tpu.memory_space<vmem>>, vector<16xf32>,
            %mul3A_342 = vector.broadcast %squeeze3A : f32 to vector<16xf32>
            %mul3A_343 = arith.mulf %get3A_341, %mul3A_342 : vector<16xf32>
            %swap3A_344 = arith.index_cast %scan3A_318 : i32 to index
            %swap3A_345 = arith.constant 32 : index
            %swap3A_346 = tpu.vector_load %arg19[%swap3A_344, %swap3A_345] {strides = array<i32>} : memref<128x128xf32, #tpu.memory_space<vmem>>, vector<16xf32>,
            tpu.vector_store %arg19[%swap3A_344, %swap3A_345], %mul3A_343 {strides = array<i32>} : memref<128x128xf32, #tpu.memory_space<vmem>>, vector<16xf32>,
            %get3A_347 = arith.index_cast %scan3A_318 : i32 to index
            %get3A_348 = arith.constant 48 : index
            %get3A_349 = tpu.vector_load %arg19[%get3A_347, %get3A_348] {strides = array<i32>} : memref<128x128xf32, #tpu.memory_space<vmem>>, vector<16xf32>,
            %mul3A_350 = vector.broadcast %squeeze3A : f32 to vector<16xf32>
            %mul3A_351 = arith.mulf %get3A_349, %mul3A_350 : vector<16xf32>
            %swap3A_352 = arith.index_cast %scan3A_318 : i32 to index
            %swap3A_353 = arith.constant 48 : index
            %swap3A_354 = tpu.vector_load %arg19[%swap3A_352, %swap3A_353] {strides = array<i32>} : memref<128x128xf32, #tpu.memory_space<vmem>>, vector<16xf32>,
            tpu.vector_store %arg19[%swap3A_352, %swap3A_353], %mul3A_351 {strides = array<i32>} : memref<128x128xf32, #tpu.memory_space<vmem>>, vector<16xf32>,
            %get3A_355 = arith.index_cast %scan3A_318 : i32 to index
            %get3A_356 = arith.constant 64 : index
            %get3A_357 = tpu.vector_load %arg19[%get3A_355, %get3A_356] {strides = array<i32>} : memref<128x128xf32, #tpu.memory_space<vmem>>, vector<16xf32>,
            %mul3A_358 = vector.broadcast %squeeze3A : f32 to vector<16xf32>
            %mul3A_359 = arith.mulf %get3A_357, %mul3A_358 : vector<16xf32>
            %swap3A_360 = arith.index_cast %scan3A_318 : i32 to index
            %swap3A_361 = arith.constant 64 : index
            %swap3A_362 = tpu.vector_load %arg19[%swap3A_360, %swap3A_361] {strides = array<i32>} : memref<128x128xf32, #tpu.memory_space<vmem>>, vector<16xf32>,
            tpu.vector_store %arg19[%swap3A_360, %swap3A_361], %mul3A_359 {strides = array<i32>} : memref<128x128xf32, #tpu.memory_space<vmem>>, vector<16xf32>,
            %get3A_363 = arith.index_cast %scan3A_318 : i32 to index
            %get3A_364 = arith.constant 80 : index
            %get3A_365 = tpu.vector_load %arg19[%get3A_363, %get3A_364] {strides = array<i32>} : memref<128x128xf32, #tpu.memory_space<vmem>>, vector<16xf32>,
            %mul3A_366 = vector.broadcast %squeeze3A : f32 to vector<16xf32>
            %mul3A_367 = arith.mulf %get3A_365, %mul3A_366 : vector<16xf32>
            %swap3A_368 = arith.index_cast %scan3A_318 : i32 to index
            %swap3A_369 = arith.constant 80 : index
            %swap3A_370 = tpu.vector_load %arg19[%swap3A_368, %swap3A_369] {strides = array<i32>} : memref<128x128xf32, #tpu.memory_space<vmem>>, vector<16xf32>,
            tpu.vector_store %arg19[%swap3A_368, %swap3A_369], %mul3A_367 {strides = array<i32>} : memref<128x128xf32, #tpu.memory_space<vmem>>, vector<16xf32>,
            %get3A_371 = arith.index_cast %scan3A_318 : i32 to index
            %get3A_372 = arith.constant 96 : index
            %get3A_373 = tpu.vector_load %arg19[%get3A_371, %get3A_372] {strides = array<i32>} : memref<128x128xf32, #tpu.memory_space<vmem>>, vector<16xf32>,
            %mul3A_374 = vector.broadcast %squeeze3A : f32 to vector<16xf32>
            %mul3A_375 = arith.mulf %get3A_373, %mul3A_374 : vector<16xf32>
            %swap3A_376 = arith.index_cast %scan3A_318 : i32 to index
            %swap3A_377 = arith.constant 96 : index
            %swap3A_378 = tpu.vector_load %arg19[%swap3A_376, %swap3A_377] {strides = array<i32>} : memref<128x128xf32, #tpu.memory_space<vmem>>, vector<16xf32>,
            tpu.vector_store %arg19[%swap3A_376, %swap3A_377], %mul3A_375 {strides = array<i32>} : memref<128x128xf32, #tpu.memory_space<vmem>>, vector<16xf32>,
            %get3A_379 = arith.index_cast %scan3A_318 : i32 to index
            %get3A_380 = arith.constant 112 : index
            %get3A_381 = tpu.vector_load %arg19[%get3A_379, %get3A_380] {strides = array<i32>} : memref<128x128xf32, #tpu.memory_space<vmem>>, vector<16xf32>,
            %mul3A_382 = vector.broadcast %squeeze3A : f32 to vector<16xf32>
            %mul3A_383 = arith.mulf %get3A_381, %mul3A_382 : vector<16xf32>
            %swap3A_384 = arith.index_cast %scan3A_318 : i32 to index
            %swap3A_385 = arith.constant 112 : index
            %swap3A_386 = tpu.vector_load %arg19[%swap3A_384, %swap3A_385] {strides = array<i32>} : memref<128x128xf32, #tpu.memory_space<vmem>>, vector<16xf32>,
            tpu.vector_store %arg19[%swap3A_384, %swap3A_385], %mul3A_383 {strides = array<i32>} : memref<128x128xf32, #tpu.memory_space<vmem>>, vector<16xf32>,
            %scan3A_387 = arith.constant 0 : i32
            scf.yield %scan3A_387 : i32
          }
          %scan3A_316 = arith.constant 128 : i32
          "tpu.region"() ({
            %run_scoped3A = tpu.sem_alloc : memref<!tpu.dma_semaphore, #tpu.memory_space<semaphore_mem>>
            %dma_start3A_318 = arith.constant 0 : i32
            %dma_start3A_319 = arith.constant 0 : i32
            %dma_start3A_320 = tpu.memref_slice %arg20[%dma_start3A_318, %dma_start3A_319] : memref<1024x128xf32, #tpu.memory_space<vmem_shared>> -> memref<1024x128xf32, #tpu.memory_space<vmem_shared>>
            tpu.enqueue_indirect_dma source(%arg19 : memref<128x128xf32, #tpu.memory_space<vmem>>) target(%dma_start3A_320 : memref<1024x128xf32, #tpu.memory_space<vmem_shared>>) offsets(%arg18 : memref<128xi32, #tpu.memory_space<vmem>>) semaphore(%run_scoped3A : memref<!tpu.dma_semaphore, #tpu.memory_space<semaphore_mem>>) {add = true}
            %dma_wait3A_321 = arith.constant 0 : i32
            %dma_wait3A_322 = arith.constant 0 : i32
            %dma_wait3A_323 = tpu.memref_slice %arg20[%dma_wait3A_321, %dma_wait3A_322] : memref<1024x128xf32, #tpu.memory_space<vmem_shared>> -> memref<1024x128xf32, #tpu.memory_space<vmem_shared>>
            tpu.wait_indirect_dma semaphore(%run_scoped3A : memref<!tpu.dma_semaphore, #tpu.memory_space<semaphore_mem>>) src(%arg19 : memref<128x128xf32, #tpu.memory_space<vmem>>) dst(%dma_wait3A_323 : memref<1024x128xf32, #tpu.memory_space<vmem_shared>>)
            tpu.yield
          }) : () -> ()
          %while3A_317 = arith.constant 0 : i32
          scf.yield %while3A_317 : i32
        }
      } else {
      }
      %jit3A_121 = arith.constant 0 : i32
      %select_n3A_122 = arith.select %gt3A_117, %jit3A_121, %scan3A_115 : i32
      scf.yield %select_n3A_122 : i32
    }
    %scan3A_25 = arith.constant 8 : i32
    %add3A_26 = arith.constant 0 : i32
    %add3A_27 = arith.addi %scan3A_24, %add3A_26 : i32
    %swap3A = arith.index_cast %add3A_27 : i32 to index
    %swap3A_28 = tpu.vector_load %arg16[%swap3A] {strides = array<i32>} : memref<6912xf32, #tpu.memory_space<vmem>>, vector<16xf32>,
    tpu.vector_store %arg16[%swap3A], %broadcast_in_dim3A_18 {strides = array<i32>} : memref<6912xf32, #tpu.memory_space<vmem>>, vector<16xf32>,
    %add3A_29 = arith.constant 16 : i32
    %add3A_30 = arith.addi %scan3A_24, %add3A_29 : i32
    %swap3A_31 = arith.index_cast %add3A_30 : i32 to index
    %swap3A_32 = tpu.vector_load %arg16[%swap3A_31] {strides = array<i32>} : memref<6912xf32, #tpu.memory_space<vmem>>, vector<16xf32>,
    tpu.vector_store %arg16[%swap3A_31], %broadcast_in_dim3A_18 {strides = array<i32>} : memref<6912xf32, #tpu.memory_space<vmem>>, vector<16xf32>,
    %add3A_33 = arith.constant 32 : i32
    %add3A_34 = arith.addi %scan3A_24, %add3A_33 : i32
    %swap3A_35 = arith.index_cast %add3A_34 : i32 to index
    %swap3A_36 = tpu.vector_load %arg16[%swap3A_35] {strides = array<i32>} : memref<6912xf32, #tpu.memory_space<vmem>>, vector<16xf32>,
    tpu.vector_store %arg16[%swap3A_35], %broadcast_in_dim3A_18 {strides = array<i32>} : memref<6912xf32, #tpu.memory_space<vmem>>, vector<16xf32>,
    %add3A_37 = arith.constant 48 : i32
    %add3A_38 = arith.addi %scan3A_24, %add3A_37 : i32
    %swap3A_39 = arith.index_cast %add3A_38 : i32 to index
    %swap3A_40 = tpu.vector_load %arg16[%swap3A_39] {strides = array<i32>} : memref<6912xf32, #tpu.memory_space<vmem>>, vector<16xf32>,
    tpu.vector_store %arg16[%swap3A_39], %broadcast_in_dim3A_18 {strides = array<i32>} : memref<6912xf32, #tpu.memory_space<vmem>>, vector<16xf32>,
    %add3A_41 = arith.constant 64 : i32
    %add3A_42 = arith.addi %scan3A_24, %add3A_41 : i32
    %swap3A_43 = arith.index_cast %add3A_42 : i32 to index
    %swap3A_44 = tpu.vector_load %arg16[%swap3A_43] {strides = array<i32>} : memref<6912xf32, #tpu.memory_space<vmem>>, vector<16xf32>,
    tpu.vector_store %arg16[%swap3A_43], %broadcast_in_dim3A_18 {strides = array<i32>} : memref<6912xf32, #tpu.memory_space<vmem>>, vector<16xf32>,
    %add3A_45 = arith.constant 80 : i32
    %add3A_46 = arith.addi %scan3A_24, %add3A_45 : i32
    %swap3A_47 = arith.index_cast %add3A_46 : i32 to index
    %swap3A_48 = tpu.vector_load %arg16[%swap3A_47] {strides = array<i32>} : memref<6912xf32, #tpu.memory_space<vmem>>, vector<16xf32>,
    tpu.vector_store %arg16[%swap3A_47], %broadcast_in_dim3A_18 {strides = array<i32>} : memref<6912xf32, #tpu.memory_space<vmem>>, vector<16xf32>,
    %add3A_49 = arith.constant 96 : i32
    %add3A_50 = arith.addi %scan3A_24, %add3A_49 : i32
    %swap3A_51 = arith.index_cast %add3A_50 : i32 to index
    %swap3A_52 = tpu.vector_load %arg16[%swap3A_51] {strides = array<i32>} : memref<6912xf32, #tpu.memory_space<vmem>>, vector<16xf32>,
    tpu.vector_store %arg16[%swap3A_51], %broadcast_in_dim3A_18 {strides = array<i32>} : memref<6912xf32, #tpu.memory_space<vmem>>, vector<16xf32>,
    %add3A_53 = arith.constant 112 : i32
    %add3A_54 = arith.addi %scan3A_24, %add3A_53 : i32
    %swap3A_55 = arith.index_cast %add3A_54 : i32 to index
    %swap3A_56 = tpu.vector_load %arg16[%swap3A_55] {strides = array<i32>} : memref<6912xf32, #tpu.memory_space<vmem>>, vector<16xf32>,
    tpu.vector_store %arg16[%swap3A_55], %broadcast_in_dim3A_18 {strides = array<i32>} : memref<6912xf32, #tpu.memory_space<vmem>>, vector<16xf32>,
    %add3A_57 = arith.constant 128 : i32
    %add3A_58 = arith.addi %scan3A_24, %add3A_57 : i32
    %sub3A = arith.constant 1 : i32
    %sub3A_59 = arith.subi %add3A_58, %sub3A : i32
    %jit3A = arith.constant 128 : i32
    %div3A = arith.divsi %sub3A_59, %jit3A : i32
    %sign3A = arith.constant 0 : i32
    %sign3A_60 = arith.cmpi sgt, %sub3A_59, %sign3A : i32
    %sign3A_61 = arith.extui %sign3A_60 : i1 to i32
    %sign3A_62 = arith.constant 0 : i32
    %sign3A_63 = arith.cmpi slt, %sub3A_59, %sign3A_62 : i32
    %sign3A_64 = arith.extui %sign3A_63 : i1 to i32
    %sign3A_65 = arith.subi %sign3A_61, %sign3A_64 : i32
    %sign3A_66 = arith.constant 0 : i32
    %sign3A_67 = arith.cmpi sgt, %jit3A, %sign3A_66 : i32
    %sign3A_68 = arith.extui %sign3A_67 : i1 to i32
    %sign3A_69 = arith.constant 0 : i32
    %sign3A_70 = arith.cmpi slt, %jit3A, %sign3A_69 : i32
    %sign3A_71 = arith.extui %sign3A_70 : i1 to i32
    %sign3A_72 = arith.subi %sign3A_68, %sign3A_71 : i32
    %ne3A = arith.cmpi ne, %sign3A_65, %sign3A_72 : i32
    %rem3A = arith.remsi %sub3A_59, %jit3A : i32
    %ne3A_73 = arith.constant 0 : i32
    %ne3A_74 = arith.cmpi ne, %rem3A, %ne3A_73 : i32
    %and3A = arith.andi %ne3A, %ne3A_74 : i1
    %sub3A_75 = arith.constant 1 : i32
    %sub3A_76 = arith.subi %div3A, %sub3A_75 : i32
    %select_n3A = arith.select %and3A, %sub3A_76, %div3A : i32
    %while3A = arith.constant 0 : i32
    %while3A_77 = arith.constant 0 : i32
    %while3A_78 = arith.subi %select_n3A, %while3A : i32
    %while3A_79 = arith.addi %while3A, %while3A_78 : i32
    %while3A_80 = arith.constant 1 : i32
    %while3A_81 = arith.divsi %while3A_78, %while3A_80 : i32
    %while3A_82 = arith.muli %while3A_81, %while3A_80 : i32
    %while3A_83 = arith.addi %while3A, %while3A_82 : i32
    %while3A_84 = arith.constant 1 : i32
    %while3A_85 = scf.for %while3A_94 = %while3A to %while3A_83 step %while3A_84 iter_args(%while3A_95 = %while3A_77) -> (i32)  : i32 {
      %mul3A_96 = arith.constant 128 : i32
      %mul3A_97 = arith.muli %while3A_94, %mul3A_96 : i32
      %add3A_98 = arith.constant 0 : i32
      %add3A_99 = arith.addi %mul3A_97, %add3A_98 : i32
      %get3A = arith.index_cast %add3A_99 : i32 to index
      %get3A_100 = tpu.vector_load %arg17[%get3A] {strides = array<i32>} : memref<6912xi32, #tpu.memory_space<vmem>>, vector<16xi32>,
      %swap3A_101 = arith.constant 0 : index
      %swap3A_102 = tpu.vector_load %arg18[%swap3A_101] {strides = array<i32>} : memref<128xi32, #tpu.memory_space<vmem>>, vector<16xi32>,
      tpu.vector_store %arg18[%swap3A_101], %get3A_100 {strides = array<i32>} : memref<128xi32, #tpu.memory_space<vmem>>, vector<16xi32>,
      %add3A_103 = arith.constant 16 : i32
      %add3A_104 = arith.addi %mul3A_97, %add3A_103 : i32
      %get3A_105 = arith.index_cast %add3A_104 : i32 to index
      %get3A_106 = tpu.vector_load %arg17[%get3A_105] {strides = array<i32>} : memref<6912xi32, #tpu.memory_space<vmem>>, vector<16xi32>,
      %swap3A_107 = arith.constant 16 : index
      %swap3A_108 = tpu.vector_load %arg18[%swap3A_107] {strides = array<i32>} : memref<128xi32, #tpu.memory_space<vmem>>, vector<16xi32>,
      tpu.vector_store %arg18[%swap3A_107], %get3A_106 {strides = array<i32>} : memref<128xi32, #tpu.memory_space<vmem>>, vector<16xi32>,
      %add3A_109 = arith.constant 32 : i32
      %add3A_110 = arith.addi %mul3A_97, %add3A_109 : i32
      %get3A_111 = arith.index_cast %add3A_110 : i32 to index
      %get3A_112 = tpu.vector_load %arg17[%get3A_111] {strides = array<i32>} : memref<6912xi32, #tpu.memory_space<vmem>>, vector<16xi32>,
      %swap3A_113 = arith.constant 32 : index
      %swap3A_114 = tpu.vector_load %arg18[%swap3A_113] {strides = array<i32>} : memref<128xi32, #tpu.memory_space<vmem>>, vector<16xi32>,
      tpu.vector_store %arg18[%swap3A_113], %get3A_112 {strides = array<i32>} : memref<128xi32, #tpu.memory_space<vmem>>, vector<16xi32>,
      %add3A_115 = arith.constant 48 : i32
      %add3A_116 = arith.addi %mul3A_97, %add3A_115 : i32
      %get3A_117 = arith.index_cast %add3A_116 : i32 to index
      %get3A_118 = tpu.vector_load %arg17[%get3A_117] {strides = array<i32>} : memref<6912xi32, #tpu.memory_space<vmem>>, vector<16xi32>,
      %swap3A_119 = arith.constant 48 : index
      %swap3A_120 = tpu.vector_load %arg18[%swap3A_119] {strides = array<i32>} : memref<128xi32, #tpu.memory_space<vmem>>, vector<16xi32>,
      tpu.vector_store %arg18[%swap3A_119], %get3A_118 {strides = array<i32>} : memref<128xi32, #tpu.memory_space<vmem>>, vector<16xi32>,
      %add3A_121 = arith.constant 64 : i32
      %add3A_122 = arith.addi %mul3A_97, %add3A_121 : i32
      %get3A_123 = arith.index_cast %add3A_122 : i32 to index
      %get3A_124 = tpu.vector_load %arg17[%get3A_123] {strides = array<i32>} : memref<6912xi32, #tpu.memory_space<vmem>>, vector<16xi32>,
      %swap3A_125 = arith.constant 64 : index
      %swap3A_126 = tpu.vector_load %arg18[%swap3A_125] {strides = array<i32>} : memref<128xi32, #tpu.memory_space<vmem>>, vector<16xi32>,
      tpu.vector_store %arg18[%swap3A_125], %get3A_124 {strides = array<i32>} : memref<128xi32, #tpu.memory_space<vmem>>, vector<16xi32>,
      %add3A_127 = arith.constant 80 : i32
      %add3A_128 = arith.addi %mul3A_97, %add3A_127 : i32
      %get3A_129 = arith.index_cast %add3A_128 : i32 to index
      %get3A_130 = tpu.vector_load %arg17[%get3A_129] {strides = array<i32>} : memref<6912xi32, #tpu.memory_space<vmem>>, vector<16xi32>,
      %swap3A_131 = arith.constant 80 : index
      %swap3A_132 = tpu.vector_load %arg18[%swap3A_131] {strides = array<i32>} : memref<128xi32, #tpu.memory_space<vmem>>, vector<16xi32>,
      tpu.vector_store %arg18[%swap3A_131], %get3A_130 {strides = array<i32>} : memref<128xi32, #tpu.memory_space<vmem>>, vector<16xi32>,
      %add3A_133 = arith.constant 96 : i32
      %add3A_134 = arith.addi %mul3A_97, %add3A_133 : i32
      %get3A_135 = arith.index_cast %add3A_134 : i32 to index
      %get3A_136 = tpu.vector_load %arg17[%get3A_135] {strides = array<i32>} : memref<6912xi32, #tpu.memory_space<vmem>>, vector<16xi32>,
      %swap3A_137 = arith.constant 96 : index
      %swap3A_138 = tpu.vector_load %arg18[%swap3A_137] {strides = array<i32>} : memref<128xi32, #tpu.memory_space<vmem>>, vector<16xi32>,
      tpu.vector_store %arg18[%swap3A_137], %get3A_136 {strides = array<i32>} : memref<128xi32, #tpu.memory_space<vmem>>, vector<16xi32>,
      %add3A_139 = arith.constant 112 : i32
      %add3A_140 = arith.addi %mul3A_97, %add3A_139 : i32
      %get3A_141 = arith.index_cast %add3A_140 : i32 to index
      %get3A_142 = tpu.vector_load %arg17[%get3A_141] {strides = array<i32>} : memref<6912xi32, #tpu.memory_space<vmem>>, vector<16xi32>,
      %swap3A_143 = arith.constant 112 : index
      %swap3A_144 = tpu.vector_load %arg18[%swap3A_143] {strides = array<i32>} : memref<128xi32, #tpu.memory_space<vmem>>, vector<16xi32>,
      tpu.vector_store %arg18[%swap3A_143], %get3A_142 {strides = array<i32>} : memref<128xi32, #tpu.memory_space<vmem>>, vector<16xi32>,
      %add3A_145 = arith.constant 0 : i32
      %add3A_146 = arith.addi %mul3A_97, %add3A_145 : i32
      %dma_start3A = arith.constant 0 : i32
      %dma_start3A_147 = arith.constant 0 : i32
      %dma_start3A_148 = tpu.memref_slice %arg19[%dma_start3A, %dma_start3A_147] : memref<128x128xf32, #tpu.memory_space<vmem>> -> memref<32x128xf32, #tpu.memory_space<vmem>>
      %dma_start3A_149 = tpu.memref_slice %arg15[%add3A_146] : memref<6912xi32, #tpu.memory_space<vmem>> -> memref<32xi32, #tpu.memory_space<vmem>>
      %dma_start3A_150 = arith.constant 0 : i32
      %dma_start3A_151 = arith.constant 0 : i32
      %dma_start3A_152 = tpu.memref_slice %arg6[%dma_start3A_150, %dma_start3A_151] : memref<51200x128xf32, #tpu.memory_space<hbm>> -> memref<51200x128xf32, #tpu.memory_space<hbm>>
      tpu.enqueue_indirect_dma source(%dma_start3A_152 : memref<51200x128xf32, #tpu.memory_space<hbm>>) target(%dma_start3A_148 : memref<32x128xf32, #tpu.memory_space<vmem>>) offsets(%dma_start3A_149 : memref<32xi32, #tpu.memory_space<vmem>>) semaphore(%arg21 : memref<!tpu.dma_semaphore, #tpu.memory_space<semaphore_mem>>)
      %add3A_153 = arith.constant 32 : i32
      %add3A_154 = arith.addi %mul3A_97, %add3A_153 : i32
      %dma_start3A_155 = arith.constant 32 : i32
      %dma_start3A_156 = arith.constant 0 : i32
      %dma_start3A_157 = tpu.memref_slice %arg19[%dma_start3A_155, %dma_start3A_156] : memref<128x128xf32, #tpu.memory_space<vmem>> -> memref<32x128xf32, #tpu.memory_space<vmem>>
      %dma_start3A_158 = tpu.memref_slice %arg15[%add3A_154] : memref<6912xi32, #tpu.memory_space<vmem>> -> memref<32xi32, #tpu.memory_space<vmem>>
      %dma_start3A_159 = arith.constant 0 : i32
      %dma_start3A_160 = arith.constant 0 : i32
      %dma_start3A_161 = tpu.memref_slice %arg6[%dma_start3A_159, %dma_start3A_160] : memref<51200x128xf32, #tpu.memory_space<hbm>> -> memref<51200x128xf32, #tpu.memory_space<hbm>>
      tpu.enqueue_indirect_dma source(%dma_start3A_161 : memref<51200x128xf32, #tpu.memory_space<hbm>>) target(%dma_start3A_157 : memref<32x128xf32, #tpu.memory_space<vmem>>) offsets(%dma_start3A_158 : memref<32xi32, #tpu.memory_space<vmem>>) semaphore(%arg21 : memref<!tpu.dma_semaphore, #tpu.memory_space<semaphore_mem>>)
      %add3A_162 = arith.constant 64 : i32
      %add3A_163 = arith.addi %mul3A_97, %add3A_162 : i32
      %dma_start3A_164 = arith.constant 64 : i32
      %dma_start3A_165 = arith.constant 0 : i32
      %dma_start3A_166 = tpu.memref_slice %arg19[%dma_start3A_164, %dma_start3A_165] : memref<128x128xf32, #tpu.memory_space<vmem>> -> memref<32x128xf32, #tpu.memory_space<vmem>>
      %dma_start3A_167 = tpu.memref_slice %arg15[%add3A_163] : memref<6912xi32, #tpu.memory_space<vmem>> -> memref<32xi32, #tpu.memory_space<vmem>>
      %dma_start3A_168 = arith.constant 0 : i32
      %dma_start3A_169 = arith.constant 0 : i32
      %dma_start3A_170 = tpu.memref_slice %arg6[%dma_start3A_168, %dma_start3A_169] : memref<51200x128xf32, #tpu.memory_space<hbm>> -> memref<51200x128xf32, #tpu.memory_space<hbm>>
      tpu.enqueue_indirect_dma source(%dma_start3A_170 : memref<51200x128xf32, #tpu.memory_space<hbm>>) target(%dma_start3A_166 : memref<32x128xf32, #tpu.memory_space<vmem>>) offsets(%dma_start3A_167 : memref<32xi32, #tpu.memory_space<vmem>>) semaphore(%arg21 : memref<!tpu.dma_semaphore, #tpu.memory_space<semaphore_mem>>)
      %add3A_171 = arith.constant 96 : i32
      %add3A_172 = arith.addi %mul3A_97, %add3A_171 : i32
      %dma_start3A_173 = arith.constant 96 : i32
      %dma_start3A_174 = arith.constant 0 : i32
      %dma_start3A_175 = tpu.memref_slice %arg19[%dma_start3A_173, %dma_start3A_174] : memref<128x128xf32, #tpu.memory_space<vmem>> -> memref<32x128xf32, #tpu.memory_space<vmem>>
      %dma_start3A_176 = tpu.memref_slice %arg15[%add3A_172] : memref<6912xi32, #tpu.memory_space<vmem>> -> memref<32xi32, #tpu.memory_space<vmem>>
      %dma_start3A_177 = arith.constant 0 : i32
      %dma_start3A_178 = arith.constant 0 : i32
      %dma_start3A_179 = tpu.memref_slice %arg6[%dma_start3A_177, %dma_start3A_178] : memref<51200x128xf32, #tpu.memory_space<hbm>> -> memref<51200x128xf32, #tpu.memory_space<hbm>>
      tpu.enqueue_indirect_dma source(%dma_start3A_179 : memref<51200x128xf32, #tpu.memory_space<hbm>>) target(%dma_start3A_175 : memref<32x128xf32, #tpu.memory_space<vmem>>) offsets(%dma_start3A_176 : memref<32xi32, #tpu.memory_space<vmem>>) semaphore(%arg21 : memref<!tpu.dma_semaphore, #tpu.memory_space<semaphore_mem>>)
      %dma_wait3A = arith.constant 0 : i32
      %dma_wait3A_180 = arith.constant 0 : i32
      %dma_wait3A_181 = tpu.memref_slice %arg19[%dma_wait3A, %dma_wait3A_180] : memref<128x128xf32, #tpu.memory_space<vmem>> -> memref<32x128xf32, #tpu.memory_space<vmem>>
      %dma_wait3A_182 = tpu.memref_slice %arg15[%add3A_146] : memref<6912xi32, #tpu.memory_space<vmem>> -> memref<32xi32, #tpu.memory_space<vmem>>
      %dma_wait3A_183 = arith.constant 0 : i32
      %dma_wait3A_184 = arith.constant 0 : i32
      %dma_wait3A_185 = tpu.memref_slice %arg6[%dma_wait3A_183, %dma_wait3A_184] : memref<51200x128xf32, #tpu.memory_space<hbm>> -> memref<51200x128xf32, #tpu.memory_space<hbm>>
      tpu.wait_indirect_dma semaphore(%arg21 : memref<!tpu.dma_semaphore, #tpu.memory_space<semaphore_mem>>) src(%dma_wait3A_185 : memref<51200x128xf32, #tpu.memory_space<hbm>>) dst(%dma_wait3A_181 : memref<32x128xf32, #tpu.memory_space<vmem>>)
      %dma_wait3A_186 = arith.constant 32 : i32
      %dma_wait3A_187 = arith.constant 0 : i32
      %dma_wait3A_188 = tpu.memref_slice %arg19[%dma_wait3A_186, %dma_wait3A_187] : memref<128x128xf32, #tpu.memory_space<vmem>> -> memref<32x128xf32, #tpu.memory_space<vmem>>
      %dma_wait3A_189 = tpu.memref_slice %arg15[%add3A_154] : memref<6912xi32, #tpu.memory_space<vmem>> -> memref<32xi32, #tpu.memory_space<vmem>>
      %dma_wait3A_190 = arith.constant 0 : i32
      %dma_wait3A_191 = arith.constant 0 : i32
      %dma_wait3A_192 = tpu.memref_slice %arg6[%dma_wait3A_190, %dma_wait3A_191] : memref<51200x128xf32, #tpu.memory_space<hbm>> -> memref<51200x128xf32, #tpu.memory_space<hbm>>
      tpu.wait_indirect_dma semaphore(%arg21 : memref<!tpu.dma_semaphore, #tpu.memory_space<semaphore_mem>>) src(%dma_wait3A_192 : memref<51200x128xf32, #tpu.memory_space<hbm>>) dst(%dma_wait3A_188 : memref<32x128xf32, #tpu.memory_space<vmem>>)
      %dma_wait3A_193 = arith.constant 64 : i32
      %dma_wait3A_194 = arith.constant 0 : i32
      %dma_wait3A_195 = tpu.memref_slice %arg19[%dma_wait3A_193, %dma_wait3A_194] : memref<128x128xf32, #tpu.memory_space<vmem>> -> memref<32x128xf32, #tpu.memory_space<vmem>>
      %dma_wait3A_196 = tpu.memref_slice %arg15[%add3A_163] : memref<6912xi32, #tpu.memory_space<vmem>> -> memref<32xi32, #tpu.memory_space<vmem>>
      %dma_wait3A_197 = arith.constant 0 : i32
      %dma_wait3A_198 = arith.constant 0 : i32
      %dma_wait3A_199 = tpu.memref_slice %arg6[%dma_wait3A_197, %dma_wait3A_198] : memref<51200x128xf32, #tpu.memory_space<hbm>> -> memref<51200x128xf32, #tpu.memory_space<hbm>>
      tpu.wait_indirect_dma semaphore(%arg21 : memref<!tpu.dma_semaphore, #tpu.memory_space<semaphore_mem>>) src(%dma_wait3A_199 : memref<51200x128xf32, #tpu.memory_space<hbm>>) dst(%dma_wait3A_195 : memref<32x128xf32, #tpu.memory_space<vmem>>)
      %dma_wait3A_200 = arith.constant 96 : i32
      %dma_wait3A_201 = arith.constant 0 : i32
      %dma_wait3A_202 = tpu.memref_slice %arg19[%dma_wait3A_200, %dma_wait3A_201] : memref<128x128xf32, #tpu.memory_space<vmem>> -> memref<32x128xf32, #tpu.memory_space<vmem>>
      %dma_wait3A_203 = tpu.memref_slice %arg15[%add3A_172] : memref<6912xi32, #tpu.memory_space<vmem>> -> memref<32xi32, #tpu.memory_space<vmem>>
      %dma_wait3A_204 = arith.constant 0 : i32
      %dma_wait3A_205 = arith.constant 0 : i32
      %dma_wait3A_206 = tpu.memref_slice %arg6[%dma_wait3A_204, %dma_wait3A_205] : memref<51200x128xf32, #tpu.memory_space<hbm>> -> memref<51200x128xf32, #tpu.memory_space<hbm>>
      tpu.wait_indirect_dma semaphore(%arg21 : memref<!tpu.dma_semaphore, #tpu.memory_space<semaphore_mem>>) src(%dma_wait3A_206 : memref<51200x128xf32, #tpu.memory_space<hbm>>) dst(%dma_wait3A_202 : memref<32x128xf32, #tpu.memory_space<vmem>>)
      %scan3A_207 = arith.constant 0 : i32
      %scan3A_208 = arith.constant 0 : i32
      %scan3A_209 = arith.constant 128 : i32
      %scan3A_210 = arith.addi %scan3A_208, %scan3A_209 : i32
      %scan3A_211 = arith.constant 1 : i32
      %scan3A_212 = scf.for %scan3A_215 = %scan3A_208 to %scan3A_210 step %scan3A_211 iter_args(%scan3A_216 = %scan3A_207) -> (i32)  : i32 {
        %add3A_217 = arith.addi %mul3A_97, %scan3A_215 : i32
        %get3A_218 = arith.index_cast %add3A_217 : i32 to index
        %get3A_219 = tpu.vector_load %arg16[%get3A_218] {strides = array<i32>} : memref<6912xf32, #tpu.memory_space<vmem>>, vector<16xf32>,
        %slice3A = vector.extract_strided_slice %get3A_219 {offsets = [0], sizes = [1], strides = [1]} : vector<16xf32> to vector<1xf32>
        %squeeze3A = vector.extract %slice3A[0] : f32 from vector<1xf32>
        %get3A_220 = arith.index_cast %scan3A_215 : i32 to index
        %get3A_221 = arith.constant 0 : index
        %get3A_222 = tpu.vector_load %arg19[%get3A_220, %get3A_221] {strides = array<i32>} : memref<128x128xf32, #tpu.memory_space<vmem>>, vector<16xf32>,
        %mul3A_223 = vector.broadcast %squeeze3A : f32 to vector<16xf32>
        %mul3A_224 = arith.mulf %get3A_222, %mul3A_223 : vector<16xf32>
        %swap3A_225 = arith.index_cast %scan3A_215 : i32 to index
        %swap3A_226 = arith.constant 0 : index
        %swap3A_227 = tpu.vector_load %arg19[%swap3A_225, %swap3A_226] {strides = array<i32>} : memref<128x128xf32, #tpu.memory_space<vmem>>, vector<16xf32>,
        tpu.vector_store %arg19[%swap3A_225, %swap3A_226], %mul3A_224 {strides = array<i32>} : memref<128x128xf32, #tpu.memory_space<vmem>>, vector<16xf32>,
        %get3A_228 = arith.index_cast %scan3A_215 : i32 to index
        %get3A_229 = arith.constant 16 : index
        %get3A_230 = tpu.vector_load %arg19[%get3A_228, %get3A_229] {strides = array<i32>} : memref<128x128xf32, #tpu.memory_space<vmem>>, vector<16xf32>,
        %mul3A_231 = vector.broadcast %squeeze3A : f32 to vector<16xf32>
        %mul3A_232 = arith.mulf %get3A_230, %mul3A_231 : vector<16xf32>
        %swap3A_233 = arith.index_cast %scan3A_215 : i32 to index
        %swap3A_234 = arith.constant 16 : index
        %swap3A_235 = tpu.vector_load %arg19[%swap3A_233, %swap3A_234] {strides = array<i32>} : memref<128x128xf32, #tpu.memory_space<vmem>>, vector<16xf32>,
        tpu.vector_store %arg19[%swap3A_233, %swap3A_234], %mul3A_232 {strides = array<i32>} : memref<128x128xf32, #tpu.memory_space<vmem>>, vector<16xf32>,
        %get3A_236 = arith.index_cast %scan3A_215 : i32 to index
        %get3A_237 = arith.constant 32 : index
        %get3A_238 = tpu.vector_load %arg19[%get3A_236, %get3A_237] {strides = array<i32>} : memref<128x128xf32, #tpu.memory_space<vmem>>, vector<16xf32>,
        %mul3A_239 = vector.broadcast %squeeze3A : f32 to vector<16xf32>
        %mul3A_240 = arith.mulf %get3A_238, %mul3A_239 : vector<16xf32>
        %swap3A_241 = arith.index_cast %scan3A_215 : i32 to index
        %swap3A_242 = arith.constant 32 : index
        %swap3A_243 = tpu.vector_load %arg19[%swap3A_241, %swap3A_242] {strides = array<i32>} : memref<128x128xf32, #tpu.memory_space<vmem>>, vector<16xf32>,
        tpu.vector_store %arg19[%swap3A_241, %swap3A_242], %mul3A_240 {strides = array<i32>} : memref<128x128xf32, #tpu.memory_space<vmem>>, vector<16xf32>,
        %get3A_244 = arith.index_cast %scan3A_215 : i32 to index
        %get3A_245 = arith.constant 48 : index
        %get3A_246 = tpu.vector_load %arg19[%get3A_244, %get3A_245] {strides = array<i32>} : memref<128x128xf32, #tpu.memory_space<vmem>>, vector<16xf32>,
        %mul3A_247 = vector.broadcast %squeeze3A : f32 to vector<16xf32>
        %mul3A_248 = arith.mulf %get3A_246, %mul3A_247 : vector<16xf32>
        %swap3A_249 = arith.index_cast %scan3A_215 : i32 to index
        %swap3A_250 = arith.constant 48 : index
        %swap3A_251 = tpu.vector_load %arg19[%swap3A_249, %swap3A_250] {strides = array<i32>} : memref<128x128xf32, #tpu.memory_space<vmem>>, vector<16xf32>,
        tpu.vector_store %arg19[%swap3A_249, %swap3A_250], %mul3A_248 {strides = array<i32>} : memref<128x128xf32, #tpu.memory_space<vmem>>, vector<16xf32>,
        %get3A_252 = arith.index_cast %scan3A_215 : i32 to index
        %get3A_253 = arith.constant 64 : index
        %get3A_254 = tpu.vector_load %arg19[%get3A_252, %get3A_253] {strides = array<i32>} : memref<128x128xf32, #tpu.memory_space<vmem>>, vector<16xf32>,
        %mul3A_255 = vector.broadcast %squeeze3A : f32 to vector<16xf32>
        %mul3A_256 = arith.mulf %get3A_254, %mul3A_255 : vector<16xf32>
        %swap3A_257 = arith.index_cast %scan3A_215 : i32 to index
        %swap3A_258 = arith.constant 64 : index
        %swap3A_259 = tpu.vector_load %arg19[%swap3A_257, %swap3A_258] {strides = array<i32>} : memref<128x128xf32, #tpu.memory_space<vmem>>, vector<16xf32>,
        tpu.vector_store %arg19[%swap3A_257, %swap3A_258], %mul3A_256 {strides = array<i32>} : memref<128x128xf32, #tpu.memory_space<vmem>>, vector<16xf32>,
        %get3A_260 = arith.index_cast %scan3A_215 : i32 to index
        %get3A_261 = arith.constant 80 : index
        %get3A_262 = tpu.vector_load %arg19[%get3A_260, %get3A_261] {strides = array<i32>} : memref<128x128xf32, #tpu.memory_space<vmem>>, vector<16xf32>,
        %mul3A_263 = vector.broadcast %squeeze3A : f32 to vector<16xf32>
        %mul3A_264 = arith.mulf %get3A_262, %mul3A_263 : vector<16xf32>
        %swap3A_265 = arith.index_cast %scan3A_215 : i32 to index
        %swap3A_266 = arith.constant 80 : index
        %swap3A_267 = tpu.vector_load %arg19[%swap3A_265, %swap3A_266] {strides = array<i32>} : memref<128x128xf32, #tpu.memory_space<vmem>>, vector<16xf32>,
        tpu.vector_store %arg19[%swap3A_265, %swap3A_266], %mul3A_264 {strides = array<i32>} : memref<128x128xf32, #tpu.memory_space<vmem>>, vector<16xf32>,
        %get3A_268 = arith.index_cast %scan3A_215 : i32 to index
        %get3A_269 = arith.constant 96 : index
        %get3A_270 = tpu.vector_load %arg19[%get3A_268, %get3A_269] {strides = array<i32>} : memref<128x128xf32, #tpu.memory_space<vmem>>, vector<16xf32>,
        %mul3A_271 = vector.broadcast %squeeze3A : f32 to vector<16xf32>
        %mul3A_272 = arith.mulf %get3A_270, %mul3A_271 : vector<16xf32>
        %swap3A_273 = arith.index_cast %scan3A_215 : i32 to index
        %swap3A_274 = arith.constant 96 : index
        %swap3A_275 = tpu.vector_load %arg19[%swap3A_273, %swap3A_274] {strides = array<i32>} : memref<128x128xf32, #tpu.memory_space<vmem>>, vector<16xf32>,
        tpu.vector_store %arg19[%swap3A_273, %swap3A_274], %mul3A_272 {strides = array<i32>} : memref<128x128xf32, #tpu.memory_space<vmem>>, vector<16xf32>,
        %get3A_276 = arith.index_cast %scan3A_215 : i32 to index
        %get3A_277 = arith.constant 112 : index
        %get3A_278 = tpu.vector_load %arg19[%get3A_276, %get3A_277] {strides = array<i32>} : memref<128x128xf32, #tpu.memory_space<vmem>>, vector<16xf32>,
        %mul3A_279 = vector.broadcast %squeeze3A : f32 to vector<16xf32>
        %mul3A_280 = arith.mulf %get3A_278, %mul3A_279 : vector<16xf32>
        %swap3A_281 = arith.index_cast %scan3A_215 : i32 to index
        %swap3A_282 = arith.constant 112 : index
        %swap3A_283 = tpu.vector_load %arg19[%swap3A_281, %swap3A_282] {strides = array<i32>} : memref<128x128xf32, #tpu.memory_space<vmem>>, vector<16xf32>,
        tpu.vector_store %arg19[%swap3A_281, %swap3A_282], %mul3A_280 {strides = array<i32>} : memref<128x128xf32, #tpu.memory_space<vmem>>, vector<16xf32>,
        %scan3A_284 = arith.constant 0 : i32
        scf.yield %scan3A_284 : i32
      }
      %scan3A_213 = arith.constant 128 : i32
      "tpu.region"() ({
        %run_scoped3A = tpu.sem_alloc : memref<!tpu.dma_semaphore, #tpu.memory_space<semaphore_mem>>
        %dma_start3A_215 = arith.constant 0 : i32
        %dma_start3A_216 = arith.constant 0 : i32
        %dma_start3A_217 = tpu.memref_slice %arg20[%dma_start3A_215, %dma_start3A_216] : memref<1024x128xf32, #tpu.memory_space<vmem_shared>> -> memref<1024x128xf32, #tpu.memory_space<vmem_shared>>
        tpu.enqueue_indirect_dma source(%arg19 : memref<128x128xf32, #tpu.memory_space<vmem>>) target(%dma_start3A_217 : memref<1024x128xf32, #tpu.memory_space<vmem_shared>>) offsets(%arg18 : memref<128xi32, #tpu.memory_space<vmem>>) semaphore(%run_scoped3A : memref<!tpu.dma_semaphore, #tpu.memory_space<semaphore_mem>>) {add = true}
        %dma_wait3A_218 = arith.constant 0 : i32
        %dma_wait3A_219 = arith.constant 0 : i32
        %dma_wait3A_220 = tpu.memref_slice %arg20[%dma_wait3A_218, %dma_wait3A_219] : memref<1024x128xf32, #tpu.memory_space<vmem_shared>> -> memref<1024x128xf32, #tpu.memory_space<vmem_shared>>
        tpu.wait_indirect_dma semaphore(%run_scoped3A : memref<!tpu.dma_semaphore, #tpu.memory_space<semaphore_mem>>) src(%arg19 : memref<128x128xf32, #tpu.memory_space<vmem>>) dst(%dma_wait3A_220 : memref<1024x128xf32, #tpu.memory_space<vmem_shared>>)
        tpu.yield
      }) : () -> ()
      %while3A_214 = arith.constant 0 : i32
      scf.yield %while3A_214 : i32
    }
    %while3A_86 = arith.constant 1 : i32
    %while3A_87 = scf.for %while3A_94 = %while3A_83 to %while3A_79 step %while3A_86 iter_args(%while3A_95 = %while3A_85) -> (i32)  : i32 {
      %mul3A_96 = arith.constant 128 : i32
      %mul3A_97 = arith.muli %while3A_94, %mul3A_96 : i32
      %add3A_98 = arith.constant 0 : i32
      %add3A_99 = arith.addi %mul3A_97, %add3A_98 : i32
      %get3A = arith.index_cast %add3A_99 : i32 to index
      %get3A_100 = tpu.vector_load %arg17[%get3A] {strides = array<i32>} : memref<6912xi32, #tpu.memory_space<vmem>>, vector<16xi32>,
      %swap3A_101 = arith.constant 0 : index
      %swap3A_102 = tpu.vector_load %arg18[%swap3A_101] {strides = array<i32>} : memref<128xi32, #tpu.memory_space<vmem>>, vector<16xi32>,
      tpu.vector_store %arg18[%swap3A_101], %get3A_100 {strides = array<i32>} : memref<128xi32, #tpu.memory_space<vmem>>, vector<16xi32>,
      %add3A_103 = arith.constant 16 : i32
      %add3A_104 = arith.addi %mul3A_97, %add3A_103 : i32
      %get3A_105 = arith.index_cast %add3A_104 : i32 to index
      %get3A_106 = tpu.vector_load %arg17[%get3A_105] {strides = array<i32>} : memref<6912xi32, #tpu.memory_space<vmem>>, vector<16xi32>,
      %swap3A_107 = arith.constant 16 : index
      %swap3A_108 = tpu.vector_load %arg18[%swap3A_107] {strides = array<i32>} : memref<128xi32, #tpu.memory_space<vmem>>, vector<16xi32>,
      tpu.vector_store %arg18[%swap3A_107], %get3A_106 {strides = array<i32>} : memref<128xi32, #tpu.memory_space<vmem>>, vector<16xi32>,
      %add3A_109 = arith.constant 32 : i32
      %add3A_110 = arith.addi %mul3A_97, %add3A_109 : i32
      %get3A_111 = arith.index_cast %add3A_110 : i32 to index
      %get3A_112 = tpu.vector_load %arg17[%get3A_111] {strides = array<i32>} : memref<6912xi32, #tpu.memory_space<vmem>>, vector<16xi32>,
      %swap3A_113 = arith.constant 32 : index
      %swap3A_114 = tpu.vector_load %arg18[%swap3A_113] {strides = array<i32>} : memref<128xi32, #tpu.memory_space<vmem>>, vector<16xi32>,
      tpu.vector_store %arg18[%swap3A_113], %get3A_112 {strides = array<i32>} : memref<128xi32, #tpu.memory_space<vmem>>, vector<16xi32>,
      %add3A_115 = arith.constant 48 : i32
      %add3A_116 = arith.addi %mul3A_97, %add3A_115 : i32
      %get3A_117 = arith.index_cast %add3A_116 : i32 to index
      %get3A_118 = tpu.vector_load %arg17[%get3A_117] {strides = array<i32>} : memref<6912xi32, #tpu.memory_space<vmem>>, vector<16xi32>,
      %swap3A_119 = arith.constant 48 : index
      %swap3A_120 = tpu.vector_load %arg18[%swap3A_119] {strides = array<i32>} : memref<128xi32, #tpu.memory_space<vmem>>, vector<16xi32>,
      tpu.vector_store %arg18[%swap3A_119], %get3A_118 {strides = array<i32>} : memref<128xi32, #tpu.memory_space<vmem>>, vector<16xi32>,
      %add3A_121 = arith.constant 64 : i32
      %add3A_122 = arith.addi %mul3A_97, %add3A_121 : i32
      %get3A_123 = arith.index_cast %add3A_122 : i32 to index
      %get3A_124 = tpu.vector_load %arg17[%get3A_123] {strides = array<i32>} : memref<6912xi32, #tpu.memory_space<vmem>>, vector<16xi32>,
      %swap3A_125 = arith.constant 64 : index
      %swap3A_126 = tpu.vector_load %arg18[%swap3A_125] {strides = array<i32>} : memref<128xi32, #tpu.memory_space<vmem>>, vector<16xi32>,
      tpu.vector_store %arg18[%swap3A_125], %get3A_124 {strides = array<i32>} : memref<128xi32, #tpu.memory_space<vmem>>, vector<16xi32>,
      %add3A_127 = arith.constant 80 : i32
      %add3A_128 = arith.addi %mul3A_97, %add3A_127 : i32
      %get3A_129 = arith.index_cast %add3A_128 : i32 to index
      %get3A_130 = tpu.vector_load %arg17[%get3A_129] {strides = array<i32>} : memref<6912xi32, #tpu.memory_space<vmem>>, vector<16xi32>,
      %swap3A_131 = arith.constant 80 : index
      %swap3A_132 = tpu.vector_load %arg18[%swap3A_131] {strides = array<i32>} : memref<128xi32, #tpu.memory_space<vmem>>, vector<16xi32>,
      tpu.vector_store %arg18[%swap3A_131], %get3A_130 {strides = array<i32>} : memref<128xi32, #tpu.memory_space<vmem>>, vector<16xi32>,
      %add3A_133 = arith.constant 96 : i32
      %add3A_134 = arith.addi %mul3A_97, %add3A_133 : i32
      %get3A_135 = arith.index_cast %add3A_134 : i32 to index
      %get3A_136 = tpu.vector_load %arg17[%get3A_135] {strides = array<i32>} : memref<6912xi32, #tpu.memory_space<vmem>>, vector<16xi32>,
      %swap3A_137 = arith.constant 96 : index
      %swap3A_138 = tpu.vector_load %arg18[%swap3A_137] {strides = array<i32>} : memref<128xi32, #tpu.memory_space<vmem>>, vector<16xi32>,
      tpu.vector_store %arg18[%swap3A_137], %get3A_136 {strides = array<i32>} : memref<128xi32, #tpu.memory_space<vmem>>, vector<16xi32>,
      %add3A_139 = arith.constant 112 : i32
      %add3A_140 = arith.addi %mul3A_97, %add3A_139 : i32
      %get3A_141 = arith.index_cast %add3A_140 : i32 to index
      %get3A_142 = tpu.vector_load %arg17[%get3A_141] {strides = array<i32>} : memref<6912xi32, #tpu.memory_space<vmem>>, vector<16xi32>,
      %swap3A_143 = arith.constant 112 : index
      %swap3A_144 = tpu.vector_load %arg18[%swap3A_143] {strides = array<i32>} : memref<128xi32, #tpu.memory_space<vmem>>, vector<16xi32>,
      tpu.vector_store %arg18[%swap3A_143], %get3A_142 {strides = array<i32>} : memref<128xi32, #tpu.memory_space<vmem>>, vector<16xi32>,
      %add3A_145 = arith.constant 0 : i32
      %add3A_146 = arith.addi %mul3A_97, %add3A_145 : i32
      %dma_start3A = arith.constant 0 : i32
      %dma_start3A_147 = arith.constant 0 : i32
      %dma_start3A_148 = tpu.memref_slice %arg19[%dma_start3A, %dma_start3A_147] : memref<128x128xf32, #tpu.memory_space<vmem>> -> memref<32x128xf32, #tpu.memory_space<vmem>>
      %dma_start3A_149 = tpu.memref_slice %arg15[%add3A_146] : memref<6912xi32, #tpu.memory_space<vmem>> -> memref<32xi32, #tpu.memory_space<vmem>>
      %dma_start3A_150 = arith.constant 0 : i32
      %dma_start3A_151 = arith.constant 0 : i32
      %dma_start3A_152 = tpu.memref_slice %arg6[%dma_start3A_150, %dma_start3A_151] : memref<51200x128xf32, #tpu.memory_space<hbm>> -> memref<51200x128xf32, #tpu.memory_space<hbm>>
      tpu.enqueue_indirect_dma source(%dma_start3A_152 : memref<51200x128xf32, #tpu.memory_space<hbm>>) target(%dma_start3A_148 : memref<32x128xf32, #tpu.memory_space<vmem>>) offsets(%dma_start3A_149 : memref<32xi32, #tpu.memory_space<vmem>>) semaphore(%arg21 : memref<!tpu.dma_semaphore, #tpu.memory_space<semaphore_mem>>)
      %add3A_153 = arith.constant 32 : i32
      %add3A_154 = arith.addi %mul3A_97, %add3A_153 : i32
      %dma_start3A_155 = arith.constant 32 : i32
      %dma_start3A_156 = arith.constant 0 : i32
      %dma_start3A_157 = tpu.memref_slice %arg19[%dma_start3A_155, %dma_start3A_156] : memref<128x128xf32, #tpu.memory_space<vmem>> -> memref<32x128xf32, #tpu.memory_space<vmem>>
      %dma_start3A_158 = tpu.memref_slice %arg15[%add3A_154] : memref<6912xi32, #tpu.memory_space<vmem>> -> memref<32xi32, #tpu.memory_space<vmem>>
      %dma_start3A_159 = arith.constant 0 : i32
      %dma_start3A_160 = arith.constant 0 : i32
      %dma_start3A_161 = tpu.memref_slice %arg6[%dma_start3A_159, %dma_start3A_160] : memref<51200x128xf32, #tpu.memory_space<hbm>> -> memref<51200x128xf32, #tpu.memory_space<hbm>>
      tpu.enqueue_indirect_dma source(%dma_start3A_161 : memref<51200x128xf32, #tpu.memory_space<hbm>>) target(%dma_start3A_157 : memref<32x128xf32, #tpu.memory_space<vmem>>) offsets(%dma_start3A_158 : memref<32xi32, #tpu.memory_space<vmem>>) semaphore(%arg21 : memref<!tpu.dma_semaphore, #tpu.memory_space<semaphore_mem>>)
      %add3A_162 = arith.constant 64 : i32
      %add3A_163 = arith.addi %mul3A_97, %add3A_162 : i32
      %dma_start3A_164 = arith.constant 64 : i32
      %dma_start3A_165 = arith.constant 0 : i32
      %dma_start3A_166 = tpu.memref_slice %arg19[%dma_start3A_164, %dma_start3A_165] : memref<128x128xf32, #tpu.memory_space<vmem>> -> memref<32x128xf32, #tpu.memory_space<vmem>>
      %dma_start3A_167 = tpu.memref_slice %arg15[%add3A_163] : memref<6912xi32, #tpu.memory_space<vmem>> -> memref<32xi32, #tpu.memory_space<vmem>>
      %dma_start3A_168 = arith.constant 0 : i32
      %dma_start3A_169 = arith.constant 0 : i32
      %dma_start3A_170 = tpu.memref_slice %arg6[%dma_start3A_168, %dma_start3A_169] : memref<51200x128xf32, #tpu.memory_space<hbm>> -> memref<51200x128xf32, #tpu.memory_space<hbm>>
      tpu.enqueue_indirect_dma source(%dma_start3A_170 : memref<51200x128xf32, #tpu.memory_space<hbm>>) target(%dma_start3A_166 : memref<32x128xf32, #tpu.memory_space<vmem>>) offsets(%dma_start3A_167 : memref<32xi32, #tpu.memory_space<vmem>>) semaphore(%arg21 : memref<!tpu.dma_semaphore, #tpu.memory_space<semaphore_mem>>)
      %add3A_171 = arith.constant 96 : i32
      %add3A_172 = arith.addi %mul3A_97, %add3A_171 : i32
      %dma_start3A_173 = arith.constant 96 : i32
      %dma_start3A_174 = arith.constant 0 : i32
      %dma_start3A_175 = tpu.memref_slice %arg19[%dma_start3A_173, %dma_start3A_174] : memref<128x128xf32, #tpu.memory_space<vmem>> -> memref<32x128xf32, #tpu.memory_space<vmem>>
      %dma_start3A_176 = tpu.memref_slice %arg15[%add3A_172] : memref<6912xi32, #tpu.memory_space<vmem>> -> memref<32xi32, #tpu.memory_space<vmem>>
      %dma_start3A_177 = arith.constant 0 : i32
      %dma_start3A_178 = arith.constant 0 : i32
      %dma_start3A_179 = tpu.memref_slice %arg6[%dma_start3A_177, %dma_start3A_178] : memref<51200x128xf32, #tpu.memory_space<hbm>> -> memref<51200x128xf32, #tpu.memory_space<hbm>>
      tpu.enqueue_indirect_dma source(%dma_start3A_179 : memref<51200x128xf32, #tpu.memory_space<hbm>>) target(%dma_start3A_175 : memref<32x128xf32, #tpu.memory_space<vmem>>) offsets(%dma_start3A_176 : memref<32xi32, #tpu.memory_space<vmem>>) semaphore(%arg21 : memref<!tpu.dma_semaphore, #tpu.memory_space<semaphore_mem>>)
      %dma_wait3A = arith.constant 0 : i32
      %dma_wait3A_180 = arith.constant 0 : i32
      %dma_wait3A_181 = tpu.memref_slice %arg19[%dma_wait3A, %dma_wait3A_180] : memref<128x128xf32, #tpu.memory_space<vmem>> -> memref<32x128xf32, #tpu.memory_space<vmem>>
      %dma_wait3A_182 = tpu.memref_slice %arg15[%add3A_146] : memref<6912xi32, #tpu.memory_space<vmem>> -> memref<32xi32, #tpu.memory_space<vmem>>
      %dma_wait3A_183 = arith.constant 0 : i32
      %dma_wait3A_184 = arith.constant 0 : i32
      %dma_wait3A_185 = tpu.memref_slice %arg6[%dma_wait3A_183, %dma_wait3A_184] : memref<51200x128xf32, #tpu.memory_space<hbm>> -> memref<51200x128xf32, #tpu.memory_space<hbm>>
      tpu.wait_indirect_dma semaphore(%arg21 : memref<!tpu.dma_semaphore, #tpu.memory_space<semaphore_mem>>) src(%dma_wait3A_185 : memref<51200x128xf32, #tpu.memory_space<hbm>>) dst(%dma_wait3A_181 : memref<32x128xf32, #tpu.memory_space<vmem>>)
      %dma_wait3A_186 = arith.constant 32 : i32
      %dma_wait3A_187 = arith.constant 0 : i32
      %dma_wait3A_188 = tpu.memref_slice %arg19[%dma_wait3A_186, %dma_wait3A_187] : memref<128x128xf32, #tpu.memory_space<vmem>> -> memref<32x128xf32, #tpu.memory_space<vmem>>
      %dma_wait3A_189 = tpu.memref_slice %arg15[%add3A_154] : memref<6912xi32, #tpu.memory_space<vmem>> -> memref<32xi32, #tpu.memory_space<vmem>>
      %dma_wait3A_190 = arith.constant 0 : i32
      %dma_wait3A_191 = arith.constant 0 : i32
      %dma_wait3A_192 = tpu.memref_slice %arg6[%dma_wait3A_190, %dma_wait3A_191] : memref<51200x128xf32, #tpu.memory_space<hbm>> -> memref<51200x128xf32, #tpu.memory_space<hbm>>
      tpu.wait_indirect_dma semaphore(%arg21 : memref<!tpu.dma_semaphore, #tpu.memory_space<semaphore_mem>>) src(%dma_wait3A_192 : memref<51200x128xf32, #tpu.memory_space<hbm>>) dst(%dma_wait3A_188 : memref<32x128xf32, #tpu.memory_space<vmem>>)
      %dma_wait3A_193 = arith.constant 64 : i32
      %dma_wait3A_194 = arith.constant 0 : i32
      %dma_wait3A_195 = tpu.memref_slice %arg19[%dma_wait3A_193, %dma_wait3A_194] : memref<128x128xf32, #tpu.memory_space<vmem>> -> memref<32x128xf32, #tpu.memory_space<vmem>>
      %dma_wait3A_196 = tpu.memref_slice %arg15[%add3A_163] : memref<6912xi32, #tpu.memory_space<vmem>> -> memref<32xi32, #tpu.memory_space<vmem>>
      %dma_wait3A_197 = arith.constant 0 : i32
      %dma_wait3A_198 = arith.constant 0 : i32
      %dma_wait3A_199 = tpu.memref_slice %arg6[%dma_wait3A_197, %dma_wait3A_198] : memref<51200x128xf32, #tpu.memory_space<hbm>> -> memref<51200x128xf32, #tpu.memory_space<hbm>>
      tpu.wait_indirect_dma semaphore(%arg21 : memref<!tpu.dma_semaphore, #tpu.memory_space<semaphore_mem>>) src(%dma_wait3A_199 : memref<51200x128xf32, #tpu.memory_space<hbm>>) dst(%dma_wait3A_195 : memref<32x128xf32, #tpu.memory_space<vmem>>)
      %dma_wait3A_200 = arith.constant 96 : i32
      %dma_wait3A_201 = arith.constant 0 : i32
      %dma_wait3A_202 = tpu.memref_slice %arg19[%dma_wait3A_200, %dma_wait3A_201] : memref<128x128xf32, #tpu.memory_space<vmem>> -> memref<32x128xf32, #tpu.memory_space<vmem>>
      %dma_wait3A_203 = tpu.memref_slice %arg15[%add3A_172] : memref<6912xi32, #tpu.memory_space<vmem>> -> memref<32xi32, #tpu.memory_space<vmem>>
      %dma_wait3A_204 = arith.constant 0 : i32
      %dma_wait3A_205 = arith.constant 0 : i32
      %dma_wait3A_206 = tpu.memref_slice %arg6[%dma_wait3A_204, %dma_wait3A_205] : memref<51200x128xf32, #tpu.memory_space<hbm>> -> memref<51200x128xf32, #tpu.memory_space<hbm>>
      tpu.wait_indirect_dma semaphore(%arg21 : memref<!tpu.dma_semaphore, #tpu.memory_space<semaphore_mem>>) src(%dma_wait3A_206 : memref<51200x128xf32, #tpu.memory_space<hbm>>) dst(%dma_wait3A_202 : memref<32x128xf32, #tpu.memory_space<vmem>>)
      %scan3A_207 = arith.constant 0 : i32
      %scan3A_208 = arith.constant 0 : i32
      %scan3A_209 = arith.constant 128 : i32
      %scan3A_210 = arith.addi %scan3A_208, %scan3A_209 : i32
      %scan3A_211 = arith.constant 1 : i32
      %scan3A_212 = scf.for %scan3A_215 = %scan3A_208 to %scan3A_210 step %scan3A_211 iter_args(%scan3A_216 = %scan3A_207) -> (i32)  : i32 {
        %add3A_217 = arith.addi %mul3A_97, %scan3A_215 : i32
        %get3A_218 = arith.index_cast %add3A_217 : i32 to index
        %get3A_219 = tpu.vector_load %arg16[%get3A_218] {strides = array<i32>} : memref<6912xf32, #tpu.memory_space<vmem>>, vector<16xf32>,
        %slice3A = vector.extract_strided_slice %get3A_219 {offsets = [0], sizes = [1], strides = [1]} : vector<16xf32> to vector<1xf32>
        %squeeze3A = vector.extract %slice3A[0] : f32 from vector<1xf32>
        %get3A_220 = arith.index_cast %scan3A_215 : i32 to index
        %get3A_221 = arith.constant 0 : index
        %get3A_222 = tpu.vector_load %arg19[%get3A_220, %get3A_221] {strides = array<i32>} : memref<128x128xf32, #tpu.memory_space<vmem>>, vector<16xf32>,
        %mul3A_223 = vector.broadcast %squeeze3A : f32 to vector<16xf32>
        %mul3A_224 = arith.mulf %get3A_222, %mul3A_223 : vector<16xf32>
        %swap3A_225 = arith.index_cast %scan3A_215 : i32 to index
        %swap3A_226 = arith.constant 0 : index
        %swap3A_227 = tpu.vector_load %arg19[%swap3A_225, %swap3A_226] {strides = array<i32>} : memref<128x128xf32, #tpu.memory_space<vmem>>, vector<16xf32>,
        tpu.vector_store %arg19[%swap3A_225, %swap3A_226], %mul3A_224 {strides = array<i32>} : memref<128x128xf32, #tpu.memory_space<vmem>>, vector<16xf32>,
        %get3A_228 = arith.index_cast %scan3A_215 : i32 to index
        %get3A_229 = arith.constant 16 : index
        %get3A_230 = tpu.vector_load %arg19[%get3A_228, %get3A_229] {strides = array<i32>} : memref<128x128xf32, #tpu.memory_space<vmem>>, vector<16xf32>,
        %mul3A_231 = vector.broadcast %squeeze3A : f32 to vector<16xf32>
        %mul3A_232 = arith.mulf %get3A_230, %mul3A_231 : vector<16xf32>
        %swap3A_233 = arith.index_cast %scan3A_215 : i32 to index
        %swap3A_234 = arith.constant 16 : index
        %swap3A_235 = tpu.vector_load %arg19[%swap3A_233, %swap3A_234] {strides = array<i32>} : memref<128x128xf32, #tpu.memory_space<vmem>>, vector<16xf32>,
        tpu.vector_store %arg19[%swap3A_233, %swap3A_234], %mul3A_232 {strides = array<i32>} : memref<128x128xf32, #tpu.memory_space<vmem>>, vector<16xf32>,
        %get3A_236 = arith.index_cast %scan3A_215 : i32 to index
        %get3A_237 = arith.constant 32 : index
        %get3A_238 = tpu.vector_load %arg19[%get3A_236, %get3A_237] {strides = array<i32>} : memref<128x128xf32, #tpu.memory_space<vmem>>, vector<16xf32>,
        %mul3A_239 = vector.broadcast %squeeze3A : f32 to vector<16xf32>
        %mul3A_240 = arith.mulf %get3A_238, %mul3A_239 : vector<16xf32>
        %swap3A_241 = arith.index_cast %scan3A_215 : i32 to index
        %swap3A_242 = arith.constant 32 : index
        %swap3A_243 = tpu.vector_load %arg19[%swap3A_241, %swap3A_242] {strides = array<i32>} : memref<128x128xf32, #tpu.memory_space<vmem>>, vector<16xf32>,
        tpu.vector_store %arg19[%swap3A_241, %swap3A_242], %mul3A_240 {strides = array<i32>} : memref<128x128xf32, #tpu.memory_space<vmem>>, vector<16xf32>,
        %get3A_244 = arith.index_cast %scan3A_215 : i32 to index
        %get3A_245 = arith.constant 48 : index
        %get3A_246 = tpu.vector_load %arg19[%get3A_244, %get3A_245] {strides = array<i32>} : memref<128x128xf32, #tpu.memory_space<vmem>>, vector<16xf32>,
        %mul3A_247 = vector.broadcast %squeeze3A : f32 to vector<16xf32>
        %mul3A_248 = arith.mulf %get3A_246, %mul3A_247 : vector<16xf32>
        %swap3A_249 = arith.index_cast %scan3A_215 : i32 to index
        %swap3A_250 = arith.constant 48 : index
        %swap3A_251 = tpu.vector_load %arg19[%swap3A_249, %swap3A_250] {strides = array<i32>} : memref<128x128xf32, #tpu.memory_space<vmem>>, vector<16xf32>,
        tpu.vector_store %arg19[%swap3A_249, %swap3A_250], %mul3A_248 {strides = array<i32>} : memref<128x128xf32, #tpu.memory_space<vmem>>, vector<16xf32>,
        %get3A_252 = arith.index_cast %scan3A_215 : i32 to index
        %get3A_253 = arith.constant 64 : index
        %get3A_254 = tpu.vector_load %arg19[%get3A_252, %get3A_253] {strides = array<i32>} : memref<128x128xf32, #tpu.memory_space<vmem>>, vector<16xf32>,
        %mul3A_255 = vector.broadcast %squeeze3A : f32 to vector<16xf32>
        %mul3A_256 = arith.mulf %get3A_254, %mul3A_255 : vector<16xf32>
        %swap3A_257 = arith.index_cast %scan3A_215 : i32 to index
        %swap3A_258 = arith.constant 64 : index
        %swap3A_259 = tpu.vector_load %arg19[%swap3A_257, %swap3A_258] {strides = array<i32>} : memref<128x128xf32, #tpu.memory_space<vmem>>, vector<16xf32>,
        tpu.vector_store %arg19[%swap3A_257, %swap3A_258], %mul3A_256 {strides = array<i32>} : memref<128x128xf32, #tpu.memory_space<vmem>>, vector<16xf32>,
        %get3A_260 = arith.index_cast %scan3A_215 : i32 to index
        %get3A_261 = arith.constant 80 : index
        %get3A_262 = tpu.vector_load %arg19[%get3A_260, %get3A_261] {strides = array<i32>} : memref<128x128xf32, #tpu.memory_space<vmem>>, vector<16xf32>,
        %mul3A_263 = vector.broadcast %squeeze3A : f32 to vector<16xf32>
        %mul3A_264 = arith.mulf %get3A_262, %mul3A_263 : vector<16xf32>
        %swap3A_265 = arith.index_cast %scan3A_215 : i32 to index
        %swap3A_266 = arith.constant 80 : index
        %swap3A_267 = tpu.vector_load %arg19[%swap3A_265, %swap3A_266] {strides = array<i32>} : memref<128x128xf32, #tpu.memory_space<vmem>>, vector<16xf32>,
        tpu.vector_store %arg19[%swap3A_265, %swap3A_266], %mul3A_264 {strides = array<i32>} : memref<128x128xf32, #tpu.memory_space<vmem>>, vector<16xf32>,
        %get3A_268 = arith.index_cast %scan3A_215 : i32 to index
        %get3A_269 = arith.constant 96 : index
        %get3A_270 = tpu.vector_load %arg19[%get3A_268, %get3A_269] {strides = array<i32>} : memref<128x128xf32, #tpu.memory_space<vmem>>, vector<16xf32>,
        %mul3A_271 = vector.broadcast %squeeze3A : f32 to vector<16xf32>
        %mul3A_272 = arith.mulf %get3A_270, %mul3A_271 : vector<16xf32>
        %swap3A_273 = arith.index_cast %scan3A_215 : i32 to index
        %swap3A_274 = arith.constant 96 : index
        %swap3A_275 = tpu.vector_load %arg19[%swap3A_273, %swap3A_274] {strides = array<i32>} : memref<128x128xf32, #tpu.memory_space<vmem>>, vector<16xf32>,
        tpu.vector_store %arg19[%swap3A_273, %swap3A_274], %mul3A_272 {strides = array<i32>} : memref<128x128xf32, #tpu.memory_space<vmem>>, vector<16xf32>,
        %get3A_276 = arith.index_cast %scan3A_215 : i32 to index
        %get3A_277 = arith.constant 112 : index
        %get3A_278 = tpu.vector_load %arg19[%get3A_276, %get3A_277] {strides = array<i32>} : memref<128x128xf32, #tpu.memory_space<vmem>>, vector<16xf32>,
        %mul3A_279 = vector.broadcast %squeeze3A : f32 to vector<16xf32>
        %mul3A_280 = arith.mulf %get3A_278, %mul3A_279 : vector<16xf32>
        %swap3A_281 = arith.index_cast %scan3A_215 : i32 to index
        %swap3A_282 = arith.constant 112 : index
        %swap3A_283 = tpu.vector_load %arg19[%swap3A_281, %swap3A_282] {strides = array<i32>} : memref<128x128xf32, #tpu.memory_space<vmem>>, vector<16xf32>,
        tpu.vector_store %arg19[%swap3A_281, %swap3A_282], %mul3A_280 {strides = array<i32>} : memref<128x128xf32, #tpu.memory_space<vmem>>, vector<16xf32>,
        %scan3A_284 = arith.constant 0 : i32
        scf.yield %scan3A_284 : i32
      }
      %scan3A_213 = arith.constant 128 : i32
      "tpu.region"() ({
        %run_scoped3A = tpu.sem_alloc : memref<!tpu.dma_semaphore, #tpu.memory_space<semaphore_mem>>
        %dma_start3A_215 = arith.constant 0 : i32
        %dma_start3A_216 = arith.constant 0 : i32
        %dma_start3A_217 = tpu.memref_slice %arg20[%dma_start3A_215, %dma_start3A_216] : memref<1024x128xf32, #tpu.memory_space<vmem_shared>> -> memref<1024x128xf32, #tpu.memory_space<vmem_shared>>
        tpu.enqueue_indirect_dma source(%arg19 : memref<128x128xf32, #tpu.memory_space<vmem>>) target(%dma_start3A_217 : memref<1024x128xf32, #tpu.memory_space<vmem_shared>>) offsets(%arg18 : memref<128xi32, #tpu.memory_space<vmem>>) semaphore(%run_scoped3A : memref<!tpu.dma_semaphore, #tpu.memory_space<semaphore_mem>>) {add = true}
        %dma_wait3A_218 = arith.constant 0 : i32
        %dma_wait3A_219 = arith.constant 0 : i32
        %dma_wait3A_220 = tpu.memref_slice %arg20[%dma_wait3A_218, %dma_wait3A_219] : memref<1024x128xf32, #tpu.memory_space<vmem_shared>> -> memref<1024x128xf32, #tpu.memory_space<vmem_shared>>
        tpu.wait_indirect_dma semaphore(%run_scoped3A : memref<!tpu.dma_semaphore, #tpu.memory_space<semaphore_mem>>) src(%arg19 : memref<128x128xf32, #tpu.memory_space<vmem>>) dst(%dma_wait3A_220 : memref<1024x128xf32, #tpu.memory_space<vmem_shared>>)
        tpu.yield
      }) : () -> ()
      %while3A_214 = arith.constant 0 : i32
      scf.yield %while3A_214 : i32
    }
    %barrier3A_88 = arith.constant 0 : index
    tpu.barrier barrier_id(%barrier3A_88)
    %eq3A_89 = arith.constant 0 : i32
    %eq3A_90 = arith.cmpi eq, %arg1, %eq3A_89 : i32
    %convert_element_type3A_91 = arith.extui %eq3A_90 : i1 to i32
    %cond3A_92 = arith.constant 0 : i32
    %cond3A_93 = arith.cmpi ne, %convert_element_type3A_91, %cond3A_92 : i32
    scf.if %cond3A_93 {
      "tpu.region"() ({
        %run_scoped3A = tpu.sem_alloc : memref<!tpu.dma_semaphore, #tpu.memory_space<semaphore_mem>>
        %dma_start3A = arith.constant 0 : i32
        %dma_start3A_94 = arith.constant 0 : i32
        %dma_start3A_95 = tpu.memref_slice %arg9[%arg0, %dma_start3A, %dma_start3A_94] : memref<2x1024x128xf32, #tpu.memory_space<hbm>> -> memref<1x1024x128xf32, #tpu.memory_space<hbm>>
        %dma_start3A_96 = tpu.memref_squeeze %dma_start3A_95 : memref<1x1024x128xf32, #tpu.memory_space<hbm>> -> memref<1024x128xf32, #tpu.memory_space<hbm>>
        tpu.enqueue_dma source(%arg20 : memref<1024x128xf32, #tpu.memory_space<vmem_shared>>) target(%dma_start3A_96 : memref<1024x128xf32, #tpu.memory_space<hbm>>) target_semaphore(%run_scoped3A : memref<!tpu.dma_semaphore, #tpu.memory_space<semaphore_mem>>)
        %dma_wait3A = arith.constant 0 : i32
        %dma_wait3A_97 = arith.constant 0 : i32
        %dma_wait3A_98 = tpu.memref_slice %arg9[%arg0, %dma_wait3A, %dma_wait3A_97] : memref<2x1024x128xf32, #tpu.memory_space<hbm>> -> memref<1x1024x128xf32, #tpu.memory_space<hbm>>
        %dma_wait3A_99 = tpu.memref_squeeze %dma_wait3A_98 : memref<1x1024x128xf32, #tpu.memory_space<hbm>> -> memref<1024x128xf32, #tpu.memory_space<hbm>>
        tpu.wait_dma2 semaphore(%run_scoped3A : memref<!tpu.dma_semaphore, #tpu.memory_space<semaphore_mem>>) src(%arg20 : memref<1024x128xf32, #tpu.memory_space<vmem_shared>>) dst(%dma_wait3A_99 : memref<1024x128xf32, #tpu.memory_space<hbm>>)
        tpu.yield
      }) : () -> ()
    } else {
    }
    return
  }
}

module attributes {stable_mosaic.version = 14 : i64} {
  func.func @_trans_body(%arg0: i32, %arg1: memref<128x2048xf32, #tpu.memory_space<vmem>>, %arg2: memref<2048x64xf32, #tpu.memory_space<vmem>>, %arg3: memref<1x2048xf32, #tpu.memory_space<vmem>>, %arg4: memref<2048x128xf32, #tpu.memory_space<vmem>>, %arg5: memref<64x2048xf32, #tpu.memory_space<vmem>>, %arg6: memref<1x2048xf32, #tpu.memory_space<vmem>>) attributes {dimension_semantics = [#tpu.dimension_semantics<arbitrary>], iteration_bounds = array<i64: 25>, scalar_prefetch = 0 : i64, scratch_operands = 0 : i64, tpu.core_type = #tpu.core_type<tc>, window_params = [{transform_indices = @transform_0, window_bounds = array<i64: 128, 2048>}, {transform_indices = @transform_1, window_bounds = array<i64: 2048, 64>}, {transform_indices = @transform_2, window_bounds = array<i64: 1, 2048>}, {transform_indices = @transform_3, window_bounds = array<i64: 2048, 128>}, {transform_indices = @transform_4, window_bounds = array<i64: 64, 2048>}, {transform_indices = @transform_5, window_bounds = array<i64: 1, 2048>}]} {
    %mul3A = arith.constant 2048 : i32
    %mul3A_0 = arith.muli %arg0, %mul3A : i32
    %sub3A = arith.constant 50000 : i32
    %sub3A_1 = arith.subi %sub3A, %mul3A_0 : i32
    %get3A = arith.constant 0 : index
    %get3A_2 = arith.constant 0 : index
    %get3A_3 = vector.load %arg1[%get3A, %get3A_2] : memref<128x2048xf32, #tpu.memory_space<vmem>>, vector<128x2048xf32>
    %transpose3A = tpu.transpose %get3A_3, [1, 0] : vector<128x2048xf32> -> vector<2048x128xf32>
    %swap3A = arith.constant 0 : index
    %swap3A_4 = arith.constant 0 : index
    %swap3A_5 = vector.load %arg4[%swap3A, %swap3A_4] : memref<2048x128xf32, #tpu.memory_space<vmem>>, vector<2048x128xf32>
    tpu.vector_store %arg4[%swap3A, %swap3A_4], %transpose3A {strides = array<i32>} : memref<2048x128xf32, #tpu.memory_space<vmem>>, vector<2048x128xf32>,
    %iota3A = tpu.iota {dimensions = array<i32: 0>} : vector<2048x1xi32>
    %lt3A = vector.broadcast %sub3A_1 : i32 to vector<2048x1xi32>
    %lt3A_6 = arith.cmpi slt, %iota3A, %lt3A : vector<2048x1xi32>
    %get3A_7 = arith.constant 0 : index
    %get3A_8 = arith.constant 0 : index
    %get3A_9 = vector.load %arg2[%get3A_7, %get3A_8] : memref<2048x64xf32, #tpu.memory_space<vmem>>, vector<2048x64xf32>
    %jit3A = arith.constant 0.000000e+00 : f32
    %broadcast_in_dim3A = vector.shape_cast %lt3A_6 : vector<2048x1xi1> to vector<2048x1xi1>
    %broadcast_in_dim3A_10 = vector.broadcast %broadcast_in_dim3A : vector<2048x1xi1> to vector<2048x64xi1>
    %broadcast_in_dim3A_11 = vector.broadcast %jit3A : f32 to vector<2048x64xf32>
    %select_n3A = arith.select %broadcast_in_dim3A_10, %get3A_9, %broadcast_in_dim3A_11 : vector<2048x64xi1>, vector<2048x64xf32>
    %transpose3A_12 = tpu.transpose %select_n3A, [1, 0] : vector<2048x64xf32> -> vector<64x2048xf32>
    %swap3A_13 = arith.constant 0 : index
    %swap3A_14 = arith.constant 0 : index
    %swap3A_15 = vector.load %arg5[%swap3A_13, %swap3A_14] : memref<64x2048xf32, #tpu.memory_space<vmem>>, vector<64x2048xf32>
    tpu.vector_store %arg5[%swap3A_13, %swap3A_14], %transpose3A_12 {strides = array<i32>} : memref<64x2048xf32, #tpu.memory_space<vmem>>, vector<64x2048xf32>,
    %iota3A_16 = tpu.iota {dimensions = array<i32: 1>} : vector<1x2048xi32>
    %lt3A_17 = vector.broadcast %sub3A_1 : i32 to vector<1x2048xi32>
    %lt3A_18 = arith.cmpi slt, %iota3A_16, %lt3A_17 : vector<1x2048xi32>
    %get3A_19 = arith.constant 0 : index
    %get3A_20 = arith.constant 0 : index
    %get3A_21 = vector.load %arg3[%get3A_19, %get3A_20] : memref<1x2048xf32, #tpu.memory_space<vmem>>, vector<1x2048xf32>
    %jit3A_22 = arith.constant -1.000000e+30 : f32
    %broadcast_in_dim3A_23 = vector.broadcast %jit3A_22 : f32 to vector<1x2048xf32>
    %select_n3A_24 = arith.select %lt3A_18, %get3A_21, %broadcast_in_dim3A_23 : vector<1x2048xi1>, vector<1x2048xf32>
    %swap3A_25 = arith.constant 0 : index
    %swap3A_26 = arith.constant 0 : index
    %swap3A_27 = vector.load %arg6[%swap3A_25, %swap3A_26] : memref<1x2048xf32, #tpu.memory_space<vmem>>, vector<1x2048xf32>
    tpu.vector_store %arg6[%swap3A_25, %swap3A_26], %select_n3A_24 {strides = array<i32>} : memref<1x2048xf32, #tpu.memory_space<vmem>>, vector<1x2048xf32>,
    return
  }
  func.func @transform_0(%arg0: i32) -> (i32, i32) {
    %c0_i32 = arith.constant 0 : i32
    %c0_i32_0 = arith.constant 0 : i32
    return %c0_i32, %arg0 : i32, i32
  }
  func.func @transform_1(%arg0: i32) -> (i32, i32) {
    %c0_i32 = arith.constant 0 : i32
    %c0_i32_0 = arith.constant 0 : i32
    return %arg0, %c0_i32 : i32, i32
  }
  func.func @transform_2(%arg0: i32) -> (i32, i32) {
    %c0_i32 = arith.constant 0 : i32
    %c0_i32_0 = arith.constant 0 : i32
    return %c0_i32, %arg0 : i32, i32
  }
  func.func @transform_3(%arg0: i32) -> (i32, i32) {
    %c0_i32 = arith.constant 0 : i32
    %c0_i32_0 = arith.constant 0 : i32
    return %arg0, %c0_i32 : i32, i32
  }
  func.func @transform_4(%arg0: i32) -> (i32, i32) {
    %c0_i32 = arith.constant 0 : i32
    %c0_i32_0 = arith.constant 0 : i32
    return %c0_i32, %arg0 : i32, i32
  }
  func.func @transform_5(%arg0: i32) -> (i32, i32) {
    %c0_i32 = arith.constant 0 : i32
    %c0_i32_0 = arith.constant 0 : i32
    return %c0_i32, %arg0 : i32, i32
  }
}

module attributes {stable_mosaic.version = 14 : i64} {
  func.func @_xstats_body(%arg0: i32, %arg1: memref<1024x1024xf32, #tpu.memory_space<vmem>>, %arg2: memref<1024x64xf32, #tpu.memory_space<vmem>>, %arg3: memref<1x1024xf32, #tpu.memory_space<vmem>>, %arg4: memref<1024x64xf32, #tpu.memory_space<vmem>>, %arg5: memref<1024x1xi32, #tpu.memory_space<vmem>>, %arg6: memref<1024x64xf32, #tpu.memory_space<vmem>>, %arg7: memref<1024x1xf32, #tpu.memory_space<vmem>>, %arg8: memref<1024x1xf32, #tpu.memory_space<vmem>>, %arg9: memref<1024x64xf32, #tpu.memory_space<vmem>>) attributes {dimension_semantics = [#tpu.dimension_semantics<arbitrary>], iteration_bounds = array<i64: 49>, scalar_prefetch = 0 : i64, scratch_operands = 0 : i64, tpu.core_type = #tpu.core_type<tc>, window_params = [{transform_indices = @transform_0, window_bounds = array<i64: 1024, 1024>}, {transform_indices = @transform_1, window_bounds = array<i64: 1024, 64>}, {transform_indices = @transform_2, window_bounds = array<i64: 1, 1024>}, {transform_indices = @transform_3, window_bounds = array<i64: 1024, 64>}, {pipeline_mode = #tpu.pipeline_mode<synchronous>, transform_indices = @transform_4, window_bounds = array<i64: 1024, 1>}, {pipeline_mode = #tpu.pipeline_mode<synchronous>, transform_indices = @transform_5, window_bounds = array<i64: 1024, 64>}, {pipeline_mode = #tpu.pipeline_mode<synchronous>, transform_indices = @transform_6, window_bounds = array<i64: 1024, 1>}, {pipeline_mode = #tpu.pipeline_mode<synchronous>, transform_indices = @transform_7, window_bounds = array<i64: 1024, 1>}, {pipeline_mode = #tpu.pipeline_mode<synchronous>, transform_indices = @transform_8, window_bounds = array<i64: 1024, 64>}]} {
    %mul3A = arith.constant 1024 : i32
    %mul3A_0 = arith.muli %arg0, %mul3A : i32
    %sub3A = arith.constant 50000 : i32
    %sub3A_1 = arith.subi %sub3A, %mul3A_0 : i32
    %iota3A = tpu.iota {dimensions = array<i32: 1>} : vector<1x1024xi32>
    %lt3A = vector.broadcast %sub3A_1 : i32 to vector<1x1024xi32>
    %lt3A_2 = arith.cmpi slt, %iota3A, %lt3A : vector<1x1024xi32>
    %iota3A_3 = tpu.iota {dimensions = array<i32: 0>} : vector<1024x1xi32>
    %lt3A_4 = vector.broadcast %sub3A_1 : i32 to vector<1024x1xi32>
    %lt3A_5 = arith.cmpi slt, %iota3A_3, %lt3A_4 : vector<1024x1xi32>
    %get3A = arith.constant 0 : index
    %get3A_6 = arith.constant 0 : index
    %get3A_7 = vector.load %arg1[%get3A, %get3A_6] : memref<1024x1024xf32, #tpu.memory_space<vmem>>, vector<1024x1024xf32>
    %jit3A = arith.constant 0.000000e+00 : f32
    %broadcast_in_dim3A = vector.shape_cast %lt3A_2 : vector<1x1024xi1> to vector<1x1024xi1>
    %broadcast_in_dim3A_8 = vector.broadcast %broadcast_in_dim3A : vector<1x1024xi1> to vector<1024x1024xi1>
    %broadcast_in_dim3A_9 = vector.broadcast %jit3A : f32 to vector<1024x1024xf32>
    %select_n3A = arith.select %broadcast_in_dim3A_8, %get3A_7, %broadcast_in_dim3A_9 : vector<1024x1024xi1>, vector<1024x1024xf32>
    %get3A_10 = arith.constant 0 : index
    %get3A_11 = arith.constant 0 : index
    %get3A_12 = vector.load %arg2[%get3A_10, %get3A_11] : memref<1024x64xf32, #tpu.memory_space<vmem>>, vector<1024x64xf32>
    %jit3A_13 = arith.constant 0.000000e+00 : f32
    %broadcast_in_dim3A_14 = vector.shape_cast %lt3A_5 : vector<1024x1xi1> to vector<1024x1xi1>
    %broadcast_in_dim3A_15 = vector.broadcast %broadcast_in_dim3A_14 : vector<1024x1xi1> to vector<1024x64xi1>
    %broadcast_in_dim3A_16 = vector.broadcast %jit3A_13 : f32 to vector<1024x64xf32>
    %select_n3A_17 = arith.select %broadcast_in_dim3A_15, %get3A_12, %broadcast_in_dim3A_16 : vector<1024x64xi1>, vector<1024x64xf32>
    %get3A_18 = arith.constant 0 : index
    %get3A_19 = arith.constant 0 : index
    %get3A_20 = vector.load %arg3[%get3A_18, %get3A_19] : memref<1x1024xf32, #tpu.memory_space<vmem>>, vector<1x1024xf32>
    %jit3A_21 = arith.constant 0.000000e+00 : f32
    %broadcast_in_dim3A_22 = vector.broadcast %jit3A_21 : f32 to vector<1x1024xf32>
    %select_n3A_23 = arith.select %lt3A_2, %get3A_20, %broadcast_in_dim3A_22 : vector<1x1024xi1>, vector<1x1024xf32>
    %get3A_24 = arith.constant 0 : index
    %get3A_25 = arith.constant 0 : index
    %get3A_26 = vector.load %arg4[%get3A_24, %get3A_25] : memref<1024x64xf32, #tpu.memory_space<vmem>>, vector<1024x64xf32>
    %jit3A_27 = arith.constant 0.000000e+00 : f32
    %broadcast_in_dim3A_28 = vector.shape_cast %lt3A_5 : vector<1024x1xi1> to vector<1024x1xi1>
    %broadcast_in_dim3A_29 = vector.broadcast %broadcast_in_dim3A_28 : vector<1024x1xi1> to vector<1024x64xi1>
    %broadcast_in_dim3A_30 = vector.broadcast %jit3A_27 : f32 to vector<1024x64xf32>
    %select_n3A_31 = arith.select %broadcast_in_dim3A_29, %get3A_26, %broadcast_in_dim3A_30 : vector<1024x64xi1>, vector<1024x64xf32>
    %dot_general3A = arith.constant dense<0.000000e+00> : vector<1024x64xf32>
    %dot_general3A_32 = tpu.matmul %select_n3A, %select_n3A_17, %dot_general3A {dimension_numbers = #tpu.dot_dimension_numbers<[1], [0], [0], [1], [0, 0, 1, 1], [], []>, transpose_lhs_hint = false} : vector<1024x1024xf32>, vector<1024x64xf32>, vector<1024x64xf32> -> vector<1024x64xf32>
    %reduce_sum3A = arith.constant dense<0.000000e+00> : vector<1024xf32>
    %reduce_sum3A_33 = vector.multi_reduction <add>, %select_n3A, %reduce_sum3A [1] : vector<1024x1024xf32> to vector<1024xf32>
    %broadcast_in_dim3A_34 = vector.shape_cast %reduce_sum3A_33 : vector<1024xf32> to vector<1024x1xf32>
    %mul3A_35 = vector.broadcast %select_n3A_23 : vector<1x1024xf32> to vector<1024x1024xf32>
    %mul3A_36 = arith.mulf %select_n3A, %mul3A_35 : vector<1024x1024xf32>
    %reduce_sum3A_37 = arith.constant dense<0.000000e+00> : vector<1024xf32>
    %reduce_sum3A_38 = vector.multi_reduction <add>, %mul3A_36, %reduce_sum3A_37 [1] : vector<1024x1024xf32> to vector<1024xf32>
    %broadcast_in_dim3A_39 = vector.shape_cast %reduce_sum3A_38 : vector<1024xf32> to vector<1024x1xf32>
    %iota3A_40 = tpu.iota {dimensions = array<i32: 1>} : vector<1x1024xi32>
    %mul3A_41 = arith.constant 1024 : i32
    %mul3A_42 = arith.muli %arg0, %mul3A_41 : i32
    %add3A = vector.broadcast %mul3A_42 : i32 to vector<1x1024xi32>
    %add3A_43 = arith.addi %iota3A_40, %add3A : vector<1x1024xi32>
    %get3A_44 = arith.constant 0 : index
    %get3A_45 = arith.constant 0 : index
    %get3A_46 = vector.load %arg5[%get3A_44, %get3A_45] : memref<1024x1xi32, #tpu.memory_space<vmem>>, vector<1024x1xi32>
    %eq3A = vector.broadcast %get3A_46 : vector<1024x1xi32> to vector<1024x1024xi32>
    %eq3A_47 = vector.broadcast %add3A_43 : vector<1x1024xi32> to vector<1024x1024xi32>
    %eq3A_48 = arith.cmpi eq, %eq3A, %eq3A_47 : vector<1024x1024xi32>
    %convert_element_type3A = arith.extui %eq3A_48 : vector<1024x1024xi1> to vector<1024x1024xi32>
    %convert_element_type3A_49 = arith.sitofp %convert_element_type3A : vector<1024x1024xi32> to vector<1024x1024xf32>
    %dot_general3A_50 = arith.constant dense<0.000000e+00> : vector<1024x64xf32>
    %dot_general3A_51 = tpu.matmul %convert_element_type3A_49, %select_n3A_31, %dot_general3A_50 {dimension_numbers = #tpu.dot_dimension_numbers<[1], [0], [0], [1], [0, 0, 1, 1], [], []>, transpose_lhs_hint = false} : vector<1024x1024xf32>, vector<1024x64xf32>, vector<1024x64xf32> -> vector<1024x64xf32>
    %eq3A_52 = arith.constant 0 : i32
    %eq3A_53 = arith.cmpi eq, %arg0, %eq3A_52 : i32
    %convert_element_type3A_54 = arith.extui %eq3A_53 : i1 to i32
    %cond3A = arith.constant 0 : i32
    %cond3A_55 = arith.cmpi ne, %convert_element_type3A_54, %cond3A : i32
    scf.if %cond3A_55 {
      %swap3A = arith.constant 0 : index
      %swap3A_60 = arith.constant 0 : index
      %swap3A_61 = vector.load %arg6[%swap3A, %swap3A_60] : memref<1024x64xf32, #tpu.memory_space<vmem>>, vector<1024x64xf32>
      tpu.vector_store %arg6[%swap3A, %swap3A_60], %dot_general3A_32 {strides = array<i32>} : memref<1024x64xf32, #tpu.memory_space<vmem>>, vector<1024x64xf32>,
      %swap3A_62 = arith.constant 0 : index
      %swap3A_63 = arith.constant 0 : index
      %swap3A_64 = vector.load %arg7[%swap3A_62, %swap3A_63] : memref<1024x1xf32, #tpu.memory_space<vmem>>, vector<1024x1xf32>
      tpu.vector_store %arg7[%swap3A_62, %swap3A_63], %broadcast_in_dim3A_34 {strides = array<i32>} : memref<1024x1xf32, #tpu.memory_space<vmem>>, vector<1024x1xf32>,
      %swap3A_65 = arith.constant 0 : index
      %swap3A_66 = arith.constant 0 : index
      %swap3A_67 = vector.load %arg8[%swap3A_65, %swap3A_66] : memref<1024x1xf32, #tpu.memory_space<vmem>>, vector<1024x1xf32>
      tpu.vector_store %arg8[%swap3A_65, %swap3A_66], %broadcast_in_dim3A_39 {strides = array<i32>} : memref<1024x1xf32, #tpu.memory_space<vmem>>, vector<1024x1xf32>,
      %swap3A_68 = arith.constant 0 : index
      %swap3A_69 = arith.constant 0 : index
      %swap3A_70 = vector.load %arg9[%swap3A_68, %swap3A_69] : memref<1024x64xf32, #tpu.memory_space<vmem>>, vector<1024x64xf32>
      tpu.vector_store %arg9[%swap3A_68, %swap3A_69], %dot_general3A_51 {strides = array<i32>} : memref<1024x64xf32, #tpu.memory_space<vmem>>, vector<1024x64xf32>,
    } else {
    }
    %gt3A = arith.constant 0 : i32
    %gt3A_56 = arith.cmpi sgt, %arg0, %gt3A : i32
    %convert_element_type3A_57 = arith.extui %gt3A_56 : i1 to i32
    %cond3A_58 = arith.constant 0 : i32
    %cond3A_59 = arith.cmpi ne, %convert_element_type3A_57, %cond3A_58 : i32
    scf.if %cond3A_59 {
      %get3A_60 = arith.constant 0 : index
      %get3A_61 = arith.constant 0 : index
      %get3A_62 = vector.load %arg6[%get3A_60, %get3A_61] : memref<1024x64xf32, #tpu.memory_space<vmem>>, vector<1024x64xf32>
      %add3A_63 = arith.addf %get3A_62, %dot_general3A_32 : vector<1024x64xf32>
      %swap3A = arith.constant 0 : index
      %swap3A_64 = arith.constant 0 : index
      %swap3A_65 = vector.load %arg6[%swap3A, %swap3A_64] : memref<1024x64xf32, #tpu.memory_space<vmem>>, vector<1024x64xf32>
      tpu.vector_store %arg6[%swap3A, %swap3A_64], %add3A_63 {strides = array<i32>} : memref<1024x64xf32, #tpu.memory_space<vmem>>, vector<1024x64xf32>,
      %get3A_66 = arith.constant 0 : index
      %get3A_67 = arith.constant 0 : index
      %get3A_68 = vector.load %arg7[%get3A_66, %get3A_67] : memref<1024x1xf32, #tpu.memory_space<vmem>>, vector<1024x1xf32>
      %add3A_69 = arith.addf %get3A_68, %broadcast_in_dim3A_34 : vector<1024x1xf32>
      %swap3A_70 = arith.constant 0 : index
      %swap3A_71 = arith.constant 0 : index
      %swap3A_72 = vector.load %arg7[%swap3A_70, %swap3A_71] : memref<1024x1xf32, #tpu.memory_space<vmem>>, vector<1024x1xf32>
      tpu.vector_store %arg7[%swap3A_70, %swap3A_71], %add3A_69 {strides = array<i32>} : memref<1024x1xf32, #tpu.memory_space<vmem>>, vector<1024x1xf32>,
      %get3A_73 = arith.constant 0 : index
      %get3A_74 = arith.constant 0 : index
      %get3A_75 = vector.load %arg8[%get3A_73, %get3A_74] : memref<1024x1xf32, #tpu.memory_space<vmem>>, vector<1024x1xf32>
      %add3A_76 = arith.addf %get3A_75, %broadcast_in_dim3A_39 : vector<1024x1xf32>
      %swap3A_77 = arith.constant 0 : index
      %swap3A_78 = arith.constant 0 : index
      %swap3A_79 = vector.load %arg8[%swap3A_77, %swap3A_78] : memref<1024x1xf32, #tpu.memory_space<vmem>>, vector<1024x1xf32>
      tpu.vector_store %arg8[%swap3A_77, %swap3A_78], %add3A_76 {strides = array<i32>} : memref<1024x1xf32, #tpu.memory_space<vmem>>, vector<1024x1xf32>,
      %get3A_80 = arith.constant 0 : index
      %get3A_81 = arith.constant 0 : index
      %get3A_82 = vector.load %arg9[%get3A_80, %get3A_81] : memref<1024x64xf32, #tpu.memory_space<vmem>>, vector<1024x64xf32>
      %add3A_83 = arith.addf %get3A_82, %dot_general3A_51 : vector<1024x64xf32>
      %swap3A_84 = arith.constant 0 : index
      %swap3A_85 = arith.constant 0 : index
      %swap3A_86 = vector.load %arg9[%swap3A_84, %swap3A_85] : memref<1024x64xf32, #tpu.memory_space<vmem>>, vector<1024x64xf32>
      tpu.vector_store %arg9[%swap3A_84, %swap3A_85], %add3A_83 {strides = array<i32>} : memref<1024x64xf32, #tpu.memory_space<vmem>>, vector<1024x64xf32>,
    } else {
    }
    return
  }
  func.func @transform_0(%arg0: i32) -> (i32, i32) {
    %c0_i32 = arith.constant 0 : i32
    %c0_i32_0 = arith.constant 0 : i32
    return %c0_i32, %arg0 : i32, i32
  }
  func.func @transform_1(%arg0: i32) -> (i32, i32) {
    %c0_i32 = arith.constant 0 : i32
    %c0_i32_0 = arith.constant 0 : i32
    return %arg0, %c0_i32 : i32, i32
  }
  func.func @transform_2(%arg0: i32) -> (i32, i32) {
    %c0_i32 = arith.constant 0 : i32
    %c0_i32_0 = arith.constant 0 : i32
    return %c0_i32, %arg0 : i32, i32
  }
  func.func @transform_3(%arg0: i32) -> (i32, i32) {
    %c0_i32 = arith.constant 0 : i32
    %c0_i32_0 = arith.constant 0 : i32
    return %arg0, %c0_i32 : i32, i32
  }
  func.func @transform_4(%arg0: i32) -> (i32, i32) {
    %c0_i32 = arith.constant 0 : i32
    %c0_i32_0 = arith.constant 0 : i32
    %c0_i32_1 = arith.constant 0 : i32
    return %c0_i32, %c0_i32_0 : i32, i32
  }
  func.func @transform_5(%arg0: i32) -> (i32, i32) {
    %c0_i32 = arith.constant 0 : i32
    %c0_i32_0 = arith.constant 0 : i32
    %c0_i32_1 = arith.constant 0 : i32
    return %c0_i32, %c0_i32_0 : i32, i32
  }
  func.func @transform_6(%arg0: i32) -> (i32, i32) {
    %c0_i32 = arith.constant 0 : i32
    %c0_i32_0 = arith.constant 0 : i32
    %c0_i32_1 = arith.constant 0 : i32
    return %c0_i32, %c0_i32_0 : i32, i32
  }
  func.func @transform_7(%arg0: i32) -> (i32, i32) {
    %c0_i32 = arith.constant 0 : i32
    %c0_i32_0 = arith.constant 0 : i32
    %c0_i32_1 = arith.constant 0 : i32
    return %c0_i32, %c0_i32_0 : i32, i32
  }
  func.func @transform_8(%arg0: i32) -> (i32, i32) {
    %c0_i32 = arith.constant 0 : i32
    %c0_i32_0 = arith.constant 0 : i32
    %c0_i32_1 = arith.constant 0 : i32
    return %c0_i32, %c0_i32_0 : i32, i32
  }
}

module attributes {stable_mosaic.version = 14 : i64} {
  func.func @_finish_body(%arg0: i32, %arg1: memref<2x1024x128xf32, #tpu.memory_space<vmem>>, %arg2: memref<1024x1xi32, #tpu.memory_space<vmem>>, %arg3: memref<1x1024xi32, #tpu.memory_space<vmem>>, %arg4: memref<1024x64xf32, #tpu.memory_space<vmem>>, %arg5: memref<1024x64xf32, #tpu.memory_space<vmem>>, %arg6: memref<1024x1xf32, #tpu.memory_space<vmem>>, %arg7: memref<1024x1xf32, #tpu.memory_space<vmem>>, %arg8: memref<1x128xf32, #tpu.memory_space<vmem>>, %arg9: memref<64x2048xf32, #tpu.memory_space<vmem>>, %arg10: memref<1x2048xf32, #tpu.memory_space<vmem>>, %arg11: memref<1x2xf32, #tpu.memory_space<smem>>, %arg12: memref<1024x64xf32, #tpu.memory_space<vmem>>, %arg13: memref<1024x1xf32, #tpu.memory_space<vmem>>, %arg14: memref<1024x1xf32, #tpu.memory_space<vmem>>, %arg15: memref<1024x1xf32, #tpu.memory_space<vmem>>, %arg16: memref<1x1xf32, #tpu.memory_space<smem>>) attributes {dimension_semantics = [#tpu.dimension_semantics<arbitrary>], iteration_bounds = array<i64: 25>, scalar_prefetch = 0 : i64, scratch_operands = 5 : i64, tpu.core_type = #tpu.core_type<tc>, window_params = [{pipeline_mode = #tpu.pipeline_mode<synchronous>, transform_indices = @transform_0, window_bounds = array<i64: 2, 1024, 128>}, {pipeline_mode = #tpu.pipeline_mode<synchronous>, transform_indices = @transform_1, window_bounds = array<i64: 1024, 1>}, {pipeline_mode = #tpu.pipeline_mode<synchronous>, transform_indices = @transform_2, window_bounds = array<i64: 1, 1024>}, {pipeline_mode = #tpu.pipeline_mode<synchronous>, transform_indices = @transform_3, window_bounds = array<i64: 1024, 64>}, {pipeline_mode = #tpu.pipeline_mode<synchronous>, transform_indices = @transform_4, window_bounds = array<i64: 1024, 64>}, {pipeline_mode = #tpu.pipeline_mode<synchronous>, transform_indices = @transform_5, window_bounds = array<i64: 1024, 1>}, {pipeline_mode = #tpu.pipeline_mode<synchronous>, transform_indices = @transform_6, window_bounds = array<i64: 1024, 1>}, {pipeline_mode = #tpu.pipeline_mode<synchronous>, transform_indices = @transform_7, window_bounds = array<i64: 1, 128>}, {transform_indices = @transform_8, window_bounds = array<i64: 64, 2048>}, {transform_indices = @transform_9, window_bounds = array<i64: 1, 2048>}, {transform_indices = @transform_10, window_bounds = array<i64: 1, 2>}]} {
    %eq3A = arith.constant 0 : i32
    %eq3A_0 = arith.cmpi eq, %arg0, %eq3A : i32
    %convert_element_type3A = arith.extui %eq3A_0 : i1 to i32
    %cond3A = arith.constant 0 : i32
    %cond3A_1 = arith.cmpi ne, %convert_element_type3A, %cond3A : i32
    scf.if %cond3A_1 {
      %get3A_35 = arith.constant 0 : index
      %get3A_36 = arith.constant 0 : index
      %get3A_37 = arith.constant 0 : index
      %get3A_38 = vector.load %arg1[%get3A_35, %get3A_36, %get3A_37] : memref<2x1024x128xf32, #tpu.memory_space<vmem>>, vector<1x1024x128xf32>
      %get3A_39 = vector.shape_cast %get3A_38 : vector<1x1024x128xf32> to vector<1024x128xf32>
      %get3A_40 = arith.constant 1 : index
      %get3A_41 = arith.constant 0 : index
      %get3A_42 = arith.constant 0 : index
      %get3A_43 = vector.load %arg1[%get3A_40, %get3A_41, %get3A_42] : memref<2x1024x128xf32, #tpu.memory_space<vmem>>, vector<1x1024x128xf32>
      %get3A_44 = vector.shape_cast %get3A_43 : vector<1x1024x128xf32> to vector<1024x128xf32>
      %add3A_45 = arith.addf %get3A_39, %get3A_44 : vector<1024x128xf32>
      %get3A_46 = arith.constant 0 : index
      %get3A_47 = arith.constant 0 : index
      %get3A_48 = vector.load %arg2[%get3A_46, %get3A_47] : memref<1024x1xi32, #tpu.memory_space<vmem>>, vector<1024x1xi32>
      %get3A_49 = arith.constant 0 : index
      %get3A_50 = arith.constant 0 : index
      %get3A_51 = vector.load %arg3[%get3A_49, %get3A_50] : memref<1x1024xi32, #tpu.memory_space<vmem>>, vector<1x1024xi32>
      %eq3A_52 = vector.broadcast %get3A_48 : vector<1024x1xi32> to vector<1024x1024xi32>
      %eq3A_53 = vector.broadcast %get3A_51 : vector<1x1024xi32> to vector<1024x1024xi32>
      %eq3A_54 = arith.cmpi eq, %eq3A_52, %eq3A_53 : vector<1024x1024xi32>
      %convert_element_type3A_55 = arith.extui %eq3A_54 : vector<1024x1024xi1> to vector<1024x1024xi32>
      %convert_element_type3A_56 = arith.sitofp %convert_element_type3A_55 : vector<1024x1024xi32> to vector<1024x1024xf32>
      %dot_general3A_57 = arith.constant dense<0.000000e+00> : vector<1024x128xf32>
      %dot_general3A_58 = tpu.matmul %convert_element_type3A_56, %add3A_45, %dot_general3A_57 {dimension_numbers = #tpu.dot_dimension_numbers<[1], [0], [0], [1], [0, 0, 1, 1], [], []>, transpose_lhs_hint = false} : vector<1024x1024xf32>, vector<1024x128xf32>, vector<1024x128xf32> -> vector<1024x128xf32>
      %get3A_59 = arith.constant 0 : index
      %get3A_60 = arith.constant 0 : index
      %get3A_61 = vector.load %arg8[%get3A_59, %get3A_60] : memref<1x128xf32, #tpu.memory_space<vmem>>, vector<1x128xf32>
      %add3A_62 = vector.broadcast %get3A_61 : vector<1x128xf32> to vector<1024x128xf32>
      %add3A_63 = arith.addf %dot_general3A_58, %add3A_62 : vector<1024x128xf32>
      %slice3A = vector.extract_strided_slice %add3A_63 {offsets = [0, 0], sizes = [1024, 64], strides = [1, 1]} : vector<1024x128xf32> to vector<1024x64xf32>
      %slice3A_64 = vector.extract_strided_slice %add3A_63 {offsets = [0, 64], sizes = [1024, 64], strides = [1, 1]} : vector<1024x128xf32> to vector<1024x64xf32>
      %get3A_65 = arith.constant 0 : index
      %get3A_66 = arith.constant 0 : index
      %get3A_67 = vector.load %arg4[%get3A_65, %get3A_66] : memref<1024x64xf32, #tpu.memory_space<vmem>>, vector<1024x64xf32>
      %mul3A_68 = arith.constant 5.000000e-01 : f32
      %mul3A_69 = vector.broadcast %mul3A_68 : f32 to vector<1024x64xf32>
      %mul3A_70 = arith.mulf %mul3A_69, %slice3A_64 : vector<1024x64xf32>
      %exp3A_71 = math.exp %mul3A_70 : vector<1024x64xf32>
      %mul3A_72 = arith.mulf %get3A_67, %exp3A_71 : vector<1024x64xf32>
      %add3A_73 = arith.addf %mul3A_72, %slice3A : vector<1024x64xf32>
      %swap3A_74 = arith.constant 0 : index
      %swap3A_75 = arith.constant 0 : index
      %swap3A_76 = vector.load %arg12[%swap3A_74, %swap3A_75] : memref<1024x64xf32, #tpu.memory_space<vmem>>, vector<1024x64xf32>
      tpu.vector_store %arg12[%swap3A_74, %swap3A_75], %add3A_73 {strides = array<i32>} : memref<1024x64xf32, #tpu.memory_space<vmem>>, vector<1024x64xf32>,
      %add3A_77 = arith.constant 1.000000e+00 : f32
      %add3A_78 = vector.broadcast %add3A_77 : f32 to vector<1024x64xf32>
      %add3A_79 = arith.addf %add3A_78, %slice3A_64 : vector<1024x64xf32>
      %mul3A_80 = arith.mulf %slice3A, %slice3A : vector<1024x64xf32>
      %sub3A_81 = arith.subf %add3A_79, %mul3A_80 : vector<1024x64xf32>
      %exp3A_82 = math.exp %slice3A_64 : vector<1024x64xf32>
      %sub3A_83 = arith.subf %sub3A_81, %exp3A_82 : vector<1024x64xf32>
      %reduce_sum3A_84 = vector.shape_cast %sub3A_83 : vector<1024x64xf32> to vector<1x1024x64xf32>
      %reduce_sum3A_85 = arith.constant dense<0.000000e+00> : vector<1xf32>
      %reduce_sum3A_86 = vector.multi_reduction <add>, %reduce_sum3A_84, %reduce_sum3A_85 [1, 2] : vector<1x1024x64xf32> to vector<1xf32>
      %reduce_sum3A_87 = vector.shape_cast %reduce_sum3A_86 : vector<1xf32> to vector<1x1x1xf32>
      %reduce_sum3A_88 = vector.extract %reduce_sum3A_87[0, 0, 0] : f32 from vector<1x1x1xf32>
      %mul3A_89 = arith.constant -4.8828125E-4 : f32
      %mul3A_90 = arith.mulf %mul3A_89, %reduce_sum3A_88 : f32
      %swap3A_91 = arith.constant 0 : index
      %swap3A_92 = arith.constant 0 : index
      %swap3A_93 = memref.load %arg16[%swap3A_91, %swap3A_92] : memref<1x1xf32, #tpu.memory_space<smem>>
      memref.store %mul3A_90, %arg16[%swap3A_91, %swap3A_92] : memref<1x1xf32, #tpu.memory_space<smem>>
      %get3A_94 = arith.constant 0 : index
      %get3A_95 = arith.constant 0 : index
      %get3A_96 = vector.load %arg5[%get3A_94, %get3A_95] : memref<1024x64xf32, #tpu.memory_space<vmem>>, vector<1024x64xf32>
      %mul3A_97 = arith.mulf %get3A_96, %add3A_73 : vector<1024x64xf32>
      %reduce_sum3A_98 = arith.constant dense<0.000000e+00> : vector<1024xf32>
      %reduce_sum3A_99 = vector.multi_reduction <add>, %mul3A_97, %reduce_sum3A_98 [1] : vector<1024x64xf32> to vector<1024xf32>
      %broadcast_in_dim3A_100 = vector.shape_cast %reduce_sum3A_99 : vector<1024xf32> to vector<1024x1xf32>
      %get3A_101 = arith.constant 0 : index
      %get3A_102 = arith.constant 0 : index
      %get3A_103 = vector.load %arg7[%get3A_101, %get3A_102] : memref<1024x1xf32, #tpu.memory_space<vmem>>, vector<1024x1xf32>
      %add3A_104 = arith.addf %broadcast_in_dim3A_100, %get3A_103 : vector<1024x1xf32>
      %swap3A_105 = arith.constant 0 : index
      %swap3A_106 = arith.constant 0 : index
      %swap3A_107 = vector.load %arg15[%swap3A_105, %swap3A_106] : memref<1024x1xf32, #tpu.memory_space<vmem>>, vector<1024x1xf32>
      tpu.vector_store %arg15[%swap3A_105, %swap3A_106], %add3A_104 {strides = array<i32>} : memref<1024x1xf32, #tpu.memory_space<vmem>>, vector<1024x1xf32>,
      %broadcast_in_dim3A_108 = arith.constant -3.000000e+38 : f32
      %broadcast_in_dim3A_109 = vector.broadcast %broadcast_in_dim3A_108 : f32 to vector<1024x1xf32>
      %swap3A_110 = arith.constant 0 : index
      %swap3A_111 = arith.constant 0 : index
      %swap3A_112 = vector.load %arg13[%swap3A_110, %swap3A_111] : memref<1024x1xf32, #tpu.memory_space<vmem>>, vector<1024x1xf32>
      tpu.vector_store %arg13[%swap3A_110, %swap3A_111], %broadcast_in_dim3A_109 {strides = array<i32>} : memref<1024x1xf32, #tpu.memory_space<vmem>>, vector<1024x1xf32>,
      %broadcast_in_dim3A_113 = arith.constant 0.000000e+00 : f32
      %broadcast_in_dim3A_114 = vector.broadcast %broadcast_in_dim3A_113 : f32 to vector<1024x1xf32>
      %swap3A_115 = arith.constant 0 : index
      %swap3A_116 = arith.constant 0 : index
      %swap3A_117 = vector.load %arg14[%swap3A_115, %swap3A_116] : memref<1024x1xf32, #tpu.memory_space<vmem>>, vector<1024x1xf32>
      tpu.vector_store %arg14[%swap3A_115, %swap3A_116], %broadcast_in_dim3A_114 {strides = array<i32>} : memref<1024x1xf32, #tpu.memory_space<vmem>>, vector<1024x1xf32>,
    } else {
    }
    %get3A = arith.constant 0 : index
    %get3A_2 = arith.constant 0 : index
    %get3A_3 = vector.load %arg12[%get3A, %get3A_2] : memref<1024x64xf32, #tpu.memory_space<vmem>>, vector<1024x64xf32>
    %get3A_4 = arith.constant 0 : index
    %get3A_5 = arith.constant 0 : index
    %get3A_6 = vector.load %arg9[%get3A_4, %get3A_5] : memref<64x2048xf32, #tpu.memory_space<vmem>>, vector<64x2048xf32>
    %dot_general3A = arith.constant dense<0.000000e+00> : vector<1024x2048xf32>
    %dot_general3A_7 = tpu.matmul %get3A_3, %get3A_6, %dot_general3A {dimension_numbers = #tpu.dot_dimension_numbers<[1], [0], [0], [1], [0, 0, 1, 1], [], []>, transpose_lhs_hint = false} : vector<1024x64xf32>, vector<64x2048xf32>, vector<1024x2048xf32> -> vector<1024x2048xf32>
    %get3A_8 = arith.constant 0 : index
    %get3A_9 = arith.constant 0 : index
    %get3A_10 = vector.load %arg10[%get3A_8, %get3A_9] : memref<1x2048xf32, #tpu.memory_space<vmem>>, vector<1x2048xf32>
    %add3A = vector.broadcast %get3A_10 : vector<1x2048xf32> to vector<1024x2048xf32>
    %add3A_11 = arith.addf %dot_general3A_7, %add3A : vector<1024x2048xf32>
    %get3A_12 = arith.constant 0 : index
    %get3A_13 = arith.constant 0 : index
    %get3A_14 = vector.load %arg13[%get3A_12, %get3A_13] : memref<1024x1xf32, #tpu.memory_space<vmem>>, vector<1024x1xf32>
    %reduce_max3A = arith.constant dense<0xFF800000> : vector<1024xf32>
    %reduce_max3A_15 = vector.multi_reduction <maximumf>, %add3A_11, %reduce_max3A [1] : vector<1024x2048xf32> to vector<1024xf32>
    %broadcast_in_dim3A = vector.shape_cast %reduce_max3A_15 : vector<1024xf32> to vector<1024x1xf32>
    %max3A = arith.maximumf %get3A_14, %broadcast_in_dim3A : vector<1024x1xf32>
    %get3A_16 = arith.constant 0 : index
    %get3A_17 = arith.constant 0 : index
    %get3A_18 = vector.load %arg14[%get3A_16, %get3A_17] : memref<1024x1xf32, #tpu.memory_space<vmem>>, vector<1024x1xf32>
    %sub3A = arith.subf %get3A_14, %max3A : vector<1024x1xf32>
    %exp3A = math.exp %sub3A : vector<1024x1xf32>
    %mul3A = arith.mulf %get3A_18, %exp3A : vector<1024x1xf32>
    %sub3A_19 = vector.broadcast %max3A : vector<1024x1xf32> to vector<1024x2048xf32>
    %sub3A_20 = arith.subf %add3A_11, %sub3A_19 : vector<1024x2048xf32>
    %exp3A_21 = math.exp %sub3A_20 : vector<1024x2048xf32>
    %reduce_sum3A = arith.constant dense<0.000000e+00> : vector<1024xf32>
    %reduce_sum3A_22 = vector.multi_reduction <add>, %exp3A_21, %reduce_sum3A [1] : vector<1024x2048xf32> to vector<1024xf32>
    %broadcast_in_dim3A_23 = vector.shape_cast %reduce_sum3A_22 : vector<1024xf32> to vector<1024x1xf32>
    %add3A_24 = arith.addf %mul3A, %broadcast_in_dim3A_23 : vector<1024x1xf32>
    %swap3A = arith.constant 0 : index
    %swap3A_25 = arith.constant 0 : index
    %swap3A_26 = vector.load %arg14[%swap3A, %swap3A_25] : memref<1024x1xf32, #tpu.memory_space<vmem>>, vector<1024x1xf32>
    tpu.vector_store %arg14[%swap3A, %swap3A_25], %add3A_24 {strides = array<i32>} : memref<1024x1xf32, #tpu.memory_space<vmem>>, vector<1024x1xf32>,
    %swap3A_27 = arith.constant 0 : index
    %swap3A_28 = arith.constant 0 : index
    %swap3A_29 = vector.load %arg13[%swap3A_27, %swap3A_28] : memref<1024x1xf32, #tpu.memory_space<vmem>>, vector<1024x1xf32>
    tpu.vector_store %arg13[%swap3A_27, %swap3A_28], %max3A {strides = array<i32>} : memref<1024x1xf32, #tpu.memory_space<vmem>>, vector<1024x1xf32>,
    %eq3A_30 = arith.constant 24 : i32
    %eq3A_31 = arith.cmpi eq, %arg0, %eq3A_30 : i32
    %convert_element_type3A_32 = arith.extui %eq3A_31 : i1 to i32
    %cond3A_33 = arith.constant 0 : i32
    %cond3A_34 = arith.cmpi ne, %convert_element_type3A_32, %cond3A_33 : i32
    scf.if %cond3A_34 {
      %get3A_35 = arith.constant 0 : index
      %get3A_36 = arith.constant 0 : index
      %get3A_37 = vector.load %arg13[%get3A_35, %get3A_36] : memref<1024x1xf32, #tpu.memory_space<vmem>>, vector<1024x1xf32>
      %get3A_38 = arith.constant 0 : index
      %get3A_39 = arith.constant 0 : index
      %get3A_40 = vector.load %arg14[%get3A_38, %get3A_39] : memref<1024x1xf32, #tpu.memory_space<vmem>>, vector<1024x1xf32>
      %log3A = math.log %get3A_40 : vector<1024x1xf32>
      %add3A_41 = arith.addf %get3A_37, %log3A : vector<1024x1xf32>
      %get3A_42 = arith.constant 0 : index
      %get3A_43 = arith.constant 0 : index
      %get3A_44 = vector.load %arg15[%get3A_42, %get3A_43] : memref<1024x1xf32, #tpu.memory_space<vmem>>, vector<1024x1xf32>
      %get3A_45 = arith.constant 0 : index
      %get3A_46 = arith.constant 0 : index
      %get3A_47 = vector.load %arg6[%get3A_45, %get3A_46] : memref<1024x1xf32, #tpu.memory_space<vmem>>, vector<1024x1xf32>
      %mul3A_48 = arith.mulf %get3A_47, %add3A_41 : vector<1024x1xf32>
      %sub3A_49 = arith.subf %get3A_44, %mul3A_48 : vector<1024x1xf32>
      %reduce_sum3A_50 = vector.shape_cast %sub3A_49 : vector<1024x1xf32> to vector<1x1024x1xf32>
      %reduce_sum3A_51 = arith.constant dense<0.000000e+00> : vector<1xf32>
      %reduce_sum3A_52 = vector.multi_reduction <add>, %reduce_sum3A_50, %reduce_sum3A_51 [1, 2] : vector<1x1024x1xf32> to vector<1xf32>
      %reduce_sum3A_53 = vector.shape_cast %reduce_sum3A_52 : vector<1xf32> to vector<1x1x1xf32>
      %reduce_sum3A_54 = vector.extract %reduce_sum3A_53[0, 0, 0] : f32 from vector<1x1x1xf32>
      %mul3A_55 = arith.constant -9.765625E-4 : f32
      %mul3A_56 = arith.mulf %mul3A_55, %reduce_sum3A_54 : f32
      %swap3A_57 = arith.constant 0 : index
      %swap3A_58 = arith.constant 0 : index
      %swap3A_59 = memref.load %arg11[%swap3A_57, %swap3A_58] : memref<1x2xf32, #tpu.memory_space<smem>>
      memref.store %mul3A_56, %arg11[%swap3A_57, %swap3A_58] : memref<1x2xf32, #tpu.memory_space<smem>>
      %get3A_60 = arith.constant 0 : index
      %get3A_61 = arith.constant 0 : index
      %get3A_62 = memref.load %arg16[%get3A_60, %get3A_61] : memref<1x1xf32, #tpu.memory_space<smem>>
      %swap3A_63 = arith.constant 0 : index
      %swap3A_64 = arith.constant 1 : index
      %swap3A_65 = memref.load %arg11[%swap3A_63, %swap3A_64] : memref<1x2xf32, #tpu.memory_space<smem>>
      memref.store %get3A_62, %arg11[%swap3A_63, %swap3A_64] : memref<1x2xf32, #tpu.memory_space<smem>>
    } else {
    }
    return
  }
  func.func @transform_0(%arg0: i32) -> (i32, i32, i32) {
    %c0_i32 = arith.constant 0 : i32
    %c0_i32_0 = arith.constant 0 : i32
    %c0_i32_1 = arith.constant 0 : i32
    %c0_i32_2 = arith.constant 0 : i32
    return %c0_i32, %c0_i32_0, %c0_i32_1 : i32, i32, i32
  }
  func.func @transform_1(%arg0: i32) -> (i32, i32) {
    %c0_i32 = arith.constant 0 : i32
    %c0_i32_0 = arith.constant 0 : i32
    %c0_i32_1 = arith.constant 0 : i32
    return %c0_i32, %c0_i32_0 : i32, i32
  }
  func.func @transform_2(%arg0: i32) -> (i32, i32) {
    %c0_i32 = arith.constant 0 : i32
    %c0_i32_0 = arith.constant 0 : i32
    %c0_i32_1 = arith.constant 0 : i32
    return %c0_i32, %c0_i32_0 : i32, i32
  }
  func.func @transform_3(%arg0: i32) -> (i32, i32) {
    %c0_i32 = arith.constant 0 : i32
    %c0_i32_0 = arith.constant 0 : i32
    %c0_i32_1 = arith.constant 0 : i32
    return %c0_i32, %c0_i32_0 : i32, i32
  }
  func.func @transform_4(%arg0: i32) -> (i32, i32) {
    %c0_i32 = arith.constant 0 : i32
    %c0_i32_0 = arith.constant 0 : i32
    %c0_i32_1 = arith.constant 0 : i32
    return %c0_i32, %c0_i32_0 : i32, i32
  }
  func.func @transform_5(%arg0: i32) -> (i32, i32) {
    %c0_i32 = arith.constant 0 : i32
    %c0_i32_0 = arith.constant 0 : i32
    %c0_i32_1 = arith.constant 0 : i32
    return %c0_i32, %c0_i32_0 : i32, i32
  }
  func.func @transform_6(%arg0: i32) -> (i32, i32) {
    %c0_i32 = arith.constant 0 : i32
    %c0_i32_0 = arith.constant 0 : i32
    %c0_i32_1 = arith.constant 0 : i32
    return %c0_i32, %c0_i32_0 : i32, i32
  }
  func.func @transform_7(%arg0: i32) -> (i32, i32) {
    %c0_i32 = arith.constant 0 : i32
    %c0_i32_0 = arith.constant 0 : i32
    %c0_i32_1 = arith.constant 0 : i32
    return %c0_i32, %c0_i32_0 : i32, i32
  }
  func.func @transform_8(%arg0: i32) -> (i32, i32) {
    %c0_i32 = arith.constant 0 : i32
    %c0_i32_0 = arith.constant 0 : i32
    return %c0_i32, %arg0 : i32, i32
  }
  func.func @transform_9(%arg0: i32) -> (i32, i32) {
    %c0_i32 = arith.constant 0 : i32
    %c0_i32_0 = arith.constant 0 : i32
    return %c0_i32, %arg0 : i32, i32
  }
  func.func @transform_10(%arg0: i32) -> (i32, i32) {
    %c0_i32 = arith.constant 0 : i32
    %c0_i32_0 = arith.constant 0 : i32
    %c0_i32_1 = arith.constant 0 : i32
    return %c0_i32, %c0_i32_0 : i32, i32
  }
}

</mosaic_0001>

<sc_bundles>
// kernel: kernel.6.cloned.1.call-start
scs
__scs_entry_jumppad:
0x0: {  	(pc) =	sbr.rel $0x88, $3  }
0x1: {  	(tag) =	ssettag $0x0;
	lr =	simm.s32 $0x1  }
0x2: {  	[smem:$0x3F97] =	sst lr;
	_ =	strace $0xD0000000  }
0x3: {  	_ = 	snop  }
0x4: {  	_ = 	snop  }
0x5: {  	_ = 	snop  }
0x6: {  	_ = 	snop  }
0x7: {  	_ = 	snop  }
__scs_overlays_trampoline_lowered:
0x8: {  	[smem:$0x3FA6] =	sst s0  }
0x9: {  	[smem:$0x3FA7] =	sst s1  }
0xa: {  	[smem:$0x3FA8] =	sst s2  }
0xb: {  	[smem:$0x3FA9] =	sst s3  }
0xc: {  	[smem:$0x3FAA] =	sst s4  }
0xd: {  	[smem:$0x3FAB] =	sst s5  }
0xe: {  	[smem:$0x3FAC] =	sst s6  }
0xf: {  	[smem:$0x3FAD] =	sst s7  }
0x10: {  	[smem:$0x3FAE] =	sst s8  }
0x11: {  	[smem:$0x3FAF] =	sst s9;
	s0 =	simm.s32 @!p0 $0x0  }
0x12: {  	s1 =	sld [smem:$0x3F95];
	s0 =	simm.s32 @p0 $0x1  }
0x13: {  	[smem:$0x3FB0] =	sst s0;
	s0 =	simm.s32 @!p1 $0x0  }
0x14: {  	s2 =	sld [smem:$0x3F94];
	s0 =	simm.s32 @p1 $0x1  }
0x15: {  	[smem:$0x3FB1] =	sst s0;
	s0 =	simm.s32 @!p2 $0x0  }
0x16: {  	s3 =	sld [smem:$0x3FDB];
	s0 =	simm.s32 @p2 $0x1  }
0x17: {  	s4 =	simm.s32 $0x1BF5;
	[smem:$0x3FB3] =	sst s0  }
0x18: {  	s0 =	sld [smem:$0x3F96];
	_ =	swait.ge [sflag:s4], $0x0  }
0x19: {  	s7 =	sld [smem:$0x3F97]  }
0x1a: {  	s8 =	sadd.s32 $0xFFFFE003, lr  }
0x1b: {  	s9 =	sadd.s32 $0xFFFFFEF7, lr;
	s5 =	simm.s32 $0xFFFFFFFF;
	p2 =	slt.u32 s8, $0xFFFFF086  }
0x1c: {  	p1 =	slt.u32 s9, $0xF7A;
	s5 =	simm.s32 @!p2 $0x0  }
0x1d: {  	s5 =	simm.s32 @p1 $0x1;
	p0 =	seq.s32 s7, s2  }
0x1e: {  	s7 =	smul.u32 @!p0 $0xF7A, s2;
	p2 =	seq.s32 @!p0 s5, $0x0  }
0x1f: {  	s9 =	smul.u32 $0xF7A, s1;
	s8 =	simm.s32 @!p0 $0x1BF5;
	p2 =	por !p2, p0  }
0x20: {  	[sflag:s8] =	ssyncset.s32 @!p0 $0xFFFFF086;
	s6 =	sadd.s32 @!p0 s3, s7;
	s7 =	simm.s32 @!p0 $0x108  }
0x21: {  	s3 =	sadd.s32 s3, s9;
	s6 =	sadd.s32 @!p0 $0x88, s6;
	s7 =	simm.s32 @p2 $0x1082  }
0x22: {  	[simem:s7], [sflag:s8] =	dma.local @!p0 [hbm:s6], $0xF7A  }
0x23: {  	s9 =	sor.u32 $0xD0000000, s2;
	s6 =	simm.s32 $0x108;
	_ =	swait.ge @!p0 [sflag:s8], $0x0  }
0x24: {  	s3 =	sadd.s32 $0x88, s3;
	s6 =	simm.s32 @!p1 $0x1082;
	[sflag:s4] =	ssyncset.s32 $0xFFFFF086  }
0x25: {  	[simem:s6], [sflag:s4] =	dma.local [hbm:s3], $0xF7A  }
0x26: {  	[smem:$0x3F97] =	sst s1;
	(tag) =	ssettag s2;
	_ =	strace s9  }
0x27: {  	s1 =	sld [smem:$0x3FA7]  }
0x28: {  	s2 =	sld [smem:$0x3FA8]  }
0x29: {  	s4 =	sld [smem:$0x3FAA]  }
0x2a: {  	p0 =	seq.s32 s5, $0x0;
	s5 =	sld [smem:$0x3FAB]  }
0x2b: {  	s6 =	sld [smem:$0x3FAC]  }
0x2c: {  	s7 =	sld [smem:$0x3FAD]  }
0x2d: {  	s3 =	simm.s32 $0x108;
	s8 =	sld [smem:$0x3FAE]  }
0x2e: {  	s3 =	simm.s32 @!p0 $0x1082;
	s9 =	sld [smem:$0x3FAF]  }
0x2f: {  	lr =	sadd.s32 s0, s3;
	s0 =	sld [smem:$0x3FA6]  }
0x30: {  	s3 =	sld [smem:$0x3FA9]  }
0x31: {  	[smem:$0x3FB2] =	sst s10  }
0x32: {  	s10 =	sld [smem:$0x3FB0];
	_ =	sdelay $0x3  }
0x33: {  	p0 =	seq.s32 s10, $0x1;
	s10 =	sld [smem:$0x3FB2];
	_ =	sdelay $0x3  }
0x34: {  	[smem:$0x3FB2] =	sst s10  }
0x35: {  	s10 =	sld [smem:$0x3FB1];
	_ =	sdelay $0x3  }
0x36: {  	p1 =	seq.s32 s10, $0x1;
	s10 =	sld [smem:$0x3FB2];
	_ =	sdelay $0x3  }
0x37: {  	[smem:$0x3FB2] =	sst s10  }
0x38: {  	s10 =	sld [smem:$0x3FB3]  }
0x39: {  	_ = 	snop;
	(pc) =	sbr.ind lr, $3  }
0x3a: {  	_ = 	snop  }
0x3b: {  	_ = 	snop  }
0x3c: {  	p2 =	seq.s32 s10, $0x1;
	s10 =	sld [smem:$0x3FB2]  }
0x3d: {  	_ =	shalt  }
0x3e: {  	_ =	shalt  }
0x3f: {  	_ =	shalt  }
0x40: {  	_ =	shalt  }
0x41: {  	_ =	shalt  }
0x42: {  	_ =	shalt  }
0x43: {  	_ =	shalt  }
0x44: {  	_ =	shalt  }
0x45: {  	_ =	shalt  }
0x46: {  	_ =	shalt  }
0x47: {  	_ =	shalt  }
0x48: {  	_ =	shalt  }
0x49: {  	_ =	shalt  }
0x4a: {  	_ =	shalt  }
0x4b: {  	_ =	shalt  }
0x4c: {  	_ =	shalt  }
0x4d: {  	_ =	shalt  }
0x4e: {  	_ =	shalt  }
0x4f: {  	_ =	shalt  }
0x50: {  	_ =	shalt  }
0x51: {  	_ =	shalt  }
0x52: {  	_ =	shalt  }
0x53: {  	_ =	shalt  }
0x54: {  	_ =	shalt  }
0x55: {  	_ =	shalt  }
0x56: {  	_ =	shalt  }
0x57: {  	_ =	shalt  }
0x58: {  	_ =	shalt  }
0x59: {  	_ =	shalt  }
0x5a: {  	_ =	shalt  }
0x5b: {  	_ =	shalt  }
0x5c: {  	_ =	shalt  }
0x5d: {  	_ =	shalt  }
0x5e: {  	_ =	shalt  }
0x5f: {  	_ =	shalt  }
0x60: {  	_ =	shalt  }
0x61: {  	_ =	shalt  }
0x62: {  	_ =	shalt  }
0x63: {  	_ =	shalt  }
0x64: {  	_ =	shalt  }
0x65: {  	_ =	shalt  }
0x66: {  	_ =	shalt  }
0x67: {  	_ =	shalt  }
0x68: {  	_ =	shalt  }
0x69: {  	_ =	shalt  }
0x6a: {  	_ =	shalt  }
0x6b: {  	_ =	shalt  }
0x6c: {  	_ =	shalt  }
0x6d: {  	_ =	shalt  }
0x6e: {  	_ =	shalt  }
0x6f: {  	_ =	shalt  }
0x70: {  	_ =	shalt  }
0x71: {  	_ =	shalt  }
0x72: {  	_ =	shalt  }
0x73: {  	_ =	shalt  }
0x74: {  	_ =	shalt  }
0x75: {  	_ =	shalt  }
0x76: {  	_ =	shalt  }
0x77: {  	_ =	shalt  }
0x78: {  	_ =	shalt  }
0x79: {  	_ =	shalt  }
0x7a: {  	_ =	shalt  }
0x7b: {  	_ =	shalt  }
0x7c: {  	_ =	shalt  }
0x7d: {  	_ =	shalt  }
0x7e: {  	_ =	shalt  }
0x7f: {  	_ =	shalt  }
0x80: {  	_ =	shalt  }
0x81: {  	_ =	shalt  }
0x82: {  	_ =	shalt  }
0x83: {  	_ =	shalt  }
0x84: {  	_ =	shalt  }
0x85: {  	_ =	shalt  }
0x86: {  	_ =	shalt  }
0x87: {  	_ =	shalt  }
.Lfunc_end0:
.L_simem_size_0:
called_computation_lowered:
.L_overlay_start_0:
0x88: {  	s2 =	sld [smem:$0x3FD9]  }
0x89: {  	s3 =	sld [smem:$0x3FFE];
	_ =	sdelay $0x1  }
0x8a: {  	s1 =	srdreg.scid  }
0x8b: {  	s0 =	sand.u32 $0x1, s1  }
0x8c: {  	s17 =	sshll.u32 s0, $0xA;
	s2 =	sadd.s32 s3, s2  }
0x8d: {  	s2 =	sadd.s32 s2, s17  }
0x8e: {  	[smem:$0x3FBE] =	sst s2  }
0x8f: {  	_ = 	snop  }
0x90: {  	s2 =	sld [smem:$0x3FC9];
	(tm) =	ssettm $0x1  }
0x91: {  	s18 =	sld [smem:$0x3FFB];
	_ =	sdelay $0x3  }
0x92: {  	_ =	strace s18  }
0x93: {  	s3 =	sld [smem:$0x3FFC];
	_ =	sdelay $0x3  }
0x94: {  	_ =	strace s3  }
0x95: {  	s3 =	sld [smem:$0x3FFD];
	_ =	sdelay $0x3  }
0x96: {  	_ =	strace s3  }
0x97: {  	_ =	strace $0x8FFFFFFF  }
0x98: {  	s19 =	sld [smem:$0x3FDB];
	_ =	sdelay $0x1  }
0x99: {  	s4 =	simm.s32 $_scs_section_size  }
0x9a: {  	s5 =	simm.s32 $_size__tile_overlayer_lowered;
	s6 =	simm.s32 $_tile_overlayer_lowered  }
0x9b: {  	s22 =	simm.s32 $0x1BFF;
	s21 =	sshll.u32 s6, $0x1;
	s3 =	sadd.s32 s4, s19  }
0x9c: {  	s7 =	simm.s32 $0x0;
	s20 =	sshll.u32 s5, $0x1;
	s5 =	sadd.s32 s21, s3  }
0x9d: {  	[timem:s7], [sflag:s22] =	dma.local [hbm:s5], s20  }
0x9e: {  	_ =	swait.ge [sflag:s22], s20  }
0x9f: {  	s4 =	ssub.s32 $0x0, s20;
	[sflag:s22] =	ssyncset.done $0x0  }
0xa0: {  	[sflag:s22] =	ssyncadd.s32 s4;
	_ =	sdelay $0x1  }
0xa1: {  	s23 =	simm.s32 $0x1B8B  }
0xa2: {  	_ =	swait.ge [sflag:s23], $0x1  }
0xa3: {  	[sflag:s23] =	ssyncset.done $0x0  }
0xa4: {  	s25 =	simm.s32 $0x1B8E;
	s24 =	sld [smem:$0x3FFE];
	[sflag:s23] =	ssyncadd.s32 $0xFFFFFFFF  }
0xa5: {  	s26 =	simm.s32 $execute0_lowered;
	[smem:$0x3FD2] =	sst s25  }
0xa6: {  	s5 =	sshll.u32 s26, $0x1;
	_ =	strace $0x80000046;
	[dreg:$0x1] =	wrdreg $0xFFFFFFFF  }
0xa7: {  	s28 =	simm.s32 $_size_execute0_lowered;
	s3 =	sadd.s32 s3, s5;
	[dreg:$0x0] =	wrdreg $0x0  }
0xa8: {  	s5 =	sshll.u32 s28, $0x1;
	[dreg:$0x2] =	wrdreg s3  }
0xa9: {  	[dreg:$0x3] =	wrdreg s5  }
0xaa: {  	[dreg:$0x4] =	wrdreg $0xC0  }
0xab: {  	_ =	task [dreg:s7], $0x5FFFF  }
0xac: {  	[dreg:$0x1] =	wrdreg $0xFFFFFFFF  }
0xad: {  	[dreg:$0x0] =	wrdreg $0x60  }
0xae: {  	[dreg:$0x2] =	wrdreg s2  }
0xaf: {  	[dreg:$0x3] =	wrdreg s24  }
0xb0: {  	[dreg:$0x4] =	wrdreg $0x17E800  }
0xb1: {  	[dreg:$0x5] =	wrdreg $0x9  }
0xb2: {  	_ =	task.clear_ibuf [dreg:s7], $0x6FFFF;
	_ =	strace $0x90000046  }
0xb3: {  	s29 =	simm.s32 $0x9;
	_ =	strace $0x80000048  }
0xb4: {  	_ =	swait.ge [sflag:s29], $0x1  }
0xb5: {  	[sflag:s29] =	ssyncadd.s32 $0xFFFFFFFF  }
0xb6: {  	_ =	strace $0x90000048  }
0xb7: {  	_ =	sfence  }
0xb8: {  	s30 =	sld [smem:$0x0];
	_ =	sdelay $0x2  }
0xb9: {  	s31 =	sshll.u32 s1, $0xD;
	s1 =	sshrl.u32 s1, $0x2  }
0xba: {  	s3 =	sand.u32 $0x4000, s31;
	s1 =	sadd.s32 s1, s30  }
0xbb: {  	s0 =	sor.u32 s3, s0;
	s1 =	sshll.u32 s1, $0x11  }
0xbc: {  	s0 =	sor.u32 s1, s0  }
0xbd: {  	s0 =	sadd.s32 $0x8F2B, s0  }
0xbe: {  	[sflag:s0] =	ssyncadd.remote.s32 $0x1  }
0xbf: {  	_ =	sfence.sel $0xFFFF  }
0xc0: {  	[dreg:$0x0] =	wrdreg $0xFFFFFFFF;
	(pc) =	sbr.abs _section_cstart, $3  }
0xc1: {  	[dreg:$0x1] =	wrdreg $0xFFFFFFFF  }
0xc2: {  	_ =	task.clear_ibuf [dreg:s7], $0x2FFFF;
	_ =	strace $0x9FFFFFFF  }
0xc3: {  	(tm) =	ssettm $0x7FFFFFFF  }
tec
execute0_lowered:
.L_overlay_start_1:
0x0: {  	(tag) =	ssettag $0x1  }
0x1: {  	s0 =	rddreg [dreg:$0x1]  }
0x2: {  	s2 =	rddreg [dreg:$0x2]  }
0x3: {  	s3 =	simm.s32 $0x0;
	s1 =	srdreg.scid;
	s30 =	stileid.u32  }
0x4: {  	s13 =	simm.s32 $0x2;
	s14 =	simm.s32 $0x400;
	s16 =	simm.s32 $0xC780  }
0x5: {  	s17 =	simm.s32 $0xD400;
	s18 =	simm.s32 $0xE080;
	s19 =	simm.s32 $0x1  }
0x6: {  	s20 =	simm.s32 $0x20;
	s21 =	simm.s32 $0x13E80;
	s22 =	simm.s32 $0x14E80  }
0x7: {  	s23 =	simm.s32 $0x15E80;
	s24 =	simm.s32 $0x16E80;
	s25 =	simm.s32 $0x80  }
0x8: {  	s26 =	simm.s32 $0x13E00;
	[smem:$0x7FF] =	sst s3;
	s4 =	sadd.s32 $0x18CC00, s0  }
0x9: {  	s28 =	simm.s32 $0x0;
	s5 =	sadd.s32 $0x1A5C00, s0;
	s6 =	sadd.s32 $0x1BEC00, s0  }
0xa: {  	s7 =	sadd.s32 $0x1D7C00, s0;
	s8 =	sadd.s32 $0x132E00, s0;
	s1 =	sand.u32 $0x1, s1  }
0xb: {  	s9 =	sadd.s32 $0x12EE00, s0;
	s10 =	sshll.u32 s30, $0x1;
	p0 =	sne.s32 s30, $0x0  }
.Ltmp0:
0xc: {  	_ =	strace $0x80000047;
	[dreg:$0x4] =	wrdreg s8;
	(pc) =	sbr.rel .LBB2_1-.Ltmp0, $4  }
0xd: {  	[dreg:$0x5] =	wrdreg s9;
	s31 =	ssub.s32 $0x2, s1;
	s11 =	sshll.u32 s1, $0xE  }
0xe: {  	s1 =	sor.u32 s1, s10;
	s12 =	sshrl.u32 s31, $0x1;
	s0 =	sadd.s32 s11, s0  }
0xf: {  	s15 =	sshrl.u32 @!p0 s2, $0x3;
	s9 =	ssub.s32 s31, s12;
	s0 =	sadd.s32 $0x134800, s0  }
0x10: {  	v0 =	vlaneseq.u32;
	v1 =	vimm.s32 $0x0;
	v2 =	vimm.f32 $0.0e+00;
	s10 =	smul.u32 $0x6400, s1;
	[dreg:$0x6] =	wrdreg s0;
	s12 =	smax.u32 s9, $0x1  }
.LBB2_19:
0x11: {  	[bflag:$0x0] =	sbarrier.arrive $0xFFFF;
	s28 =	sadd.s32 $0x1, s28  }
0x12: {  	s0 =	simm.s32 @!p0 $0x1C02;
	s1 =	rddreg [dreg:$0x6];
	p1 =	sne.s32 s28, s12  }
0x13: {  	[hbm:s1], [sflag:s0] =	dma.local @!p0 [spmem:s15], $0x4000  }
.Ltmp1:
0x14: {  	_ = 	snop;
	(pc) =	sbr.rel @!p1 .LBB2_20-.Ltmp1, $4  }
0x15: {  	s0 =	simm.s32 @!p0 $0x2  }
0x16: {  	_ =	swait.ge @!p0 [sflag:s0], $0x4000  }
0x17: {  	[sflag:s0] =	ssyncset.done @!p0 $0x0  }
0x18: {  	[sflag:s0] =	ssyncadd.s32 @!p0 $0xFFFFC000  }
.LBB2_1:
0x19: {  	s0 =	rddreg [dreg:$0x0]  }
0x1a: {  	[tilespmem:s3], [sflag:$0x2] =	stream.linear.gather [hbm4b:s0+s3], $0x400, $0x38;
	[tilespmem:$0x19E80] =	vst v63  }
0x1b: {  	_ =	swait.ge [sflag:s13], $0x400  }
0x1c: {  	[sflag:s13] =	ssyncset.done $0x0  }
0x1d: {  	s31 =	rddreg [dreg:$0x4];
	[sflag:s13] =	ssyncadd.s32 $0xFFFFFC00  }
0x1e: {  	[tilespmem:s14], [sflag:$0x2] =	stream.linear.gather [hbm4b:s31+s3], $0xC380, $0x38;
	[tilespmem:$0x19E80] =	vst v63  }
0x1f: {  	_ =	swait.ge [sflag:s13], $0xC380  }
0x20: {  	[sflag:s13] =	ssyncset.done $0x0  }
0x21: {  	s1 =	simm.s32 $0x0;
	s0 =	simm.s32 $0x0;
	[sflag:s13] =	ssyncadd.s32 $0xFFFF3C80  }
.LBB2_2:
0x22: {  	v3 =	vld [tilespmem:s0+$0x0];
	_ =	sdelay $0x2  }
0x23: {  	p1 =	sne.s32 s1, $0x3F0  }
.Ltmp2:
0x24: {  	_ = 	snop;
	(pc) =	sbr.rel @p1 .LBB2_2-.Ltmp2, $3  }
0x25: {  	_ =	sdelay $0x1  }
0x26: {  	v4 =	vor.u32 s1, v0  }
0x27: {  	s0 =	sadd.s32 $0x10, s0;
	s1 =	sadd.s32 $0x10, s1;
	[tilespmem:v3+s14+$0x0] =	vst.idx.msk $0xffff, v4  }
0x28: {  	s0 =	simm.s32 $0x40;
	s1 =	simm.s32 $0x0  }
.LBB2_4:
0x29: {  	p1 =	sne.s32 s0, $0x6BC0;
	[tilespmem:s1+$0xED00] =	vst v1;
	s8 =	smov.u32 s0;
	s0 =	sadd.s32 $0x40, s0  }
.Ltmp3:
0x2a: {  	[tilespmem:s1+$0x12300] =	vst v1;
	(pc) =	sbr.rel @p1 .LBB2_4-.Ltmp3, $2  }
0x2b: {  	_ =	sdelay $0x2  }
0x2c: {  	s1 =	sshra.s32 s8, $0x2  }
0x2d: {  	[tilespmem:s1+$0xED00] =	vst v1  }
0x2e: {  	[tilespmem:s1+$0x12300] =	vst v1;
	s0 =	simm.s32 @!p0 $0x1C02;
	s1 =	rddreg [dreg:$0x5]  }
0x2f: {  	[spmem:s15], [sflag:s0] =	dma.local @!p0 [hbm:s1], $0x4000  }
0x30: {  	s0 =	simm.s32 @!p0 $0x2  }
.Ltmp4:
0x31: {  	_ =	swait.ge @!p0 [sflag:s0], $0x4000;
	(pc) =	sbr.rel .LBB2_6-.Ltmp4, $4  }
0x32: {  	[sflag:s0] =	ssyncset.done @!p0 $0x0  }
0x33: {  	[sflag:s0] =	ssyncadd.s32 @!p0 $0xFFFFC000  }
0x34: {  	[bflag:$0x0] =	sbarrier.arrive $0xFFFF  }
0x35: {  	s31 =	simm.s32 $0x0;
	s29 =	simm.s32 $0x0  }
.LBB2_9:
0x36: {  	s31 =	simm.s32 @!p1 $0x0  }
.LBB2_14:
0x37: {  	s29 =	sadd.s32 $0x1, s29  }
0x38: {  	p1 =	sne.s32 s29, $0x8  }
.Ltmp5:
0x39: {  	_ = 	snop;
	(pc) =	sbr.rel @!p1 .LBB2_15-.Ltmp5, $1  }
0x3a: {  	_ =	sdelay $0x3  }
.LBB2_6:
0x3b: {  	s0 =	smul.u32 $0xC80, s29;
	_ =	sdelay $0x1  }
0x3c: {  	s0 =	sadd.s32 s10, s0  }
0x3d: {  	s0 =	sshrl.u32 s0, $0x3  }
0x3e: {  	s1 =	sadd.s32 s4, s0  }
0x3f: {  	[tilespmem:s16], [sflag:$0x1] =	stream.linear.gather [hbm4b:s1+s3], $0xC80, $0x38;
	[tilespmem:$0x19E80] =	vst v63  }
0x40: {  	s11 =	sadd.s32 s5, s0  }
0x41: {  	[tilespmem:s17], [sflag:$0x1] =	stream.linear.gather [hbm4b:s11+s3], $0xC80, $0x38;
	[tilespmem:$0x19E80] =	vst v63  }
0x42: {  	s0 =	sadd.s32 s6, s0  }
0x43: {  	[tilespmem:s18], [sflag:$0x1] =	stream.linear.gather [hbm4b:s0+s3], $0xC80, $0x38;
	[tilespmem:$0x19E80] =	vst v63  }
0x44: {  	_ =	swait.ge [sflag:s19], $0xC80  }
0x45: {  	[sflag:s19] =	ssyncset.done $0x0  }
0x46: {  	[sflag:s19] =	ssyncadd.s32 $0xFFFFF380  }
0x47: {  	_ =	swait.ge [sflag:s19], $0xC80  }
0x48: {  	[sflag:s19] =	ssyncset.done $0x0  }
0x49: {  	[sflag:s19] =	ssyncadd.s32 $0xFFFFF380  }
0x4a: {  	_ =	swait.ge [sflag:s19], $0xC80  }
0x4b: {  	[sflag:s19] =	ssyncset.done $0x0  }
0x4c: {  	s1 =	simm.s32 $0xC7A0;
	[sflag:s19] =	ssyncadd.s32 $0xFFFFF380  }
0x4d: {  	v3 =	vld [tilespmem:s1+$0xFFFFFFE0];
	_ =	sdelay $0x7  }
0x4e: {  	s11 =	simm.s32 $0xD420;
	v3 =	vld.idx.msk [tilespmem:v3+s14+$0x0], $0xffff  }
0x4f: {  	v4 =	vld [tilespmem:s11+$0xFFFFFFE0];
	_ =	sdelay $0x3  }
0x50: {  	vm0 =	vgt.s32 v3, $0xFFFFFFFF  }
0x51: {  	s30 =	simm.s32 $0xE0A0;
	v5 =	vsel vm0, $0x1, v1;
	[tilespmem:s31+$0xED00] =	vst.msk vm0, v4  }
0x52: {  	v4 =	vld [tilespmem:s30+$0xFFFFFFE0];
	(xrf0) =	vadd.scan.msk.s32 $0xffff, v5;
	_ =	sdelay $0x4  }
0x53: {  	[tilespmem:s31+$0x10800] =	vst.msk vm0, v4  }
0x54: {  	[tilespmem:s31+$0x12300] =	vst.msk vm0, v3;
	v3, _, _ =	vpop (xrf0)  }
0x55: {  	v4 =	vld [tilespmem:s1+$0xFFFFFFF0];
	(v2sf) =	vpush v3, $0xF;
	_ =	sdelay $0x7  }
0x56: {  	v3 =	vld.idx.msk [tilespmem:v4+s14+$0x0], $0xffff;
	_ =	sdelay $0x3  }
0x57: {  	v4 =	vld [tilespmem:s11+$0xFFFFFFF0]  }
0x58: {  	vm13 =	vgt.s32 v3, $0xFFFFFFFF  }
0x59: {  	v5 =	vsel vm13, $0x1, v1  }
0x5a: {  	s8 =	spop (v2sf);
	(xrf0) =	vadd.scan.msk.s32 $0xffff, v5  }
0x5b: {  	s8 =	sadd.s32 s31, s8  }
0x5c: {  	[tilespmem:s8+$0xED00] =	vst.msk vm13, v4  }
0x5d: {  	v4 =	vld [tilespmem:s30+$0xFFFFFFF0];
	_ =	sdelay $0x2  }
0x5e: {  	v5, _, _ =	vpop (xrf0)  }
0x5f: {  	(v2sf) =	vpush v5, $0xF  }
0x60: {  	[tilespmem:s8+$0x10800] =	vst.msk vm13, v4  }
0x61: {  	[tilespmem:s8+$0x12300] =	vst.msk vm13, v3  }
0x62: {  	v3 =	vld [tilespmem:s1+$0x0];
	_ =	sdelay $0x7  }
0x63: {  	v3 =	vld.idx.msk [tilespmem:v3+s14+$0x0], $0xffff  }
0x64: {  	v4 =	vld [tilespmem:s11+$0x0];
	_ =	sdelay $0x2  }
0x65: {  	s9 =	spop (v2sf)  }
0x66: {  	s8 =	sadd.s32 s8, s9;
	vm14 =	vgt.s32 v3, $0xFFFFFFFF  }
0x67: {  	[tilespmem:s8+$0xED00] =	vst.msk vm14, v4;
	v5 =	vsel vm14, $0x1, v1  }
0x68: {  	v4 =	vld [tilespmem:s30+$0x0];
	(xrf0) =	vadd.scan.msk.s32 $0xffff, v5;
	_ =	sdelay $0x4  }
0x69: {  	[tilespmem:s8+$0x10800] =	vst.msk vm14, v4  }
0x6a: {  	[tilespmem:s8+$0x12300] =	vst.msk vm14, v3;
	v4, _, _ =	vpop (xrf0)  }
0x6b: {  	v3 =	vld [tilespmem:s1+$0x10];
	(v2sf) =	vpush v4, $0xF;
	_ =	sdelay $0x7  }
0x6c: {  	v3 =	vld.idx.msk [tilespmem:v3+s14+$0x0], $0xffff;
	_ =	sdelay $0x3  }
0x6d: {  	v5 =	vld [tilespmem:s11+$0x10]  }
0x6e: {  	vm15 =	vgt.s32 v3, $0xFFFFFFFF  }
0x6f: {  	v4 =	vsel vm15, $0x1, v1  }
0x70: {  	(xrf0) =	vadd.scan.msk.s32 $0xffff, v4;
	s11 =	spop (v2sf)  }
0x71: {  	s8 =	sadd.s32 s8, s11  }
0x72: {  	[tilespmem:s8+$0xED00] =	vst.msk vm15, v5  }
0x73: {  	v4 =	vld [tilespmem:s30+$0x10];
	_ =	sdelay $0x2  }
0x74: {  	v5, _, _ =	vpop (xrf0)  }
0x75: {  	(v2sf) =	vpush v5, $0xF  }
0x76: {  	[tilespmem:s8+$0x10800] =	vst.msk vm15, v4  }
0x77: {  	s0 =	simm.s32 $0xC7E0;
	[tilespmem:s8+$0x12300] =	vst.msk vm15, v3  }
0x78: {  	v3 =	vld [tilespmem:s0+$0xFFFFFFE0];
	_ =	sdelay $0x7  }
0x79: {  	s31 =	simm.s32 $0xD460;
	v3 =	vld.idx.msk [tilespmem:v3+s14+$0x0], $0xffff  }
0x7a: {  	v4 =	vld [tilespmem:s31+$0xFFFFFFE0];
	_ =	sdelay $0x2  }
0x7b: {  	s1 =	simm.s32 $0x4;
	s9 =	spop (v2sf)  }
.LBB2_7:
0x7c: {  	s1 =	sadd.s32 $0x4, s1;
	vm0 =	vgt.s32 v3, $0xFFFFFFFF;
	s8 =	sadd.s32 s8, s9;
	s30 =	sadd.s32 $0x40, s30  }
0x7d: {  	p1 =	slt.u32 s1, $0xC4;
	v5 =	vsel vm0, $0x1, v1;
	[tilespmem:s8+$0xED00] =	vst.msk vm0, v4  }
0x7e: {  	v4 =	vld [tilespmem:s30+$0xFFFFFFE0];
	(xrf0) =	vadd.scan.msk.s32 $0xffff, v5;
	_ =	sdelay $0x4  }
0x7f: {  	[tilespmem:s8+$0x10800] =	vst.msk vm0, v4  }
0x80: {  	[tilespmem:s8+$0x12300] =	vst.msk vm0, v3;
	v3, _, _ =	vpop (xrf0)  }
0x81: {  	v4 =	vld [tilespmem:s0+$0xFFFFFFF0];
	(v2sf) =	vpush v3, $0xF;
	_ =	sdelay $0x7  }
0x82: {  	v3 =	vld.idx.msk [tilespmem:v4+s14+$0x0], $0xffff;
	_ =	sdelay $0x3  }
0x83: {  	v4 =	vld [tilespmem:s31+$0xFFFFFFF0];
	_ =	sdelay $0x1  }
0x84: {  	vm0 =	vgt.s32 v3, $0xFFFFFFFF  }
0x85: {  	v5 =	vsel vm0, $0x1, v1;
	s9 =	spop (v2sf)  }
0x86: {  	s8 =	sadd.s32 s8, s9;
	(xrf0) =	vadd.scan.msk.s32 $0xffff, v5  }
0x87: {  	[tilespmem:s8+$0xED00] =	vst.msk vm0, v4  }
0x88: {  	v4 =	vld [tilespmem:s30+$0xFFFFFFF0];
	_ =	sdelay $0x3  }
0x89: {  	v5, _, _ =	vpop (xrf0)  }
0x8a: {  	[tilespmem:s8+$0x10800] =	vst.msk vm0, v4;
	(v2sf) =	vpush v5, $0xF  }
0x8b: {  	[tilespmem:s8+$0x12300] =	vst.msk vm0, v3  }
0x8c: {  	v3 =	vld [tilespmem:s0+$0x0];
	_ =	sdelay $0x7  }
0x8d: {  	v3 =	vld.idx.msk [tilespmem:v3+s14+$0x0], $0xffff;
	_ =	sdelay $0x1  }
0x8e: {  	v4 =	vld [tilespmem:s31+$0x0];
	_ =	sdelay $0x2  }
0x8f: {  	s9 =	spop (v2sf)  }
0x90: {  	vm0 =	vgt.s32 v3, $0xFFFFFFFF;
	s8 =	sadd.s32 s8, s9  }
0x91: {  	v5 =	vsel vm0, $0x1, v1;
	[tilespmem:s8+$0xED00] =	vst.msk vm0, v4  }
0x92: {  	v4 =	vld [tilespmem:s30+$0x0];
	(xrf0) =	vadd.scan.msk.s32 $0xffff, v5;
	_ =	sdelay $0x4  }
0x93: {  	[tilespmem:s8+$0x10800] =	vst.msk vm0, v4  }
0x94: {  	[tilespmem:s8+$0x12300] =	vst.msk vm0, v3;
	v3, _, _ =	vpop (xrf0)  }
0x95: {  	v4 =	vld [tilespmem:s0+$0x10];
	(v2sf) =	vpush v3, $0xF  }
0x96: {  	v3 =	vld [tilespmem:s31+$0x10];
	_ =	sdelay $0x6  }
0x97: {  	v4 =	vld.idx.msk [tilespmem:v4+s14+$0x0], $0xffff;
	_ =	sdelay $0x5  }
0x98: {  	vm0 =	vgt.s32 v4, $0xFFFFFFFF  }
0x99: {  	v5 =	vsel vm0, $0x1, v1;
	s9 =	spop (v2sf)  }
0x9a: {  	s8 =	sadd.s32 s8, s9;
	(xrf0) =	vadd.scan.msk.s32 $0xffff, v5  }
0x9b: {  	[tilespmem:s8+$0xED00] =	vst.msk vm0, v3  }
0x9c: {  	v3 =	vld [tilespmem:s30+$0x10];
	_ =	sdelay $0x3  }
0x9d: {  	v5, _, _ =	vpop (xrf0)  }
0x9e: {  	[tilespmem:s8+$0x10800] =	vst.msk vm0, v3;
	(v2sf) =	vpush v5, $0xF  }
0x9f: {  	s0 =	sadd.s32 $0x40, s0;
	[tilespmem:s8+$0x12300] =	vst.msk vm0, v4  }
0xa0: {  	v3 =	vld [tilespmem:s0+$0xFFFFFFE0];
	_ =	sdelay $0x7  }
0xa1: {  	v3 =	vld.idx.msk [tilespmem:v3+s14+$0x0], $0xffff  }
.Ltmp6:
0xa2: {  	s31 =	sadd.s32 $0x40, s31;
	(pc) =	sbr.rel @p1 .LBB2_7-.Ltmp6, $2  }
0xa3: {  	v4 =	vld [tilespmem:s31+$0xFFFFFFE0];
	_ =	sdelay $0x2  }
0xa4: {  	s9 =	spop (v2sf)  }
0xa5: {  	vm0 =	vgt.s32 v3, $0xFFFFFFFF;
	s1 =	sadd.s32 s8, s9  }
0xa6: {  	s8 =	sadd.s32 $0x40, s30;
	v5 =	vsel vm0, $0x1, v1;
	[tilespmem:s1+$0xED00] =	vst.msk vm0, v4  }
0xa7: {  	v4 =	vld [tilespmem:s8+$0xFFFFFFE0];
	(xrf0) =	vadd.scan.msk.s32 $0xffff, v5;
	_ =	sdelay $0x4  }
0xa8: {  	[tilespmem:s1+$0x10800] =	vst.msk vm0, v4  }
0xa9: {  	[tilespmem:s1+$0x12300] =	vst.msk vm0, v3;
	v3, _, _ =	vpop (xrf0)  }
0xaa: {  	v4 =	vld [tilespmem:s0+$0xFFFFFFF0];
	(v2sf) =	vpush v3, $0xF;
	_ =	sdelay $0x7  }
0xab: {  	v3 =	vld.idx.msk [tilespmem:v4+s14+$0x0], $0xffff;
	_ =	sdelay $0x3  }
0xac: {  	v57 =	vld [tilespmem:s31+$0xFFFFFFF0]  }
0xad: {  	vm13 =	vgt.s32 v3, $0xFFFFFFFF  }
0xae: {  	v58 =	vsel vm13, $0x1, v1  }
0xaf: {  	s11 =	spop (v2sf);
	(xrf0) =	vadd.scan.msk.s32 $0xffff, v58  }
0xb0: {  	s1 =	sadd.s32 s1, s11  }
0xb1: {  	[tilespmem:s1+$0xED00] =	vst.msk vm13, v57  }
0xb2: {  	v4 =	vld [tilespmem:s8+$0xFFFFFFF0];
	_ =	sdelay $0x2  }
0xb3: {  	v5, _, _ =	vpop (xrf0)  }
0xb4: {  	(v2sf) =	vpush v5, $0xF  }
0xb5: {  	[tilespmem:s1+$0x10800] =	vst.msk vm13, v4  }
0xb6: {  	[tilespmem:s1+$0x12300] =	vst.msk vm13, v3  }
0xb7: {  	v3 =	vld [tilespmem:s0+$0x0];
	_ =	sdelay $0x7  }
0xb8: {  	v3 =	vld.idx.msk [tilespmem:v3+s14+$0x0], $0xffff  }
0xb9: {  	v4 =	vld [tilespmem:s31+$0x0];
	_ =	sdelay $0x2  }
0xba: {  	s11 =	spop (v2sf)  }
0xbb: {  	s1 =	sadd.s32 s1, s11;
	vm14 =	vgt.s32 v3, $0xFFFFFFFF  }
0xbc: {  	[tilespmem:s1+$0xED00] =	vst.msk vm14, v4  }
0xbd: {  	v4 =	vld [tilespmem:s8+$0x0];
	_ =	sdelay $0x4  }
0xbe: {  	[tilespmem:s1+$0x10800] =	vst.msk vm14, v4  }
0xbf: {  	[tilespmem:s1+$0x12300] =	vst.msk vm14, v3  }
0xc0: {  	v3 =	vld [tilespmem:s0+$0x10];
	_ =	sdelay $0x7  }
0xc1: {  	v3 =	vld.idx.msk [tilespmem:v3+s14+$0x0], $0xffff;
	_ =	sdelay $0x2  }
0xc2: {  	v59 =	vsel vm14, $0x1, v1  }
0xc3: {  	(xrf0) =	vadd.scan.msk.s32 $0xffff, v59  }
0xc4: {  	vm15 =	vgt.s32 v3, $0xFFFFFFFF  }
0xc5: {  	v60 =	vsel vm15, $0x1, v1  }
0xc6: {  	(xrf0) =	vadd.scan.msk.s32 $0xffff, v60;
	_ =	sdelay $0x2  }
0xc7: {  	v61, _, _ =	vpop (xrf0)  }
0xc8: {  	(v2sf) =	vpush v61, $0xF;
	_ =	sdelay $0x1  }
0xc9: {  	v62, _, _ =	vpop (xrf0)  }
0xca: {  	(v2sf) =	vpush v62, $0xF;
	_ =	sdelay $0x8  }
0xcb: {  	v63 =	vld [tilespmem:s31+$0x10];
	_ =	sdelay $0x2  }
0xcc: {  	s9 =	spop (v2sf)  }
0xcd: {  	s0 =	sadd.s32 s1, s9  }
0xce: {  	[tilespmem:s0+$0xED00] =	vst.msk vm15, v63  }
0xcf: {  	v4 =	vld [tilespmem:s8+$0x10];
	s11 =	spop (v2sf)  }
0xd0: {  	s31 =	sadd.s32 s0, s11  }
0xd1: {  	p1 =	slt.s32 s31, $0xE01  }
0xd2: {  	s1 =	sadd.s32 @!p1 $0x7F, s31  }
0xd3: {  	s8 =	sand.u32 @!p1 $0x7F, s1  }
0xd4: {  	[tilespmem:s0+$0x10800] =	vst.msk vm15, v4;
	p2 =	slt.s32 @!p1 s1, $0x0;
	p3 =	sne.s32 @!p1 s8, $0x0  }
0xd5: {  	[tilespmem:s0+$0x12300] =	vst.msk vm15, v3;
	s0 =	sshra.s32 @!p1 s1, $0x1F;
	p2 =	por @!p1 !p2, !p3  }
0xd6: {  	s0 =	sshrl.u32 @!p1 s0, $0x19;
	p2 =	por @!p1 !p2, !p2  }
0xd7: {  	s0 =	sadd.s32 @!p1 s0, s1;
	s1 =	simm.s32 @!p1 $0x1;
	p2 =	por !p2, p1  }
0xd8: {  	v3 =	vimm.f32 @!p1 $0.0e+00;
	s0 =	sshra.s32 @!p1 s0, $0x7;
	s1 =	simm.s32 @p2 $0x0  }
0xd9: {  	[tilespmem:s31+$0x10800] =	vst @!p1 v3;
	s0 =	ssub.s32 @!p1 s0, s1  }
0xda: {  	[tilespmem:s31+$0x10810] =	vst @!p1 v3;
	p2 =	slt.s32 @!p1 s0, $0x1  }
0xdb: {  	[tilespmem:s31+$0x10820] =	vst @!p1 v3;
	p2 =	por p1, p2  }
.Ltmp7:
0xdc: {  	[tilespmem:s31+$0x10830] =	vst @!p1 v3;
	(pc) =	sbr.rel @p2 .LBB2_9-.Ltmp7, $4  }
0xdd: {  	[tilespmem:s31+$0x10840] =	vst @!p1 v3  }
0xde: {  	[tilespmem:s31+$0x10850] =	vst @!p1 v3  }
0xdf: {  	[tilespmem:s31+$0x10860] =	vst @!p1 v3  }
0xe0: {  	s30 =	simm.s32 @!p1 $0x10800;
	[tilespmem:s31+$0x10870] =	vst @!p1 v3;
	s1 =	simm.s32 @!p1 $0x0  }
.LBB2_10:
0xe1: {  	s8 =	sshll.u32 s1, $0x9  }
0xe2: {  	s8 =	sshra.s32 s8, $0x2  }
0xe3: {  	v3 =	vld [tilespmem:s8+$0x12300];
	_ =	sdelay $0x4  }
0xe4: {  	[tilespmem:$0x13E00] =	vst v3  }
0xe5: {  	v3 =	vld [tilespmem:s8+$0x12310];
	_ =	sdelay $0x4  }
0xe6: {  	[tilespmem:$0x13E10] =	vst v3  }
0xe7: {  	v3 =	vld [tilespmem:s8+$0x12320];
	_ =	sdelay $0x4  }
0xe8: {  	[tilespmem:$0x13E20] =	vst v3  }
0xe9: {  	v3 =	vld [tilespmem:s8+$0x12330];
	_ =	sdelay $0x4  }
0xea: {  	[tilespmem:$0x13E30] =	vst v3  }
0xeb: {  	v3 =	vld [tilespmem:s8+$0x12340];
	_ =	sdelay $0x4  }
0xec: {  	[tilespmem:$0x13E40] =	vst v3  }
0xed: {  	v3 =	vld [tilespmem:s8+$0x12350];
	_ =	sdelay $0x4  }
0xee: {  	[tilespmem:$0x13E50] =	vst v3  }
0xef: {  	v3 =	vld [tilespmem:s8+$0x12360];
	_ =	sdelay $0x4  }
0xf0: {  	[tilespmem:$0x13E60] =	vst v3  }
0xf1: {  	v3 =	vld [tilespmem:s8+$0x12370];
	_ =	sdelay $0x3  }
0xf2: {  	s8 =	sshll.u32 s1, $0x7  }
0xf3: {  	s9 =	sadd.s32 $0xED00, s8;
	[tilespmem:$0x13E70] =	vst v3  }
0xf4: {  	[tilespmem:s21], [sflag:$0x1] =	stream.indirect.gather [hbm4b:s7+s20], $0x80, s9, s20, $0xb8;
	[tilespmem:$0x19E80] =	vst v63  }
0xf5: {  	s11 =	sadd.s32 $0xED20, s8  }
0xf6: {  	[tilespmem:s22], [sflag:$0x1] =	stream.indirect.gather [hbm4b:s7+s20], $0x80, s11, s20, $0xb8;
	[tilespmem:$0x19E80] =	vst v63  }
0xf7: {  	s11 =	sadd.s32 $0xED40, s8  }
0xf8: {  	[tilespmem:s23], [sflag:$0x1] =	stream.indirect.gather [hbm4b:s7+s20], $0x80, s11, s20, $0xb8;
	[tilespmem:$0x19E80] =	vst v63  }
0xf9: {  	s8 =	sadd.s32 $0xED60, s8  }
0xfa: {  	[tilespmem:s24], [sflag:$0x1] =	stream.indirect.gather [hbm4b:s7+s20], $0x80, s8, s20, $0xb8;
	[tilespmem:$0x19E80] =	vst v63  }
0xfb: {  	_ =	swait.ge [sflag:s19], $0x1000  }
0xfc: {  	[sflag:s19] =	ssyncset.done $0x0  }
0xfd: {  	[sflag:s19] =	ssyncadd.s32 $0xFFFFF000  }
0xfe: {  	_ =	swait.ge [sflag:s19], $0x1000  }
0xff: {  	[sflag:s19] =	ssyncset.done $0x0  }
0x100: {  	[sflag:s19] =	ssyncadd.s32 $0xFFFFF000  }
0x101: {  	_ =	swait.ge [sflag:s19], $0x1000  }
0x102: {  	[sflag:s19] =	ssyncset.done $0x0  }
0x103: {  	[sflag:s19] =	ssyncadd.s32 $0xFFFFF000  }
0x104: {  	_ =	swait.ge [sflag:s19], $0x1000  }
0x105: {  	[sflag:s19] =	ssyncset.done $0x0  }
0x106: {  	s31 =	simm.s32 $0x13EC0;
	[sflag:s19] =	ssyncadd.s32 $0xFFFFF000  }
0x107: {  	v7 =	vld [tilespmem:s31+$0x30]  }
0x108: {  	v10 =	vld [tilespmem:s31+$0x10]  }
0x109: {  	s11 =	sadd.s32 $0x0, s30;
	v8 =	vld [tilespmem:s31+$0xFFFFFFC0]  }
0x10a: {  	v4 =	vld.msk [tilespmem:s11+$0x0 ss:$0x0], $0xffff  }
0x10b: {  	v12 =	vld [tilespmem:s31+$0xFFFFFFE0]  }
0x10c: {  	v3 =	vld [tilespmem:s31+$0xFFFFFFF0]  }
0x10d: {  	v5 =	vld [tilespmem:s31+$0x20]  }
0x10e: {  	v6 =	vld [tilespmem:s31+$0xFFFFFFD0]  }
0x10f: {  	v11 =	vmul.f32 v7, v4;
	v7 =	vld [tilespmem:s31+$0x0]  }
0x110: {  	v9 =	vmul.f32 v4, v8  }
0x111: {  	s9 =	simm.s32 $0x13EC0;
	s8 =	simm.s32 $0x4;
	v8 =	vmul.f32 v12, v4;
	v10 =	vmul.f32 v10, v4  }
.LBB2_11:
0x112: {  	p1 =	sne.s32 s8, $0x1FC  }
0x113: {  	v6 =	vmul.f32 v6, v4;
	v5 =	vmul.f32 v5, v4;
	[tilespmem:s31+$0x30] =	vst v11;
	s9 =	sadd.s32 $0x80, s9;
	s11 =	smov.u32 s8;
	s8 =	sadd.s32 $0x4, s8  }
0x114: {  	[tilespmem:s31+$0xFFFFFFC0] =	vst v9;
	v9 =	vmul.f32 v3, v4;
	v4 =	vmul.f32 v7, v4  }
0x115: {  	[tilespmem:s31+$0x10] =	vst v10  }
0x116: {  	[tilespmem:s31+$0xFFFFFFE0] =	vst v8  }
0x117: {  	v3 =	vld [tilespmem:s9+$0xFFFFFFF0];
	[tilespmem:s31+$0xFFFFFFF0] =	vst v9  }
0x118: {  	v8 =	vld [tilespmem:s9+$0x30];
	[tilespmem:s31+$0x0] =	vst v4  }
0x119: {  	s11 =	sshra.s32 s11, $0x2;
	v10 =	vld [tilespmem:s9+$0x10];
	[tilespmem:s31+$0x20] =	vst v5  }
0x11a: {  	s11 =	sadd.s32 s11, s30;
	v9 =	vld [tilespmem:s9+$0xFFFFFFC0];
	[tilespmem:s31+$0xFFFFFFD0] =	vst v6;
	s31 =	smov.u32 s9  }
0x11b: {  	v4 =	vld.msk [tilespmem:s11+$0x0 ss:$0x0], $0xffff  }
0x11c: {  	v12 =	vld [tilespmem:s9+$0xFFFFFFE0]  }
0x11d: {  	v5 =	vld [tilespmem:s9+$0x20]  }
.Ltmp8:
0x11e: {  	v6 =	vld [tilespmem:s9+$0xFFFFFFD0];
	(pc) =	sbr.rel @p1 .LBB2_11-.Ltmp8, $3  }
0x11f: {  	v7 =	vld [tilespmem:s9+$0x0];
	_ =	sdelay $0x1  }
0x120: {  	v9 =	vmul.f32 v4, v9;
	v11 =	vmul.f32 v8, v4  }
0x121: {  	v10 =	vmul.f32 v10, v4;
	v8 =	vmul.f32 v12, v4  }
0x122: {  	[tilespmem:s31+$0x30] =	vst v11  }
0x123: {  	[tilespmem:s31+$0xFFFFFFC0] =	vst v9  }
0x124: {  	v3 =	vmul.f32 v3, v4;
	[tilespmem:s31+$0x10] =	vst v10  }
0x125: {  	v5 =	vmul.f32 v5, v4;
	[tilespmem:s31+$0xFFFFFFE0] =	vst v8  }
0x126: {  	v7 =	vmul.f32 v7, v4;
	[tilespmem:s31+$0xFFFFFFF0] =	vst v3  }
0x127: {  	s1 =	sadd.s32 $0x1, s1;
	v3 =	vmul.f32 v6, v4;
	[tilespmem:s31+$0x20] =	vst v5  }
0x128: {  	p1 =	sne.s32 s1, s0;
	[tilespmem:s31+$0x0] =	vst v7  }
.Ltmp9:
0x129: {  	[tilespmem:s31+$0xFFFFFFD0] =	vst v3;
	(pc) =	sbr.rel @p1 .LBB2_10-.Ltmp9, $4  }
0x12a: {  	[spmem:s2] =	stream.indirect.scatter.add.f32 [tilespmem:s21], [sflag:$0x2], $0x80, s26, s25, $0xb8;
	[tilespmem:$0x19E80] =	vst v63  }
0x12b: {  	_ =	swait.ge [sflag:s13], $0x4000  }
0x12c: {  	[sflag:s13] =	ssyncset.done $0x0  }
0x12d: {  	s30 =	sadd.s32 $0x80, s30;
	[sflag:s13] =	ssyncadd.s32 $0xFFFFC000  }
.Ltmp10:
0x12e: {  	(pc) =	sbr.rel .LBB2_14-.Ltmp10, $2  }
0x12f: {  	_ =	sdelay $0x2  }
0x130: {  	s31 =	simm.s32 $0x0  }
.LBB2_15:
0x131: {  	s0 =	sadd.s32 $0x7F, s31  }
0x132: {  	s1 =	sand.u32 $0x7F, s0  }
0x133: {  	p2 =	slt.s32 s31, $0xFFFFFF82;
	s30 =	sshra.s32 s0, $0x1F;
	p1 =	sne.s32 s1, $0x0  }
0x134: {  	s1 =	sshrl.u32 s30, $0x19;
	p1 =	por !p2, !p1  }
0x135: {  	s0 =	sadd.s32 s1, s0;
	s1 =	simm.s32 $0x1;
	p1 =	por !p1, !p1  }
0x136: {  	[tilespmem:s31+$0x10800] =	vst v2;
	s0 =	sshra.s32 s0, $0x7;
	s1 =	simm.s32 @!p1 $0x0  }
0x137: {  	[tilespmem:s31+$0x10810] =	vst v2;
	s0 =	ssub.s32 s0, s1  }
0x138: {  	[tilespmem:s31+$0x10820] =	vst v2;
	p1 =	slt.s32 s0, $0x1  }
.Ltmp11:
0x139: {  	[tilespmem:s31+$0x10830] =	vst v2;
	(pc) =	sbr.rel @p1 .LBB2_19-.Ltmp11, $4  }
0x13a: {  	[tilespmem:s31+$0x10840] =	vst v2  }
0x13b: {  	[tilespmem:s31+$0x10850] =	vst v2  }
0x13c: {  	[tilespmem:s31+$0x10860] =	vst v2  }
0x13d: {  	[tilespmem:s31+$0x10870] =	vst v2;
	s29 =	simm.s32 $0x10800;
	s1 =	simm.s32 $0x0  }
.LBB2_16:
0x13e: {  	s8 =	sshll.u32 s1, $0x9  }
0x13f: {  	s8 =	sshra.s32 s8, $0x2  }
0x140: {  	v3 =	vld [tilespmem:s8+$0x12300];
	_ =	sdelay $0x4  }
0x141: {  	[tilespmem:$0x13E00] =	vst v3  }
0x142: {  	v3 =	vld [tilespmem:s8+$0x12310];
	_ =	sdelay $0x4  }
0x143: {  	[tilespmem:$0x13E10] =	vst v3  }
0x144: {  	v3 =	vld [tilespmem:s8+$0x12320];
	_ =	sdelay $0x4  }
0x145: {  	[tilespmem:$0x13E20] =	vst v3  }
0x146: {  	v3 =	vld [tilespmem:s8+$0x12330];
	_ =	sdelay $0x4  }
0x147: {  	[tilespmem:$0x13E30] =	vst v3  }
0x148: {  	v3 =	vld [tilespmem:s8+$0x12340];
	_ =	sdelay $0x4  }
0x149: {  	[tilespmem:$0x13E40] =	vst v3  }
0x14a: {  	v3 =	vld [tilespmem:s8+$0x12350];
	_ =	sdelay $0x4  }
0x14b: {  	[tilespmem:$0x13E50] =	vst v3  }
0x14c: {  	v3 =	vld [tilespmem:s8+$0x12360];
	_ =	sdelay $0x4  }
0x14d: {  	[tilespmem:$0x13E60] =	vst v3  }
0x14e: {  	v3 =	vld [tilespmem:s8+$0x12370];
	_ =	sdelay $0x3  }
0x14f: {  	s8 =	sshll.u32 s1, $0x7  }
0x150: {  	s9 =	sadd.s32 $0xED00, s8;
	[tilespmem:$0x13E70] =	vst v3  }
0x151: {  	[tilespmem:s21], [sflag:$0x1] =	stream.indirect.gather [hbm4b:s7+s20], $0x80, s9, s20, $0xb8;
	[tilespmem:$0x19E80] =	vst v63  }
0x152: {  	s31 =	sadd.s32 $0xED20, s8  }
0x153: {  	[tilespmem:s22], [sflag:$0x1] =	stream.indirect.gather [hbm4b:s7+s20], $0x80, s31, s20, $0xb8;
	[tilespmem:$0x19E80] =	vst v63  }
0x154: {  	s11 =	sadd.s32 $0xED40, s8  }
0x155: {  	[tilespmem:s23], [sflag:$0x1] =	stream.indirect.gather [hbm4b:s7+s20], $0x80, s11, s20, $0xb8;
	[tilespmem:$0x19E80] =	vst v63  }
0x156: {  	s8 =	sadd.s32 $0xED60, s8  }
0x157: {  	[tilespmem:s24], [sflag:$0x1] =	stream.indirect.gather [hbm4b:s7+s20], $0x80, s8, s20, $0xb8;
	[tilespmem:$0x19E80] =	vst v63  }
0x158: {  	_ =	swait.ge [sflag:s19], $0x1000  }
0x159: {  	[sflag:s19] =	ssyncset.done $0x0  }
0x15a: {  	[sflag:s19] =	ssyncadd.s32 $0xFFFFF000  }
0x15b: {  	_ =	swait.ge [sflag:s19], $0x1000  }
0x15c: {  	[sflag:s19] =	ssyncset.done $0x0  }
0x15d: {  	[sflag:s19] =	ssyncadd.s32 $0xFFFFF000  }
0x15e: {  	_ =	swait.ge [sflag:s19], $0x1000  }
0x15f: {  	[sflag:s19] =	ssyncset.done $0x0  }
0x160: {  	[sflag:s19] =	ssyncadd.s32 $0xFFFFF000  }
0x161: {  	_ =	swait.ge [sflag:s19], $0x1000  }
0x162: {  	[sflag:s19] =	ssyncset.done $0x0  }
0x163: {  	s30 =	simm.s32 $0x13EC0;
	[sflag:s19] =	ssyncadd.s32 $0xFFFFF000  }
0x164: {  	v7 =	vld [tilespmem:s30+$0x30]  }
0x165: {  	v10 =	vld [tilespmem:s30+$0x10]  }
0x166: {  	s31 =	sadd.s32 $0x0, s29;
	v8 =	vld [tilespmem:s30+$0xFFFFFFC0]  }
0x167: {  	v4 =	vld.msk [tilespmem:s31+$0x0 ss:$0x0], $0xffff  }
0x168: {  	v12 =	vld [tilespmem:s30+$0xFFFFFFE0]  }
0x169: {  	v3 =	vld [tilespmem:s30+$0xFFFFFFF0]  }
0x16a: {  	v5 =	vld [tilespmem:s30+$0x20]  }
0x16b: {  	v6 =	vld [tilespmem:s30+$0xFFFFFFD0]  }
0x16c: {  	v11 =	vmul.f32 v7, v4;
	v7 =	vld [tilespmem:s30+$0x0]  }
0x16d: {  	v9 =	vmul.f32 v4, v8  }
0x16e: {  	s9 =	simm.s32 $0x13EC0;
	s8 =	simm.s32 $0x4;
	v8 =	vmul.f32 v12, v4;
	v10 =	vmul.f32 v10, v4  }
.LBB2_17:
0x16f: {  	p1 =	sne.s32 s8, $0x1FC  }
0x170: {  	v6 =	vmul.f32 v6, v4;
	v5 =	vmul.f32 v5, v4;
	[tilespmem:s30+$0x30] =	vst v11;
	s9 =	sadd.s32 $0x80, s9;
	s11 =	smov.u32 s8;
	s8 =	sadd.s32 $0x4, s8  }
0x171: {  	[tilespmem:s30+$0xFFFFFFC0] =	vst v9;
	v9 =	vmul.f32 v3, v4;
	v4 =	vmul.f32 v7, v4  }
0x172: {  	[tilespmem:s30+$0x10] =	vst v10  }
0x173: {  	[tilespmem:s30+$0xFFFFFFE0] =	vst v8  }
0x174: {  	v3 =	vld [tilespmem:s9+$0xFFFFFFF0];
	[tilespmem:s30+$0xFFFFFFF0] =	vst v9  }
0x175: {  	v8 =	vld [tilespmem:s9+$0x30];
	[tilespmem:s30+$0x0] =	vst v4  }
0x176: {  	s11 =	sshra.s32 s11, $0x2;
	v10 =	vld [tilespmem:s9+$0x10];
	[tilespmem:s30+$0x20] =	vst v5  }
0x177: {  	s11 =	sadd.s32 s11, s29;
	v9 =	vld [tilespmem:s9+$0xFFFFFFC0];
	[tilespmem:s30+$0xFFFFFFD0] =	vst v6;
	s30 =	smov.u32 s9  }
0x178: {  	v4 =	vld.msk [tilespmem:s11+$0x0 ss:$0x0], $0xffff  }
0x179: {  	v12 =	vld [tilespmem:s9+$0xFFFFFFE0]  }
0x17a: {  	v5 =	vld [tilespmem:s9+$0x20]  }
.Ltmp12:
0x17b: {  	v6 =	vld [tilespmem:s9+$0xFFFFFFD0];
	(pc) =	sbr.rel @p1 .LBB2_17-.Ltmp12, $3  }
0x17c: {  	v7 =	vld [tilespmem:s9+$0x0];
	_ =	sdelay $0x1  }
0x17d: {  	v9 =	vmul.f32 v4, v9;
	v11 =	vmul.f32 v8, v4  }
0x17e: {  	v10 =	vmul.f32 v10, v4;
	v8 =	vmul.f32 v12, v4  }
0x17f: {  	[tilespmem:s30+$0x30] =	vst v11  }
0x180: {  	[tilespmem:s30+$0xFFFFFFC0] =	vst v9  }
0x181: {  	v3 =	vmul.f32 v3, v4;
	[tilespmem:s30+$0x10] =	vst v10  }
0x182: {  	v5 =	vmul.f32 v5, v4;
	[tilespmem:s30+$0xFFFFFFE0] =	vst v8  }
0x183: {  	v7 =	vmul.f32 v7, v4;
	[tilespmem:s30+$0xFFFFFFF0] =	vst v3  }
0x184: {  	v3 =	vmul.f32 v6, v4;
	[tilespmem:s30+$0x20] =	vst v5  }
0x185: {  	s1 =	sadd.s32 $0x1, s1;
	[tilespmem:s30+$0x0] =	vst v7  }
0x186: {  	p1 =	sne.s32 s1, s0;
	[tilespmem:s30+$0xFFFFFFD0] =	vst v3  }
0x187: {  	[spmem:s2] =	stream.indirect.scatter.add.f32 [tilespmem:s21], [sflag:$0x2], $0x80, s26, s25, $0xb8;
	[tilespmem:$0x19E80] =	vst v63  }
.Ltmp13:
0x188: {  	_ = 	snop;
	(pc) =	sbr.rel @p1 .LBB2_16-.Ltmp13, $4  }
.Ltmp14:
0x189: {  	_ = 	snop;
	(pc) =	sbr.rel @!p1 .LBB2_19-.Ltmp14, $4  }
0x18a: {  	_ =	swait.ge [sflag:s13], $0x4000  }
0x18b: {  	[sflag:s13] =	ssyncset.done $0x0  }
0x18c: {  	s29 =	sadd.s32 $0x80, s29;
	[sflag:s13] =	ssyncadd.s32 $0xFFFFC000  }
0x18d: {  	_ = 	snop  }
.LBB2_20:
0x18e: {  	_ =	sfence.sel $0x180000  }
0x18f: {  	[bflag:$0x0] =	sbarrier.arrive $0xFFFF  }
0x190: {  	_ =	strace $0x90000047  }
0x191: {  	[bflag:$0x2] =	sbarrier.arrive $0xFFFF  }
0x192: {  	s0 =	rddreg [dreg:$0x3]  }
0x193: {  	s0 =	sadd.s32 @!p0 $0x100000, s0  }
0x194: {  	[sflag:s0] =	ssyncadd.tile.s32 @!p0 $0x1;
	_ =	shalt  }
.Lfunc_end2:
_tile_overlayer_lowered:
.L_overlay_start_2:
0x195: {  	(tag) =	ssettag $0x2  }
0x196: {  	s0 =	rddreg [dreg:$0x0];
	s2 =	stileid.u32  }
0x197: {  	s1 =	rddreg [dreg:$0x1];
	p0 =	sne.s32 s2, $0x0  }
0x198: {  	s3 =	rddreg [dreg:$0x2];
	[bflag:$0x3] =	sbarrier.arrive $0xFFFF;
	s2 =	simm.s32 @!p0 $0x1C02  }
0x199: {  	[timem:s3], [sflag:s2] =	dma.local @!p0 [hbm:s0], s1  }
0x19a: {  	s0 =	simm.s32 @!p0 $0x2  }
0x19b: {  	_ =	swait.ge @!p0 [sflag:s0], s1  }
0x19c: {  	s1 =	ssub.s32 @!p0 $0x0, s1;
	[sflag:s0] =	ssyncset.done @!p0 $0x0  }
0x19d: {  	[sflag:s0] =	ssyncadd.s32 @!p0 s1  }
0x19e: {  	[bflag:$0x3] =	sbarrier.arrive $0xFFFF  }
0x19f: {  	_ =	shalt  }

</sc_bundles>
